<compile_context>
chip_gen: v7x
topology: tpu7x:2x2x1
jax: 0.10.2.dev20260603
libtpu: 0.0.44.dev20260713+nightly
codegen_flags: <defaults>
</compile_context>

<pallas_src>
import functools

import jax
import jax.numpy as jnp
from jax import lax
from jax.experimental import pallas as pl
from jax.experimental.pallas import tpu as pltpu
from jax.experimental.pallas import tpu_sc as plsc

C = 32
D = H = W = 96
DHW = D * H * W
N = 1048576
NW = 32
PPW = N // NW
B = 128
NCHUNK = PPW // B
LANES = 16
NGRP = B // LANES


def _interp_kernel(cz, cy, cx, table):
    mesh = plsc.VectorSubcoreMesh(core_axis_name="c", subcore_axis_name="s")

    @functools.partial(
        pl.kernel,
        out_type=jax.ShapeDtypeStruct((N, C), jnp.float32),
        mesh=mesh,
        compiler_params=pltpu.CompilerParams(
            needs_layout_passes=False, use_tc_tiling_on_sc=False
        ),
        scratch_types=(
            [pltpu.VMEM((B,), jnp.float32) for _ in range(3)]
            + [pltpu.VMEM((B,), jnp.float32) for _ in range(3)]
            + [pltpu.VMEM((B,), jnp.int32) for _ in range(8)]
            + [pltpu.VMEM((B, C), jnp.float32) for _ in range(8)]
            + [
                pltpu.VMEM((B, C), jnp.float32),
                pltpu.SemaphoreType.DMA,
            ]
        ),
    )
    def body(cz_hbm, cy_hbm, cx_hbm, table_hbm, out_hbm, *scratch):
        czv, cyv, cxv = scratch[0:3]
        wzv, wyv, wxv = scratch[3:6]
        idx = scratch[6:14]
        corners = scratch[14:22]
        obuf = scratch[22]
        sem = scratch[23]

        wid = lax.axis_index("s") * 2 + lax.axis_index("c")
        lanes = lax.iota(jnp.int32, LANES)

        def chunk_body(ch, _):
            pbase = wid * PPW + ch * B
            pltpu.sync_copy(cz_hbm.at[pl.ds(pbase, B)], czv)
            pltpu.sync_copy(cy_hbm.at[pl.ds(pbase, B)], cyv)
            pltpu.sync_copy(cx_hbm.at[pl.ds(pbase, B)], cxv)

            def build(g, _):
                s = g * LANES
                zs = jnp.clip(czv[pl.ds(s, LANES)] * D - 0.5, 0.0, D - 1.0)
                ys = jnp.clip(cyv[pl.ds(s, LANES)] * H - 0.5, 0.0, H - 1.0)
                xs = jnp.clip(cxv[pl.ds(s, LANES)] * W - 0.5, 0.0, W - 1.0)
                z0 = zs.astype(jnp.int32)
                y0 = ys.astype(jnp.int32)
                x0 = xs.astype(jnp.int32)
                wzv[pl.ds(s, LANES)] = zs - z0.astype(jnp.float32)
                wyv[pl.ds(s, LANES)] = ys - y0.astype(jnp.float32)
                wxv[pl.ds(s, LANES)] = xs - x0.astype(jnp.float32)
                dz = jnp.where(z0 < D - 1, H * W, 0)
                dy = jnp.where(y0 < H - 1, W, 0)
                dx = jnp.where(x0 < W - 1, 1, 0)
                base = z0 * (H * W) + y0 * W + x0
                for c in range(8):
                    off = base
                    if c & 4:
                        off = off + dz
                    if c & 2:
                        off = off + dy
                    if c & 1:
                        off = off + dx
                    idx[c][pl.ds(s, LANES)] = off
                return 0

            lax.fori_loop(0, NGRP, build, 0, unroll=2)

            copies = [
                pltpu.async_copy(table_hbm.at[idx[c]], corners[c], sem)
                for c in range(8)
            ]
            for cp in copies:
                cp.wait()

            def combine(g, _):
                s = g * LANES
                pt = s + lanes
                wz = wzv[pl.ds(s, LANES)]
                wy = wyv[pl.ds(s, LANES)]
                wx = wxv[pl.ds(s, LANES)]
                uz = 1.0 - wz
                uy = 1.0 - wy
                ux = 1.0 - wx
                wzy = [uz * uy, uz * wy, wz * uy, wz * wy]
                ws = []
                for c in range(8):
                    ws.append(wzy[c >> 1] * (wx if c & 1 else ux))
                for k in range(C):
                    kv = jnp.full((LANES,), k, jnp.int32)
                    acc = ws[0] * plsc.load_gather(corners[0], [pt, kv])
                    for c in range(1, 8):
                        acc = acc + ws[c] * plsc.load_gather(corners[c], [pt, kv])
                    plsc.store_scatter(obuf, [pt, kv], acc)
                return 0

            lax.fori_loop(0, NGRP, combine, 0)
            pltpu.sync_copy(obuf, out_hbm.at[pl.ds(pbase, B)])
            return 0

        lax.fori_loop(0, NCHUNK, chunk_body, 0)

    return body(cz, cy, cx, table)


def kernel(coordinates, grid):
    coords = coordinates[0]
    cz = coords[:, 0]
    cy = coords[:, 1]
    cx = coords[:, 2]
    table = jnp.transpose(grid[0].reshape(C, DHW))
    out = _interp_kernel(cz, cy, cx, table)
    return (out,)

# --- scband reference (transcript-rebuilt; emitter-appended) ---
"""Pipeline reference for scband-dense-volume-interpolator-78005196030105 (READ-ONLY COPY).

The authoritative reference and input builder live on the scoring server;
editing this copy changes nothing except your own understanding.
"""

import jax, jax.numpy as jnp
import numpy as np

MIN_COORD = 0.0
MAX_COORD = 1.0


def _interp_one(grid, coord):
    # grid: [C, D, H, W], coord: [N, 3] in (d, h, w) order (permuted to (x,y,z)=(W,H,D) like torch code)
    C, D, H, W = grid.shape
    p = (coord - MIN_COORD) / (MAX_COORD - MIN_COORD) * 2.0 - 1.0
    # grid_sample align_corners=False unnormalization, padding_mode='border' clips coords
    x = jnp.clip(((p[:, 2] + 1.0) * W - 1.0) / 2.0, 0.0, W - 1.0)
    y = jnp.clip(((p[:, 1] + 1.0) * H - 1.0) / 2.0, 0.0, H - 1.0)
    z = jnp.clip(((p[:, 0] + 1.0) * D - 1.0) / 2.0, 0.0, D - 1.0)
    x0 = jnp.floor(x); y0 = jnp.floor(y); z0 = jnp.floor(z)
    x0i = x0.astype(jnp.int32); x1i = jnp.clip(x0i + 1, 0, W - 1)
    y0i = y0.astype(jnp.int32); y1i = jnp.clip(y0i + 1, 0, H - 1)
    z0i = z0.astype(jnp.int32); z1i = jnp.clip(z0i + 1, 0, D - 1)
    wx = x - x0; wy = y - y0; wz = z - z0

    def g(zi, yi, xi):
        return grid[:, zi, yi, xi]  # gather -> [C, N]

    c000 = g(z0i, y0i, x0i); c001 = g(z0i, y0i, x1i)
    c010 = g(z0i, y1i, x0i); c011 = g(z0i, y1i, x1i)
    c100 = g(z1i, y0i, x0i); c101 = g(z1i, y0i, x1i)
    c110 = g(z1i, y1i, x0i); c111 = g(z1i, y1i, x1i)
    out = (c000 * (1 - wx) * (1 - wy) * (1 - wz)
           + c001 * wx * (1 - wy) * (1 - wz)
           + c010 * (1 - wx) * wy * (1 - wz)
           + c011 * wx * wy * (1 - wz)
           + c100 * (1 - wx) * (1 - wy) * wz
           + c101 * wx * (1 - wy) * wz
           + c110 * (1 - wx) * wy * wz
           + c111 * wx * wy * wz)
    return out.T  # [N, C]


def setup_inputs(seed: int = 0) -> dict:
    key = jax.random.key(seed)
    k1, k2 = jax.random.split(key)
    coordinates = jax.random.uniform(k1, (1, 1048576, 3), dtype=jnp.float32)
    grid = jax.random.normal(k2, (1, 32, 96, 96, 96), dtype=jnp.float32)
    return {"coordinates": coordinates, "grid": grid}


def reference(coordinates, grid):
    # Original forward zips list of coords with list of grids; here L=1 stacked along dim 0.
    return tuple(_interp_one(grid[i], coordinates[i]) for i in range(grid.shape[0]))

if __name__ == "__main__":
    import jax
    _d = setup_inputs()
    print(jax.jit(kernel)(*tuple(_d.values())))

</pallas_src>

<mosaic_0001>
#map = affine_map<(d0, d1) -> (0)>
#map1 = affine_map<(d0, d1) -> (0, 0)>
module attributes {stable_mosaic.version = 14 : i64} {
  func.func @body(%arg0: i32, %arg1: i32, %arg2: memref<1048576xf32, #tpu.memory_space<hbm>>, %arg3: memref<1048576xf32, #tpu.memory_space<hbm>>, %arg4: memref<1048576xf32, #tpu.memory_space<hbm>>, %arg5: memref<884736x32xf32, #tpu.memory_space<hbm>>, %arg6: memref<1048576x32xf32, #tpu.memory_space<hbm>>, %arg7: memref<128xf32, #tpu.memory_space<vmem>>, %arg8: memref<128xf32, #tpu.memory_space<vmem>>, %arg9: memref<128xf32, #tpu.memory_space<vmem>>, %arg10: memref<128xf32, #tpu.memory_space<vmem>>, %arg11: memref<128xf32, #tpu.memory_space<vmem>>, %arg12: memref<128xf32, #tpu.memory_space<vmem>>, %arg13: memref<128xi32, #tpu.memory_space<vmem>>, %arg14: memref<128xi32, #tpu.memory_space<vmem>>, %arg15: memref<128xi32, #tpu.memory_space<vmem>>, %arg16: memref<128xi32, #tpu.memory_space<vmem>>, %arg17: memref<128xi32, #tpu.memory_space<vmem>>, %arg18: memref<128xi32, #tpu.memory_space<vmem>>, %arg19: memref<128xi32, #tpu.memory_space<vmem>>, %arg20: memref<128xi32, #tpu.memory_space<vmem>>, %arg21: memref<128x32xf32, #tpu.memory_space<vmem>>, %arg22: memref<128x32xf32, #tpu.memory_space<vmem>>, %arg23: memref<128x32xf32, #tpu.memory_space<vmem>>, %arg24: memref<128x32xf32, #tpu.memory_space<vmem>>, %arg25: memref<128x32xf32, #tpu.memory_space<vmem>>, %arg26: memref<128x32xf32, #tpu.memory_space<vmem>>, %arg27: memref<128x32xf32, #tpu.memory_space<vmem>>, %arg28: memref<128x32xf32, #tpu.memory_space<vmem>>, %arg29: memref<128x32xf32, #tpu.memory_space<vmem>>, %arg30: memref<!tpu.dma_semaphore, #tpu.memory_space<semaphore_mem>>) attributes {dimension_semantics = [#tpu.dimension_semantics<core_parallel>, #tpu.dimension_semantics<subcore_parallel>], iteration_bounds = array<i64: 2, 16>, scalar_prefetch = 0 : i64, scratch_operands = 24 : i64, tpu.core_type = #tpu.core_type<sc_vector_subcore>, window_params = [{transform_indices = #map}, {transform_indices = #map}, {transform_indices = #map}, {transform_indices = #map1}, {transform_indices = #map1}]} {
    %mul3A = arith.constant 2 : i32
    %mul3A_0 = arith.muli %arg1, %mul3A : i32
    %add3A = arith.addi %mul3A_0, %arg0 : i32
    %iota3A = tpu.iota {dimensions = array<i32: 0>} : vector<16xi32>
    %scan3A = arith.constant 0 : i32
    %scan3A_1 = arith.constant 0 : i32
    %scan3A_2 = arith.constant 256 : i32
    %scan3A_3 = arith.addi %scan3A_1, %scan3A_2 : i32
    %scan3A_4 = arith.constant 1 : i32
    %scan3A_5 = scf.for %scan3A_7 = %scan3A_1 to %scan3A_3 step %scan3A_4 iter_args(%scan3A_8 = %scan3A) -> (i32)  : i32 {
      %mul3A_9 = arith.constant 32768 : i32
      %mul3A_10 = arith.muli %add3A, %mul3A_9 : i32
      %mul3A_11 = arith.constant 128 : i32
      %mul3A_12 = arith.muli %scan3A_7, %mul3A_11 : i32
      %add3A_13 = arith.addi %mul3A_10, %mul3A_12 : i32
      "tpu.region"() ({
        %run_scoped3A = tpu.sem_alloc : memref<!tpu.dma_semaphore, #tpu.memory_space<semaphore_mem>>
        %dma_start3A_75 = tpu.memref_slice %arg2[%add3A_13] : memref<1048576xf32, #tpu.memory_space<hbm>> -> memref<128xf32, #tpu.memory_space<hbm>>
        %dma_start3A_76 = tpu.memref_slice %arg2[%add3A_13] : memref<1048576xf32, #tpu.memory_space<hbm>> -> memref<128xf32, #tpu.memory_space<hbm>>
        tpu.enqueue_dma source(%dma_start3A_76 : memref<128xf32, #tpu.memory_space<hbm>>) target(%arg7 : memref<128xf32, #tpu.memory_space<vmem>>) target_semaphore(%run_scoped3A : memref<!tpu.dma_semaphore, #tpu.memory_space<semaphore_mem>>)
        %dma_wait3A_77 = tpu.memref_slice %arg2[%add3A_13] : memref<1048576xf32, #tpu.memory_space<hbm>> -> memref<128xf32, #tpu.memory_space<hbm>>
        %dma_wait3A_78 = tpu.memref_slice %arg2[%add3A_13] : memref<1048576xf32, #tpu.memory_space<hbm>> -> memref<128xf32, #tpu.memory_space<hbm>>
        tpu.wait_dma2 semaphore(%run_scoped3A : memref<!tpu.dma_semaphore, #tpu.memory_space<semaphore_mem>>) src(%dma_wait3A_78 : memref<128xf32, #tpu.memory_space<hbm>>) dst(%arg7 : memref<128xf32, #tpu.memory_space<vmem>>)
        tpu.yield
      }) : () -> ()
      "tpu.region"() ({
        %run_scoped3A = tpu.sem_alloc : memref<!tpu.dma_semaphore, #tpu.memory_space<semaphore_mem>>
        %dma_start3A_75 = tpu.memref_slice %arg3[%add3A_13] : memref<1048576xf32, #tpu.memory_space<hbm>> -> memref<128xf32, #tpu.memory_space<hbm>>
        %dma_start3A_76 = tpu.memref_slice %arg3[%add3A_13] : memref<1048576xf32, #tpu.memory_space<hbm>> -> memref<128xf32, #tpu.memory_space<hbm>>
        tpu.enqueue_dma source(%dma_start3A_76 : memref<128xf32, #tpu.memory_space<hbm>>) target(%arg8 : memref<128xf32, #tpu.memory_space<vmem>>) target_semaphore(%run_scoped3A : memref<!tpu.dma_semaphore, #tpu.memory_space<semaphore_mem>>)
        %dma_wait3A_77 = tpu.memref_slice %arg3[%add3A_13] : memref<1048576xf32, #tpu.memory_space<hbm>> -> memref<128xf32, #tpu.memory_space<hbm>>
        %dma_wait3A_78 = tpu.memref_slice %arg3[%add3A_13] : memref<1048576xf32, #tpu.memory_space<hbm>> -> memref<128xf32, #tpu.memory_space<hbm>>
        tpu.wait_dma2 semaphore(%run_scoped3A : memref<!tpu.dma_semaphore, #tpu.memory_space<semaphore_mem>>) src(%dma_wait3A_78 : memref<128xf32, #tpu.memory_space<hbm>>) dst(%arg8 : memref<128xf32, #tpu.memory_space<vmem>>)
        tpu.yield
      }) : () -> ()
      "tpu.region"() ({
        %run_scoped3A = tpu.sem_alloc : memref<!tpu.dma_semaphore, #tpu.memory_space<semaphore_mem>>
        %dma_start3A_75 = tpu.memref_slice %arg4[%add3A_13] : memref<1048576xf32, #tpu.memory_space<hbm>> -> memref<128xf32, #tpu.memory_space<hbm>>
        %dma_start3A_76 = tpu.memref_slice %arg4[%add3A_13] : memref<1048576xf32, #tpu.memory_space<hbm>> -> memref<128xf32, #tpu.memory_space<hbm>>
        tpu.enqueue_dma source(%dma_start3A_76 : memref<128xf32, #tpu.memory_space<hbm>>) target(%arg9 : memref<128xf32, #tpu.memory_space<vmem>>) target_semaphore(%run_scoped3A : memref<!tpu.dma_semaphore, #tpu.memory_space<semaphore_mem>>)
        %dma_wait3A_77 = tpu.memref_slice %arg4[%add3A_13] : memref<1048576xf32, #tpu.memory_space<hbm>> -> memref<128xf32, #tpu.memory_space<hbm>>
        %dma_wait3A_78 = tpu.memref_slice %arg4[%add3A_13] : memref<1048576xf32, #tpu.memory_space<hbm>> -> memref<128xf32, #tpu.memory_space<hbm>>
        tpu.wait_dma2 semaphore(%run_scoped3A : memref<!tpu.dma_semaphore, #tpu.memory_space<semaphore_mem>>) src(%dma_wait3A_78 : memref<128xf32, #tpu.memory_space<hbm>>) dst(%arg9 : memref<128xf32, #tpu.memory_space<vmem>>)
        tpu.yield
      }) : () -> ()
      %scan3A_14 = arith.constant 0 : i32
      %scan3A_15 = arith.constant 0 : i32
      %scan3A_16 = arith.constant 8 : i32
      %scan3A_17 = arith.addi %scan3A_15, %scan3A_16 : i32
      %scan3A_18 = arith.constant 2 : i32
      %scan3A_19 = scf.for %scan3A_75 = %scan3A_15 to %scan3A_17 step %scan3A_18 iter_args(%scan3A_76 = %scan3A_14) -> (i32)  : i32 {
        %mul3A_77 = arith.constant 16 : i32
        %mul3A_78 = arith.muli %scan3A_75, %mul3A_77 : i32
        %get3A = arith.index_cast %mul3A_78 : i32 to index
        %get3A_79 = tpu.vector_load %arg7[%get3A] {strides = array<i32>} : memref<128xf32, #tpu.memory_space<vmem>>, vector<16xf32>,
        %mul3A_80 = arith.constant 9.600000e+01 : f32
        %mul3A_81 = vector.broadcast %mul3A_80 : f32 to vector<16xf32>
        %mul3A_82 = arith.mulf %get3A_79, %mul3A_81 : vector<16xf32>
        %sub3A = arith.constant 5.000000e-01 : f32
        %sub3A_83 = vector.broadcast %sub3A : f32 to vector<16xf32>
        %sub3A_84 = arith.subf %mul3A_82, %sub3A_83 : vector<16xf32>
        %jit3A = arith.constant 0.000000e+00 : f32
        %jit3A_85 = arith.constant 9.500000e+01 : f32
        %max3A = vector.broadcast %jit3A : f32 to vector<16xf32>
        %max3A_86 = arith.maximumf %max3A, %sub3A_84 : vector<16xf32>
        %min3A = vector.broadcast %jit3A_85 : f32 to vector<16xf32>
        %min3A_87 = arith.minimumf %min3A, %max3A_86 : vector<16xf32>
        %get3A_88 = arith.index_cast %mul3A_78 : i32 to index
        %get3A_89 = tpu.vector_load %arg8[%get3A_88] {strides = array<i32>} : memref<128xf32, #tpu.memory_space<vmem>>, vector<16xf32>,
        %mul3A_90 = arith.constant 9.600000e+01 : f32
        %mul3A_91 = vector.broadcast %mul3A_90 : f32 to vector<16xf32>
        %mul3A_92 = arith.mulf %get3A_89, %mul3A_91 : vector<16xf32>
        %sub3A_93 = arith.constant 5.000000e-01 : f32
        %sub3A_94 = vector.broadcast %sub3A_93 : f32 to vector<16xf32>
        %sub3A_95 = arith.subf %mul3A_92, %sub3A_94 : vector<16xf32>
        %jit3A_96 = arith.constant 0.000000e+00 : f32
        %jit3A_97 = arith.constant 9.500000e+01 : f32
        %max3A_98 = vector.broadcast %jit3A_96 : f32 to vector<16xf32>
        %max3A_99 = arith.maximumf %max3A_98, %sub3A_95 : vector<16xf32>
        %min3A_100 = vector.broadcast %jit3A_97 : f32 to vector<16xf32>
        %min3A_101 = arith.minimumf %min3A_100, %max3A_99 : vector<16xf32>
        %get3A_102 = arith.index_cast %mul3A_78 : i32 to index
        %get3A_103 = tpu.vector_load %arg9[%get3A_102] {strides = array<i32>} : memref<128xf32, #tpu.memory_space<vmem>>, vector<16xf32>,
        %mul3A_104 = arith.constant 9.600000e+01 : f32
        %mul3A_105 = vector.broadcast %mul3A_104 : f32 to vector<16xf32>
        %mul3A_106 = arith.mulf %get3A_103, %mul3A_105 : vector<16xf32>
        %sub3A_107 = arith.constant 5.000000e-01 : f32
        %sub3A_108 = vector.broadcast %sub3A_107 : f32 to vector<16xf32>
        %sub3A_109 = arith.subf %mul3A_106, %sub3A_108 : vector<16xf32>
        %jit3A_110 = arith.constant 0.000000e+00 : f32
        %jit3A_111 = arith.constant 9.500000e+01 : f32
        %max3A_112 = vector.broadcast %jit3A_110 : f32 to vector<16xf32>
        %max3A_113 = arith.maximumf %max3A_112, %sub3A_109 : vector<16xf32>
        %min3A_114 = vector.broadcast %jit3A_111 : f32 to vector<16xf32>
        %min3A_115 = arith.minimumf %min3A_114, %max3A_113 : vector<16xf32>
        %convert_element_type3A = arith.fptosi %min3A_87 : vector<16xf32> to vector<16xi32>
        %convert_element_type3A_116 = arith.fptosi %min3A_101 : vector<16xf32> to vector<16xi32>
        %convert_element_type3A_117 = arith.fptosi %min3A_115 : vector<16xf32> to vector<16xi32>
        %convert_element_type3A_118 = arith.sitofp %convert_element_type3A : vector<16xi32> to vector<16xf32>
        %sub3A_119 = arith.subf %min3A_87, %convert_element_type3A_118 : vector<16xf32>
        %swap3A = arith.index_cast %mul3A_78 : i32 to index
        %swap3A_120 = tpu.vector_load %arg10[%swap3A] {strides = array<i32>} : memref<128xf32, #tpu.memory_space<vmem>>, vector<16xf32>,
        tpu.vector_store %arg10[%swap3A], %sub3A_119 {strides = array<i32>} : memref<128xf32, #tpu.memory_space<vmem>>, vector<16xf32>,
        %convert_element_type3A_121 = arith.sitofp %convert_element_type3A_116 : vector<16xi32> to vector<16xf32>
        %sub3A_122 = arith.subf %min3A_101, %convert_element_type3A_121 : vector<16xf32>
        %swap3A_123 = arith.index_cast %mul3A_78 : i32 to index
        %swap3A_124 = tpu.vector_load %arg11[%swap3A_123] {strides = array<i32>} : memref<128xf32, #tpu.memory_space<vmem>>, vector<16xf32>,
        tpu.vector_store %arg11[%swap3A_123], %sub3A_122 {strides = array<i32>} : memref<128xf32, #tpu.memory_space<vmem>>, vector<16xf32>,
        %convert_element_type3A_125 = arith.sitofp %convert_element_type3A_117 : vector<16xi32> to vector<16xf32>
        %sub3A_126 = arith.subf %min3A_115, %convert_element_type3A_125 : vector<16xf32>
        %swap3A_127 = arith.index_cast %mul3A_78 : i32 to index
        %swap3A_128 = tpu.vector_load %arg12[%swap3A_127] {strides = array<i32>} : memref<128xf32, #tpu.memory_space<vmem>>, vector<16xf32>,
        tpu.vector_store %arg12[%swap3A_127], %sub3A_126 {strides = array<i32>} : memref<128xf32, #tpu.memory_space<vmem>>, vector<16xf32>,
        %lt3A = arith.constant 95 : i32
        %lt3A_129 = vector.broadcast %lt3A : i32 to vector<16xi32>
        %lt3A_130 = arith.cmpi slt, %convert_element_type3A, %lt3A_129 : vector<16xi32>
        %jit3A_131 = arith.constant 9216 : i32
        %jit3A_132 = arith.constant 0 : i32
        %broadcast_in_dim3A = vector.broadcast %jit3A_131 : i32 to vector<16xi32>
        %broadcast_in_dim3A_133 = vector.broadcast %jit3A_132 : i32 to vector<16xi32>
        %select_n3A = arith.select %lt3A_130, %broadcast_in_dim3A, %broadcast_in_dim3A_133 : vector<16xi1>, vector<16xi32>
        %lt3A_134 = arith.constant 95 : i32
        %lt3A_135 = vector.broadcast %lt3A_134 : i32 to vector<16xi32>
        %lt3A_136 = arith.cmpi slt, %convert_element_type3A_116, %lt3A_135 : vector<16xi32>
        %jit3A_137 = arith.constant 96 : i32
        %jit3A_138 = arith.constant 0 : i32
        %broadcast_in_dim3A_139 = vector.broadcast %jit3A_137 : i32 to vector<16xi32>
        %broadcast_in_dim3A_140 = vector.broadcast %jit3A_138 : i32 to vector<16xi32>
        %select_n3A_141 = arith.select %lt3A_136, %broadcast_in_dim3A_139, %broadcast_in_dim3A_140 : vector<16xi1>, vector<16xi32>
        %lt3A_142 = arith.constant 95 : i32
        %lt3A_143 = vector.broadcast %lt3A_142 : i32 to vector<16xi32>
        %lt3A_144 = arith.cmpi slt, %convert_element_type3A_117, %lt3A_143 : vector<16xi32>
        %jit3A_145 = arith.constant 1 : i32
        %jit3A_146 = arith.constant 0 : i32
        %broadcast_in_dim3A_147 = vector.broadcast %jit3A_145 : i32 to vector<16xi32>
        %broadcast_in_dim3A_148 = vector.broadcast %jit3A_146 : i32 to vector<16xi32>
        %select_n3A_149 = arith.select %lt3A_144, %broadcast_in_dim3A_147, %broadcast_in_dim3A_148 : vector<16xi1>, vector<16xi32>
        %mul3A_150 = arith.constant 9216 : i32
        %mul3A_151 = vector.broadcast %mul3A_150 : i32 to vector<16xi32>
        %mul3A_152 = arith.muli %convert_element_type3A, %mul3A_151 : vector<16xi32>
        %mul3A_153 = arith.constant 96 : i32
        %mul3A_154 = vector.broadcast %mul3A_153 : i32 to vector<16xi32>
        %mul3A_155 = arith.muli %convert_element_type3A_116, %mul3A_154 : vector<16xi32>
        %add3A_156 = arith.addi %mul3A_152, %mul3A_155 : vector<16xi32>
        %add3A_157 = arith.addi %add3A_156, %convert_element_type3A_117 : vector<16xi32>
        %swap3A_158 = arith.index_cast %mul3A_78 : i32 to index
        %swap3A_159 = tpu.vector_load %arg13[%swap3A_158] {strides = array<i32>} : memref<128xi32, #tpu.memory_space<vmem>>, vector<16xi32>,
        tpu.vector_store %arg13[%swap3A_158], %add3A_157 {strides = array<i32>} : memref<128xi32, #tpu.memory_space<vmem>>, vector<16xi32>,
        %add3A_160 = arith.addi %add3A_157, %select_n3A_149 : vector<16xi32>
        %swap3A_161 = arith.index_cast %mul3A_78 : i32 to index
        %swap3A_162 = tpu.vector_load %arg14[%swap3A_161] {strides = array<i32>} : memref<128xi32, #tpu.memory_space<vmem>>, vector<16xi32>,
        tpu.vector_store %arg14[%swap3A_161], %add3A_160 {strides = array<i32>} : memref<128xi32, #tpu.memory_space<vmem>>, vector<16xi32>,
        %add3A_163 = arith.addi %add3A_157, %select_n3A_141 : vector<16xi32>
        %swap3A_164 = arith.index_cast %mul3A_78 : i32 to index
        %swap3A_165 = tpu.vector_load %arg15[%swap3A_164] {strides = array<i32>} : memref<128xi32, #tpu.memory_space<vmem>>, vector<16xi32>,
        tpu.vector_store %arg15[%swap3A_164], %add3A_163 {strides = array<i32>} : memref<128xi32, #tpu.memory_space<vmem>>, vector<16xi32>,
        %add3A_166 = arith.addi %add3A_157, %select_n3A_141 : vector<16xi32>
        %add3A_167 = arith.addi %add3A_166, %select_n3A_149 : vector<16xi32>
        %swap3A_168 = arith.index_cast %mul3A_78 : i32 to index
        %swap3A_169 = tpu.vector_load %arg16[%swap3A_168] {strides = array<i32>} : memref<128xi32, #tpu.memory_space<vmem>>, vector<16xi32>,
        tpu.vector_store %arg16[%swap3A_168], %add3A_167 {strides = array<i32>} : memref<128xi32, #tpu.memory_space<vmem>>, vector<16xi32>,
        %add3A_170 = arith.addi %add3A_157, %select_n3A : vector<16xi32>
        %swap3A_171 = arith.index_cast %mul3A_78 : i32 to index
        %swap3A_172 = tpu.vector_load %arg17[%swap3A_171] {strides = array<i32>} : memref<128xi32, #tpu.memory_space<vmem>>, vector<16xi32>,
        tpu.vector_store %arg17[%swap3A_171], %add3A_170 {strides = array<i32>} : memref<128xi32, #tpu.memory_space<vmem>>, vector<16xi32>,
        %add3A_173 = arith.addi %add3A_157, %select_n3A : vector<16xi32>
        %add3A_174 = arith.addi %add3A_173, %select_n3A_149 : vector<16xi32>
        %swap3A_175 = arith.index_cast %mul3A_78 : i32 to index
        %swap3A_176 = tpu.vector_load %arg18[%swap3A_175] {strides = array<i32>} : memref<128xi32, #tpu.memory_space<vmem>>, vector<16xi32>,
        tpu.vector_store %arg18[%swap3A_175], %add3A_174 {strides = array<i32>} : memref<128xi32, #tpu.memory_space<vmem>>, vector<16xi32>,
        %add3A_177 = arith.addi %add3A_157, %select_n3A : vector<16xi32>
        %add3A_178 = arith.addi %add3A_177, %select_n3A_141 : vector<16xi32>
        %swap3A_179 = arith.index_cast %mul3A_78 : i32 to index
        %swap3A_180 = tpu.vector_load %arg19[%swap3A_179] {strides = array<i32>} : memref<128xi32, #tpu.memory_space<vmem>>, vector<16xi32>,
        tpu.vector_store %arg19[%swap3A_179], %add3A_178 {strides = array<i32>} : memref<128xi32, #tpu.memory_space<vmem>>, vector<16xi32>,
        %add3A_181 = arith.addi %add3A_157, %select_n3A : vector<16xi32>
        %add3A_182 = arith.addi %add3A_181, %select_n3A_141 : vector<16xi32>
        %add3A_183 = arith.addi %add3A_182, %select_n3A_149 : vector<16xi32>
        %swap3A_184 = arith.index_cast %mul3A_78 : i32 to index
        %swap3A_185 = tpu.vector_load %arg20[%swap3A_184] {strides = array<i32>} : memref<128xi32, #tpu.memory_space<vmem>>, vector<16xi32>,
        tpu.vector_store %arg20[%swap3A_184], %add3A_183 {strides = array<i32>} : memref<128xi32, #tpu.memory_space<vmem>>, vector<16xi32>,
        %scan3A_186 = arith.constant 0 : i32
        %scan3A_187 = arith.constant 1 : i32
        %scan3A_188 = arith.addi %scan3A_75, %scan3A_187 : i32
        %mul3A_189 = arith.constant 16 : i32
        %mul3A_190 = arith.muli %scan3A_188, %mul3A_189 : i32
        %get3A_191 = arith.index_cast %mul3A_190 : i32 to index
        %get3A_192 = tpu.vector_load %arg7[%get3A_191] {strides = array<i32>} : memref<128xf32, #tpu.memory_space<vmem>>, vector<16xf32>,
        %mul3A_193 = arith.constant 9.600000e+01 : f32
        %mul3A_194 = vector.broadcast %mul3A_193 : f32 to vector<16xf32>
        %mul3A_195 = arith.mulf %get3A_192, %mul3A_194 : vector<16xf32>
        %sub3A_196 = arith.constant 5.000000e-01 : f32
        %sub3A_197 = vector.broadcast %sub3A_196 : f32 to vector<16xf32>
        %sub3A_198 = arith.subf %mul3A_195, %sub3A_197 : vector<16xf32>
        %jit3A_199 = arith.constant 0.000000e+00 : f32
        %jit3A_200 = arith.constant 9.500000e+01 : f32
        %max3A_201 = vector.broadcast %jit3A_199 : f32 to vector<16xf32>
        %max3A_202 = arith.maximumf %max3A_201, %sub3A_198 : vector<16xf32>
        %min3A_203 = vector.broadcast %jit3A_200 : f32 to vector<16xf32>
        %min3A_204 = arith.minimumf %min3A_203, %max3A_202 : vector<16xf32>
        %get3A_205 = arith.index_cast %mul3A_190 : i32 to index
        %get3A_206 = tpu.vector_load %arg8[%get3A_205] {strides = array<i32>} : memref<128xf32, #tpu.memory_space<vmem>>, vector<16xf32>,
        %mul3A_207 = arith.constant 9.600000e+01 : f32
        %mul3A_208 = vector.broadcast %mul3A_207 : f32 to vector<16xf32>
        %mul3A_209 = arith.mulf %get3A_206, %mul3A_208 : vector<16xf32>
        %sub3A_210 = arith.constant 5.000000e-01 : f32
        %sub3A_211 = vector.broadcast %sub3A_210 : f32 to vector<16xf32>
        %sub3A_212 = arith.subf %mul3A_209, %sub3A_211 : vector<16xf32>
        %jit3A_213 = arith.constant 0.000000e+00 : f32
        %jit3A_214 = arith.constant 9.500000e+01 : f32
        %max3A_215 = vector.broadcast %jit3A_213 : f32 to vector<16xf32>
        %max3A_216 = arith.maximumf %max3A_215, %sub3A_212 : vector<16xf32>
        %min3A_217 = vector.broadcast %jit3A_214 : f32 to vector<16xf32>
        %min3A_218 = arith.minimumf %min3A_217, %max3A_216 : vector<16xf32>
        %get3A_219 = arith.index_cast %mul3A_190 : i32 to index
        %get3A_220 = tpu.vector_load %arg9[%get3A_219] {strides = array<i32>} : memref<128xf32, #tpu.memory_space<vmem>>, vector<16xf32>,
        %mul3A_221 = arith.constant 9.600000e+01 : f32
        %mul3A_222 = vector.broadcast %mul3A_221 : f32 to vector<16xf32>
        %mul3A_223 = arith.mulf %get3A_220, %mul3A_222 : vector<16xf32>
        %sub3A_224 = arith.constant 5.000000e-01 : f32
        %sub3A_225 = vector.broadcast %sub3A_224 : f32 to vector<16xf32>
        %sub3A_226 = arith.subf %mul3A_223, %sub3A_225 : vector<16xf32>
        %jit3A_227 = arith.constant 0.000000e+00 : f32
        %jit3A_228 = arith.constant 9.500000e+01 : f32
        %max3A_229 = vector.broadcast %jit3A_227 : f32 to vector<16xf32>
        %max3A_230 = arith.maximumf %max3A_229, %sub3A_226 : vector<16xf32>
        %min3A_231 = vector.broadcast %jit3A_228 : f32 to vector<16xf32>
        %min3A_232 = arith.minimumf %min3A_231, %max3A_230 : vector<16xf32>
        %convert_element_type3A_233 = arith.fptosi %min3A_204 : vector<16xf32> to vector<16xi32>
        %convert_element_type3A_234 = arith.fptosi %min3A_218 : vector<16xf32> to vector<16xi32>
        %convert_element_type3A_235 = arith.fptosi %min3A_232 : vector<16xf32> to vector<16xi32>
        %convert_element_type3A_236 = arith.sitofp %convert_element_type3A_233 : vector<16xi32> to vector<16xf32>
        %sub3A_237 = arith.subf %min3A_204, %convert_element_type3A_236 : vector<16xf32>
        %swap3A_238 = arith.index_cast %mul3A_190 : i32 to index
        %swap3A_239 = tpu.vector_load %arg10[%swap3A_238] {strides = array<i32>} : memref<128xf32, #tpu.memory_space<vmem>>, vector<16xf32>,
        tpu.vector_store %arg10[%swap3A_238], %sub3A_237 {strides = array<i32>} : memref<128xf32, #tpu.memory_space<vmem>>, vector<16xf32>,
        %convert_element_type3A_240 = arith.sitofp %convert_element_type3A_234 : vector<16xi32> to vector<16xf32>
        %sub3A_241 = arith.subf %min3A_218, %convert_element_type3A_240 : vector<16xf32>
        %swap3A_242 = arith.index_cast %mul3A_190 : i32 to index
        %swap3A_243 = tpu.vector_load %arg11[%swap3A_242] {strides = array<i32>} : memref<128xf32, #tpu.memory_space<vmem>>, vector<16xf32>,
        tpu.vector_store %arg11[%swap3A_242], %sub3A_241 {strides = array<i32>} : memref<128xf32, #tpu.memory_space<vmem>>, vector<16xf32>,
        %convert_element_type3A_244 = arith.sitofp %convert_element_type3A_235 : vector<16xi32> to vector<16xf32>
        %sub3A_245 = arith.subf %min3A_232, %convert_element_type3A_244 : vector<16xf32>
        %swap3A_246 = arith.index_cast %mul3A_190 : i32 to index
        %swap3A_247 = tpu.vector_load %arg12[%swap3A_246] {strides = array<i32>} : memref<128xf32, #tpu.memory_space<vmem>>, vector<16xf32>,
        tpu.vector_store %arg12[%swap3A_246], %sub3A_245 {strides = array<i32>} : memref<128xf32, #tpu.memory_space<vmem>>, vector<16xf32>,
        %lt3A_248 = arith.constant 95 : i32
        %lt3A_249 = vector.broadcast %lt3A_248 : i32 to vector<16xi32>
        %lt3A_250 = arith.cmpi slt, %convert_element_type3A_233, %lt3A_249 : vector<16xi32>
        %jit3A_251 = arith.constant 9216 : i32
        %jit3A_252 = arith.constant 0 : i32
        %broadcast_in_dim3A_253 = vector.broadcast %jit3A_251 : i32 to vector<16xi32>
        %broadcast_in_dim3A_254 = vector.broadcast %jit3A_252 : i32 to vector<16xi32>
        %select_n3A_255 = arith.select %lt3A_250, %broadcast_in_dim3A_253, %broadcast_in_dim3A_254 : vector<16xi1>, vector<16xi32>
        %lt3A_256 = arith.constant 95 : i32
        %lt3A_257 = vector.broadcast %lt3A_256 : i32 to vector<16xi32>
        %lt3A_258 = arith.cmpi slt, %convert_element_type3A_234, %lt3A_257 : vector<16xi32>
        %jit3A_259 = arith.constant 96 : i32
        %jit3A_260 = arith.constant 0 : i32
        %broadcast_in_dim3A_261 = vector.broadcast %jit3A_259 : i32 to vector<16xi32>
        %broadcast_in_dim3A_262 = vector.broadcast %jit3A_260 : i32 to vector<16xi32>
        %select_n3A_263 = arith.select %lt3A_258, %broadcast_in_dim3A_261, %broadcast_in_dim3A_262 : vector<16xi1>, vector<16xi32>
        %lt3A_264 = arith.constant 95 : i32
        %lt3A_265 = vector.broadcast %lt3A_264 : i32 to vector<16xi32>
        %lt3A_266 = arith.cmpi slt, %convert_element_type3A_235, %lt3A_265 : vector<16xi32>
        %jit3A_267 = arith.constant 1 : i32
        %jit3A_268 = arith.constant 0 : i32
        %broadcast_in_dim3A_269 = vector.broadcast %jit3A_267 : i32 to vector<16xi32>
        %broadcast_in_dim3A_270 = vector.broadcast %jit3A_268 : i32 to vector<16xi32>
        %select_n3A_271 = arith.select %lt3A_266, %broadcast_in_dim3A_269, %broadcast_in_dim3A_270 : vector<16xi1>, vector<16xi32>
        %mul3A_272 = arith.constant 9216 : i32
        %mul3A_273 = vector.broadcast %mul3A_272 : i32 to vector<16xi32>
        %mul3A_274 = arith.muli %convert_element_type3A_233, %mul3A_273 : vector<16xi32>
        %mul3A_275 = arith.constant 96 : i32
        %mul3A_276 = vector.broadcast %mul3A_275 : i32 to vector<16xi32>
        %mul3A_277 = arith.muli %convert_element_type3A_234, %mul3A_276 : vector<16xi32>
        %add3A_278 = arith.addi %mul3A_274, %mul3A_277 : vector<16xi32>
        %add3A_279 = arith.addi %add3A_278, %convert_element_type3A_235 : vector<16xi32>
        %swap3A_280 = arith.index_cast %mul3A_190 : i32 to index
        %swap3A_281 = tpu.vector_load %arg13[%swap3A_280] {strides = array<i32>} : memref<128xi32, #tpu.memory_space<vmem>>, vector<16xi32>,
        tpu.vector_store %arg13[%swap3A_280], %add3A_279 {strides = array<i32>} : memref<128xi32, #tpu.memory_space<vmem>>, vector<16xi32>,
        %add3A_282 = arith.addi %add3A_279, %select_n3A_271 : vector<16xi32>
        %swap3A_283 = arith.index_cast %mul3A_190 : i32 to index
        %swap3A_284 = tpu.vector_load %arg14[%swap3A_283] {strides = array<i32>} : memref<128xi32, #tpu.memory_space<vmem>>, vector<16xi32>,
        tpu.vector_store %arg14[%swap3A_283], %add3A_282 {strides = array<i32>} : memref<128xi32, #tpu.memory_space<vmem>>, vector<16xi32>,
        %add3A_285 = arith.addi %add3A_279, %select_n3A_263 : vector<16xi32>
        %swap3A_286 = arith.index_cast %mul3A_190 : i32 to index
        %swap3A_287 = tpu.vector_load %arg15[%swap3A_286] {strides = array<i32>} : memref<128xi32, #tpu.memory_space<vmem>>, vector<16xi32>,
        tpu.vector_store %arg15[%swap3A_286], %add3A_285 {strides = array<i32>} : memref<128xi32, #tpu.memory_space<vmem>>, vector<16xi32>,
        %add3A_288 = arith.addi %add3A_279, %select_n3A_263 : vector<16xi32>
        %add3A_289 = arith.addi %add3A_288, %select_n3A_271 : vector<16xi32>
        %swap3A_290 = arith.index_cast %mul3A_190 : i32 to index
        %swap3A_291 = tpu.vector_load %arg16[%swap3A_290] {strides = array<i32>} : memref<128xi32, #tpu.memory_space<vmem>>, vector<16xi32>,
        tpu.vector_store %arg16[%swap3A_290], %add3A_289 {strides = array<i32>} : memref<128xi32, #tpu.memory_space<vmem>>, vector<16xi32>,
        %add3A_292 = arith.addi %add3A_279, %select_n3A_255 : vector<16xi32>
        %swap3A_293 = arith.index_cast %mul3A_190 : i32 to index
        %swap3A_294 = tpu.vector_load %arg17[%swap3A_293] {strides = array<i32>} : memref<128xi32, #tpu.memory_space<vmem>>, vector<16xi32>,
        tpu.vector_store %arg17[%swap3A_293], %add3A_292 {strides = array<i32>} : memref<128xi32, #tpu.memory_space<vmem>>, vector<16xi32>,
        %add3A_295 = arith.addi %add3A_279, %select_n3A_255 : vector<16xi32>
        %add3A_296 = arith.addi %add3A_295, %select_n3A_271 : vector<16xi32>
        %swap3A_297 = arith.index_cast %mul3A_190 : i32 to index
        %swap3A_298 = tpu.vector_load %arg18[%swap3A_297] {strides = array<i32>} : memref<128xi32, #tpu.memory_space<vmem>>, vector<16xi32>,
        tpu.vector_store %arg18[%swap3A_297], %add3A_296 {strides = array<i32>} : memref<128xi32, #tpu.memory_space<vmem>>, vector<16xi32>,
        %add3A_299 = arith.addi %add3A_279, %select_n3A_255 : vector<16xi32>
        %add3A_300 = arith.addi %add3A_299, %select_n3A_263 : vector<16xi32>
        %swap3A_301 = arith.index_cast %mul3A_190 : i32 to index
        %swap3A_302 = tpu.vector_load %arg19[%swap3A_301] {strides = array<i32>} : memref<128xi32, #tpu.memory_space<vmem>>, vector<16xi32>,
        tpu.vector_store %arg19[%swap3A_301], %add3A_300 {strides = array<i32>} : memref<128xi32, #tpu.memory_space<vmem>>, vector<16xi32>,
        %add3A_303 = arith.addi %add3A_279, %select_n3A_255 : vector<16xi32>
        %add3A_304 = arith.addi %add3A_303, %select_n3A_263 : vector<16xi32>
        %add3A_305 = arith.addi %add3A_304, %select_n3A_271 : vector<16xi32>
        %swap3A_306 = arith.index_cast %mul3A_190 : i32 to index
        %swap3A_307 = tpu.vector_load %arg20[%swap3A_306] {strides = array<i32>} : memref<128xi32, #tpu.memory_space<vmem>>, vector<16xi32>,
        tpu.vector_store %arg20[%swap3A_306], %add3A_305 {strides = array<i32>} : memref<128xi32, #tpu.memory_space<vmem>>, vector<16xi32>,
        %scan3A_308 = arith.constant 0 : i32
        scf.yield %scan3A_308 : i32
      }
      %scan3A_20 = arith.constant 8 : i32
      %dma_start3A = arith.constant 0 : i32
      %dma_start3A_21 = arith.constant 0 : i32
      %dma_start3A_22 = tpu.memref_slice %arg5[%dma_start3A, %dma_start3A_21] : memref<884736x32xf32, #tpu.memory_space<hbm>> -> memref<884736x32xf32, #tpu.memory_space<hbm>>
      tpu.enqueue_indirect_dma source(%dma_start3A_22 : memref<884736x32xf32, #tpu.memory_space<hbm>>) target(%arg21 : memref<128x32xf32, #tpu.memory_space<vmem>>) offsets(%arg13 : memref<128xi32, #tpu.memory_space<vmem>>) semaphore(%arg30 : memref<!tpu.dma_semaphore, #tpu.memory_space<semaphore_mem>>)
      %dma_start3A_23 = arith.constant 0 : i32
      %dma_start3A_24 = arith.constant 0 : i32
      %dma_start3A_25 = tpu.memref_slice %arg5[%dma_start3A_23, %dma_start3A_24] : memref<884736x32xf32, #tpu.memory_space<hbm>> -> memref<884736x32xf32, #tpu.memory_space<hbm>>
      tpu.enqueue_indirect_dma source(%dma_start3A_25 : memref<884736x32xf32, #tpu.memory_space<hbm>>) target(%arg22 : memref<128x32xf32, #tpu.memory_space<vmem>>) offsets(%arg14 : memref<128xi32, #tpu.memory_space<vmem>>) semaphore(%arg30 : memref<!tpu.dma_semaphore, #tpu.memory_space<semaphore_mem>>)
      %dma_start3A_26 = arith.constant 0 : i32
      %dma_start3A_27 = arith.constant 0 : i32
      %dma_start3A_28 = tpu.memref_slice %arg5[%dma_start3A_26, %dma_start3A_27] : memref<884736x32xf32, #tpu.memory_space<hbm>> -> memref<884736x32xf32, #tpu.memory_space<hbm>>
      tpu.enqueue_indirect_dma source(%dma_start3A_28 : memref<884736x32xf32, #tpu.memory_space<hbm>>) target(%arg23 : memref<128x32xf32, #tpu.memory_space<vmem>>) offsets(%arg15 : memref<128xi32, #tpu.memory_space<vmem>>) semaphore(%arg30 : memref<!tpu.dma_semaphore, #tpu.memory_space<semaphore_mem>>)
      %dma_start3A_29 = arith.constant 0 : i32
      %dma_start3A_30 = arith.constant 0 : i32
      %dma_start3A_31 = tpu.memref_slice %arg5[%dma_start3A_29, %dma_start3A_30] : memref<884736x32xf32, #tpu.memory_space<hbm>> -> memref<884736x32xf32, #tpu.memory_space<hbm>>
      tpu.enqueue_indirect_dma source(%dma_start3A_31 : memref<884736x32xf32, #tpu.memory_space<hbm>>) target(%arg24 : memref<128x32xf32, #tpu.memory_space<vmem>>) offsets(%arg16 : memref<128xi32, #tpu.memory_space<vmem>>) semaphore(%arg30 : memref<!tpu.dma_semaphore, #tpu.memory_space<semaphore_mem>>)
      %dma_start3A_32 = arith.constant 0 : i32
      %dma_start3A_33 = arith.constant 0 : i32
      %dma_start3A_34 = tpu.memref_slice %arg5[%dma_start3A_32, %dma_start3A_33] : memref<884736x32xf32, #tpu.memory_space<hbm>> -> memref<884736x32xf32, #tpu.memory_space<hbm>>
      tpu.enqueue_indirect_dma source(%dma_start3A_34 : memref<884736x32xf32, #tpu.memory_space<hbm>>) target(%arg25 : memref<128x32xf32, #tpu.memory_space<vmem>>) offsets(%arg17 : memref<128xi32, #tpu.memory_space<vmem>>) semaphore(%arg30 : memref<!tpu.dma_semaphore, #tpu.memory_space<semaphore_mem>>)
      %dma_start3A_35 = arith.constant 0 : i32
      %dma_start3A_36 = arith.constant 0 : i32
      %dma_start3A_37 = tpu.memref_slice %arg5[%dma_start3A_35, %dma_start3A_36] : memref<884736x32xf32, #tpu.memory_space<hbm>> -> memref<884736x32xf32, #tpu.memory_space<hbm>>
      tpu.enqueue_indirect_dma source(%dma_start3A_37 : memref<884736x32xf32, #tpu.memory_space<hbm>>) target(%arg26 : memref<128x32xf32, #tpu.memory_space<vmem>>) offsets(%arg18 : memref<128xi32, #tpu.memory_space<vmem>>) semaphore(%arg30 : memref<!tpu.dma_semaphore, #tpu.memory_space<semaphore_mem>>)
      %dma_start3A_38 = arith.constant 0 : i32
      %dma_start3A_39 = arith.constant 0 : i32
      %dma_start3A_40 = tpu.memref_slice %arg5[%dma_start3A_38, %dma_start3A_39] : memref<884736x32xf32, #tpu.memory_space<hbm>> -> memref<884736x32xf32, #tpu.memory_space<hbm>>
      tpu.enqueue_indirect_dma source(%dma_start3A_40 : memref<884736x32xf32, #tpu.memory_space<hbm>>) target(%arg27 : memref<128x32xf32, #tpu.memory_space<vmem>>) offsets(%arg19 : memref<128xi32, #tpu.memory_space<vmem>>) semaphore(%arg30 : memref<!tpu.dma_semaphore, #tpu.memory_space<semaphore_mem>>)
      %dma_start3A_41 = arith.constant 0 : i32
      %dma_start3A_42 = arith.constant 0 : i32
      %dma_start3A_43 = tpu.memref_slice %arg5[%dma_start3A_41, %dma_start3A_42] : memref<884736x32xf32, #tpu.memory_space<hbm>> -> memref<884736x32xf32, #tpu.memory_space<hbm>>
      tpu.enqueue_indirect_dma source(%dma_start3A_43 : memref<884736x32xf32, #tpu.memory_space<hbm>>) target(%arg28 : memref<128x32xf32, #tpu.memory_space<vmem>>) offsets(%arg20 : memref<128xi32, #tpu.memory_space<vmem>>) semaphore(%arg30 : memref<!tpu.dma_semaphore, #tpu.memory_space<semaphore_mem>>)
      %dma_wait3A = arith.constant 0 : i32
      %dma_wait3A_44 = arith.constant 0 : i32
      %dma_wait3A_45 = tpu.memref_slice %arg5[%dma_wait3A, %dma_wait3A_44] : memref<884736x32xf32, #tpu.memory_space<hbm>> -> memref<884736x32xf32, #tpu.memory_space<hbm>>
      tpu.wait_indirect_dma semaphore(%arg30 : memref<!tpu.dma_semaphore, #tpu.memory_space<semaphore_mem>>) src(%dma_wait3A_45 : memref<884736x32xf32, #tpu.memory_space<hbm>>) dst(%arg21 : memref<128x32xf32, #tpu.memory_space<vmem>>)
      %dma_wait3A_46 = arith.constant 0 : i32
      %dma_wait3A_47 = arith.constant 0 : i32
      %dma_wait3A_48 = tpu.memref_slice %arg5[%dma_wait3A_46, %dma_wait3A_47] : memref<884736x32xf32, #tpu.memory_space<hbm>> -> memref<884736x32xf32, #tpu.memory_space<hbm>>
      tpu.wait_indirect_dma semaphore(%arg30 : memref<!tpu.dma_semaphore, #tpu.memory_space<semaphore_mem>>) src(%dma_wait3A_48 : memref<884736x32xf32, #tpu.memory_space<hbm>>) dst(%arg22 : memref<128x32xf32, #tpu.memory_space<vmem>>)
      %dma_wait3A_49 = arith.constant 0 : i32
      %dma_wait3A_50 = arith.constant 0 : i32
      %dma_wait3A_51 = tpu.memref_slice %arg5[%dma_wait3A_49, %dma_wait3A_50] : memref<884736x32xf32, #tpu.memory_space<hbm>> -> memref<884736x32xf32, #tpu.memory_space<hbm>>
      tpu.wait_indirect_dma semaphore(%arg30 : memref<!tpu.dma_semaphore, #tpu.memory_space<semaphore_mem>>) src(%dma_wait3A_51 : memref<884736x32xf32, #tpu.memory_space<hbm>>) dst(%arg23 : memref<128x32xf32, #tpu.memory_space<vmem>>)
      %dma_wait3A_52 = arith.constant 0 : i32
      %dma_wait3A_53 = arith.constant 0 : i32
      %dma_wait3A_54 = tpu.memref_slice %arg5[%dma_wait3A_52, %dma_wait3A_53] : memref<884736x32xf32, #tpu.memory_space<hbm>> -> memref<884736x32xf32, #tpu.memory_space<hbm>>
      tpu.wait_indirect_dma semaphore(%arg30 : memref<!tpu.dma_semaphore, #tpu.memory_space<semaphore_mem>>) src(%dma_wait3A_54 : memref<884736x32xf32, #tpu.memory_space<hbm>>) dst(%arg24 : memref<128x32xf32, #tpu.memory_space<vmem>>)
      %dma_wait3A_55 = arith.constant 0 : i32
      %dma_wait3A_56 = arith.constant 0 : i32
      %dma_wait3A_57 = tpu.memref_slice %arg5[%dma_wait3A_55, %dma_wait3A_56] : memref<884736x32xf32, #tpu.memory_space<hbm>> -> memref<884736x32xf32, #tpu.memory_space<hbm>>
      tpu.wait_indirect_dma semaphore(%arg30 : memref<!tpu.dma_semaphore, #tpu.memory_space<semaphore_mem>>) src(%dma_wait3A_57 : memref<884736x32xf32, #tpu.memory_space<hbm>>) dst(%arg25 : memref<128x32xf32, #tpu.memory_space<vmem>>)
      %dma_wait3A_58 = arith.constant 0 : i32
      %dma_wait3A_59 = arith.constant 0 : i32
      %dma_wait3A_60 = tpu.memref_slice %arg5[%dma_wait3A_58, %dma_wait3A_59] : memref<884736x32xf32, #tpu.memory_space<hbm>> -> memref<884736x32xf32, #tpu.memory_space<hbm>>
      tpu.wait_indirect_dma semaphore(%arg30 : memref<!tpu.dma_semaphore, #tpu.memory_space<semaphore_mem>>) src(%dma_wait3A_60 : memref<884736x32xf32, #tpu.memory_space<hbm>>) dst(%arg26 : memref<128x32xf32, #tpu.memory_space<vmem>>)
      %dma_wait3A_61 = arith.constant 0 : i32
      %dma_wait3A_62 = arith.constant 0 : i32
      %dma_wait3A_63 = tpu.memref_slice %arg5[%dma_wait3A_61, %dma_wait3A_62] : memref<884736x32xf32, #tpu.memory_space<hbm>> -> memref<884736x32xf32, #tpu.memory_space<hbm>>
      tpu.wait_indirect_dma semaphore(%arg30 : memref<!tpu.dma_semaphore, #tpu.memory_space<semaphore_mem>>) src(%dma_wait3A_63 : memref<884736x32xf32, #tpu.memory_space<hbm>>) dst(%arg27 : memref<128x32xf32, #tpu.memory_space<vmem>>)
      %dma_wait3A_64 = arith.constant 0 : i32
      %dma_wait3A_65 = arith.constant 0 : i32
      %dma_wait3A_66 = tpu.memref_slice %arg5[%dma_wait3A_64, %dma_wait3A_65] : memref<884736x32xf32, #tpu.memory_space<hbm>> -> memref<884736x32xf32, #tpu.memory_space<hbm>>
      tpu.wait_indirect_dma semaphore(%arg30 : memref<!tpu.dma_semaphore, #tpu.memory_space<semaphore_mem>>) src(%dma_wait3A_66 : memref<884736x32xf32, #tpu.memory_space<hbm>>) dst(%arg28 : memref<128x32xf32, #tpu.memory_space<vmem>>)
      %scan3A_67 = arith.constant 0 : i32
      %scan3A_68 = arith.constant 0 : i32
      %scan3A_69 = arith.constant 8 : i32
      %scan3A_70 = arith.addi %scan3A_68, %scan3A_69 : i32
      %scan3A_71 = arith.constant 1 : i32
      %scan3A_72 = scf.for %scan3A_75 = %scan3A_68 to %scan3A_70 step %scan3A_71 iter_args(%scan3A_76 = %scan3A_67) -> (i32)  : i32 {
        %mul3A_77 = arith.constant 16 : i32
        %mul3A_78 = arith.muli %scan3A_75, %mul3A_77 : i32
        %add3A_79 = vector.broadcast %mul3A_78 : i32 to vector<16xi32>
        %add3A_80 = arith.addi %add3A_79, %iota3A : vector<16xi32>
        %get3A = arith.index_cast %mul3A_78 : i32 to index
        %get3A_81 = tpu.vector_load %arg10[%get3A] {strides = array<i32>} : memref<128xf32, #tpu.memory_space<vmem>>, vector<16xf32>,
        %get3A_82 = arith.index_cast %mul3A_78 : i32 to index
        %get3A_83 = tpu.vector_load %arg11[%get3A_82] {strides = array<i32>} : memref<128xf32, #tpu.memory_space<vmem>>, vector<16xf32>,
        %get3A_84 = arith.index_cast %mul3A_78 : i32 to index
        %get3A_85 = tpu.vector_load %arg12[%get3A_84] {strides = array<i32>} : memref<128xf32, #tpu.memory_space<vmem>>, vector<16xf32>,
        %sub3A = arith.constant 1.000000e+00 : f32
        %sub3A_86 = vector.broadcast %sub3A : f32 to vector<16xf32>
        %sub3A_87 = arith.subf %sub3A_86, %get3A_81 : vector<16xf32>
        %sub3A_88 = arith.constant 1.000000e+00 : f32
        %sub3A_89 = vector.broadcast %sub3A_88 : f32 to vector<16xf32>
        %sub3A_90 = arith.subf %sub3A_89, %get3A_83 : vector<16xf32>
        %sub3A_91 = arith.constant 1.000000e+00 : f32
        %sub3A_92 = vector.broadcast %sub3A_91 : f32 to vector<16xf32>
        %sub3A_93 = arith.subf %sub3A_92, %get3A_85 : vector<16xf32>
        %mul3A_94 = arith.mulf %sub3A_87, %sub3A_90 : vector<16xf32>
        %mul3A_95 = arith.mulf %sub3A_87, %get3A_83 : vector<16xf32>
        %mul3A_96 = arith.mulf %get3A_81, %sub3A_90 : vector<16xf32>
        %mul3A_97 = arith.mulf %get3A_81, %get3A_83 : vector<16xf32>
        %mul3A_98 = arith.mulf %mul3A_94, %sub3A_93 : vector<16xf32>
        %mul3A_99 = arith.mulf %mul3A_94, %get3A_85 : vector<16xf32>
        %mul3A_100 = arith.mulf %mul3A_95, %sub3A_93 : vector<16xf32>
        %mul3A_101 = arith.mulf %mul3A_95, %get3A_85 : vector<16xf32>
        %mul3A_102 = arith.mulf %mul3A_96, %sub3A_93 : vector<16xf32>
        %mul3A_103 = arith.mulf %mul3A_96, %get3A_85 : vector<16xf32>
        %mul3A_104 = arith.mulf %mul3A_97, %sub3A_93 : vector<16xf32>
        %mul3A_105 = arith.mulf %mul3A_97, %get3A_85 : vector<16xf32>
        %broadcast_in_dim3A = arith.constant 0 : i32
        %broadcast_in_dim3A_106 = vector.broadcast %broadcast_in_dim3A : i32 to vector<16xi32>
        %gather3A = tpu.vector_load_idx %arg21[%add3A_80, %broadcast_in_dim3A_106] : memref<128x32xf32, #tpu.memory_space<vmem>>[vector<16xi32>, vector<16xi32>], vector<16xf32>,
        %mul3A_107 = arith.mulf %mul3A_98, %gather3A : vector<16xf32>
        %gather3A_108 = tpu.vector_load_idx %arg22[%add3A_80, %broadcast_in_dim3A_106] : memref<128x32xf32, #tpu.memory_space<vmem>>[vector<16xi32>, vector<16xi32>], vector<16xf32>,
        %mul3A_109 = arith.mulf %mul3A_99, %gather3A_108 : vector<16xf32>
        %add3A_110 = arith.addf %mul3A_107, %mul3A_109 : vector<16xf32>
        %gather3A_111 = tpu.vector_load_idx %arg23[%add3A_80, %broadcast_in_dim3A_106] : memref<128x32xf32, #tpu.memory_space<vmem>>[vector<16xi32>, vector<16xi32>], vector<16xf32>,
        %mul3A_112 = arith.mulf %mul3A_100, %gather3A_111 : vector<16xf32>
        %add3A_113 = arith.addf %add3A_110, %mul3A_112 : vector<16xf32>
        %gather3A_114 = tpu.vector_load_idx %arg24[%add3A_80, %broadcast_in_dim3A_106] : memref<128x32xf32, #tpu.memory_space<vmem>>[vector<16xi32>, vector<16xi32>], vector<16xf32>,
        %mul3A_115 = arith.mulf %mul3A_101, %gather3A_114 : vector<16xf32>
        %add3A_116 = arith.addf %add3A_113, %mul3A_115 : vector<16xf32>
        %gather3A_117 = tpu.vector_load_idx %arg25[%add3A_80, %broadcast_in_dim3A_106] : memref<128x32xf32, #tpu.memory_space<vmem>>[vector<16xi32>, vector<16xi32>], vector<16xf32>,
        %mul3A_118 = arith.mulf %mul3A_102, %gather3A_117 : vector<16xf32>
        %add3A_119 = arith.addf %add3A_116, %mul3A_118 : vector<16xf32>
        %gather3A_120 = tpu.vector_load_idx %arg26[%add3A_80, %broadcast_in_dim3A_106] : memref<128x32xf32, #tpu.memory_space<vmem>>[vector<16xi32>, vector<16xi32>], vector<16xf32>,
        %mul3A_121 = arith.mulf %mul3A_103, %gather3A_120 : vector<16xf32>
        %add3A_122 = arith.addf %add3A_119, %mul3A_121 : vector<16xf32>
        %gather3A_123 = tpu.vector_load_idx %arg27[%add3A_80, %broadcast_in_dim3A_106] : memref<128x32xf32, #tpu.memory_space<vmem>>[vector<16xi32>, vector<16xi32>], vector<16xf32>,
        %mul3A_124 = arith.mulf %mul3A_104, %gather3A_123 : vector<16xf32>
        %add3A_125 = arith.addf %add3A_122, %mul3A_124 : vector<16xf32>
        %gather3A_126 = tpu.vector_load_idx %arg28[%add3A_80, %broadcast_in_dim3A_106] : memref<128x32xf32, #tpu.memory_space<vmem>>[vector<16xi32>, vector<16xi32>], vector<16xf32>,
        %mul3A_127 = arith.mulf %mul3A_105, %gather3A_126 : vector<16xf32>
        %add3A_128 = arith.addf %add3A_125, %mul3A_127 : vector<16xf32>
        tpu.vector_store_idx %arg29[%add3A_80, %broadcast_in_dim3A_106], %add3A_128 : memref<128x32xf32, #tpu.memory_space<vmem>>[vector<16xi32>, vector<16xi32>], vector<16xf32>,
        %broadcast_in_dim3A_129 = arith.constant 1 : i32
        %broadcast_in_dim3A_130 = vector.broadcast %broadcast_in_dim3A_129 : i32 to vector<16xi32>
        %gather3A_131 = tpu.vector_load_idx %arg21[%add3A_80, %broadcast_in_dim3A_130] : memref<128x32xf32, #tpu.memory_space<vmem>>[vector<16xi32>, vector<16xi32>], vector<16xf32>,
        %mul3A_132 = arith.mulf %mul3A_98, %gather3A_131 : vector<16xf32>
        %gather3A_133 = tpu.vector_load_idx %arg22[%add3A_80, %broadcast_in_dim3A_130] : memref<128x32xf32, #tpu.memory_space<vmem>>[vector<16xi32>, vector<16xi32>], vector<16xf32>,
        %mul3A_134 = arith.mulf %mul3A_99, %gather3A_133 : vector<16xf32>
        %add3A_135 = arith.addf %mul3A_132, %mul3A_134 : vector<16xf32>
        %gather3A_136 = tpu.vector_load_idx %arg23[%add3A_80, %broadcast_in_dim3A_130] : memref<128x32xf32, #tpu.memory_space<vmem>>[vector<16xi32>, vector<16xi32>], vector<16xf32>,
        %mul3A_137 = arith.mulf %mul3A_100, %gather3A_136 : vector<16xf32>
        %add3A_138 = arith.addf %add3A_135, %mul3A_137 : vector<16xf32>
        %gather3A_139 = tpu.vector_load_idx %arg24[%add3A_80, %broadcast_in_dim3A_130] : memref<128x32xf32, #tpu.memory_space<vmem>>[vector<16xi32>, vector<16xi32>], vector<16xf32>,
        %mul3A_140 = arith.mulf %mul3A_101, %gather3A_139 : vector<16xf32>
        %add3A_141 = arith.addf %add3A_138, %mul3A_140 : vector<16xf32>
        %gather3A_142 = tpu.vector_load_idx %arg25[%add3A_80, %broadcast_in_dim3A_130] : memref<128x32xf32, #tpu.memory_space<vmem>>[vector<16xi32>, vector<16xi32>], vector<16xf32>,
        %mul3A_143 = arith.mulf %mul3A_102, %gather3A_142 : vector<16xf32>
        %add3A_144 = arith.addf %add3A_141, %mul3A_143 : vector<16xf32>
        %gather3A_145 = tpu.vector_load_idx %arg26[%add3A_80, %broadcast_in_dim3A_130] : memref<128x32xf32, #tpu.memory_space<vmem>>[vector<16xi32>, vector<16xi32>], vector<16xf32>,
        %mul3A_146 = arith.mulf %mul3A_103, %gather3A_145 : vector<16xf32>
        %add3A_147 = arith.addf %add3A_144, %mul3A_146 : vector<16xf32>
        %gather3A_148 = tpu.vector_load_idx %arg27[%add3A_80, %broadcast_in_dim3A_130] : memref<128x32xf32, #tpu.memory_space<vmem>>[vector<16xi32>, vector<16xi32>], vector<16xf32>,
        %mul3A_149 = arith.mulf %mul3A_104, %gather3A_148 : vector<16xf32>
        %add3A_150 = arith.addf %add3A_147, %mul3A_149 : vector<16xf32>
        %gather3A_151 = tpu.vector_load_idx %arg28[%add3A_80, %broadcast_in_dim3A_130] : memref<128x32xf32, #tpu.memory_space<vmem>>[vector<16xi32>, vector<16xi32>], vector<16xf32>,
        %mul3A_152 = arith.mulf %mul3A_105, %gather3A_151 : vector<16xf32>
        %add3A_153 = arith.addf %add3A_150, %mul3A_152 : vector<16xf32>
        tpu.vector_store_idx %arg29[%add3A_80, %broadcast_in_dim3A_130], %add3A_153 : memref<128x32xf32, #tpu.memory_space<vmem>>[vector<16xi32>, vector<16xi32>], vector<16xf32>,
        %broadcast_in_dim3A_154 = arith.constant 2 : i32
        %broadcast_in_dim3A_155 = vector.broadcast %broadcast_in_dim3A_154 : i32 to vector<16xi32>
        %gather3A_156 = tpu.vector_load_idx %arg21[%add3A_80, %broadcast_in_dim3A_155] : memref<128x32xf32, #tpu.memory_space<vmem>>[vector<16xi32>, vector<16xi32>], vector<16xf32>,
        %mul3A_157 = arith.mulf %mul3A_98, %gather3A_156 : vector<16xf32>
        %gather3A_158 = tpu.vector_load_idx %arg22[%add3A_80, %broadcast_in_dim3A_155] : memref<128x32xf32, #tpu.memory_space<vmem>>[vector<16xi32>, vector<16xi32>], vector<16xf32>,
        %mul3A_159 = arith.mulf %mul3A_99, %gather3A_158 : vector<16xf32>
        %add3A_160 = arith.addf %mul3A_157, %mul3A_159 : vector<16xf32>
        %gather3A_161 = tpu.vector_load_idx %arg23[%add3A_80, %broadcast_in_dim3A_155] : memref<128x32xf32, #tpu.memory_space<vmem>>[vector<16xi32>, vector<16xi32>], vector<16xf32>,
        %mul3A_162 = arith.mulf %mul3A_100, %gather3A_161 : vector<16xf32>
        %add3A_163 = arith.addf %add3A_160, %mul3A_162 : vector<16xf32>
        %gather3A_164 = tpu.vector_load_idx %arg24[%add3A_80, %broadcast_in_dim3A_155] : memref<128x32xf32, #tpu.memory_space<vmem>>[vector<16xi32>, vector<16xi32>], vector<16xf32>,
        %mul3A_165 = arith.mulf %mul3A_101, %gather3A_164 : vector<16xf32>
        %add3A_166 = arith.addf %add3A_163, %mul3A_165 : vector<16xf32>
        %gather3A_167 = tpu.vector_load_idx %arg25[%add3A_80, %broadcast_in_dim3A_155] : memref<128x32xf32, #tpu.memory_space<vmem>>[vector<16xi32>, vector<16xi32>], vector<16xf32>,
        %mul3A_168 = arith.mulf %mul3A_102, %gather3A_167 : vector<16xf32>
        %add3A_169 = arith.addf %add3A_166, %mul3A_168 : vector<16xf32>
        %gather3A_170 = tpu.vector_load_idx %arg26[%add3A_80, %broadcast_in_dim3A_155] : memref<128x32xf32, #tpu.memory_space<vmem>>[vector<16xi32>, vector<16xi32>], vector<16xf32>,
        %mul3A_171 = arith.mulf %mul3A_103, %gather3A_170 : vector<16xf32>
        %add3A_172 = arith.addf %add3A_169, %mul3A_171 : vector<16xf32>
        %gather3A_173 = tpu.vector_load_idx %arg27[%add3A_80, %broadcast_in_dim3A_155] : memref<128x32xf32, #tpu.memory_space<vmem>>[vector<16xi32>, vector<16xi32>], vector<16xf32>,
        %mul3A_174 = arith.mulf %mul3A_104, %gather3A_173 : vector<16xf32>
        %add3A_175 = arith.addf %add3A_172, %mul3A_174 : vector<16xf32>
        %gather3A_176 = tpu.vector_load_idx %arg28[%add3A_80, %broadcast_in_dim3A_155] : memref<128x32xf32, #tpu.memory_space<vmem>>[vector<16xi32>, vector<16xi32>], vector<16xf32>,
        %mul3A_177 = arith.mulf %mul3A_105, %gather3A_176 : vector<16xf32>
        %add3A_178 = arith.addf %add3A_175, %mul3A_177 : vector<16xf32>
        tpu.vector_store_idx %arg29[%add3A_80, %broadcast_in_dim3A_155], %add3A_178 : memref<128x32xf32, #tpu.memory_space<vmem>>[vector<16xi32>, vector<16xi32>], vector<16xf32>,
        %broadcast_in_dim3A_179 = arith.constant 3 : i32
        %broadcast_in_dim3A_180 = vector.broadcast %broadcast_in_dim3A_179 : i32 to vector<16xi32>
        %gather3A_181 = tpu.vector_load_idx %arg21[%add3A_80, %broadcast_in_dim3A_180] : memref<128x32xf32, #tpu.memory_space<vmem>>[vector<16xi32>, vector<16xi32>], vector<16xf32>,
        %mul3A_182 = arith.mulf %mul3A_98, %gather3A_181 : vector<16xf32>
        %gather3A_183 = tpu.vector_load_idx %arg22[%add3A_80, %broadcast_in_dim3A_180] : memref<128x32xf32, #tpu.memory_space<vmem>>[vector<16xi32>, vector<16xi32>], vector<16xf32>,
        %mul3A_184 = arith.mulf %mul3A_99, %gather3A_183 : vector<16xf32>
        %add3A_185 = arith.addf %mul3A_182, %mul3A_184 : vector<16xf32>
        %gather3A_186 = tpu.vector_load_idx %arg23[%add3A_80, %broadcast_in_dim3A_180] : memref<128x32xf32, #tpu.memory_space<vmem>>[vector<16xi32>, vector<16xi32>], vector<16xf32>,
        %mul3A_187 = arith.mulf %mul3A_100, %gather3A_186 : vector<16xf32>
        %add3A_188 = arith.addf %add3A_185, %mul3A_187 : vector<16xf32>
        %gather3A_189 = tpu.vector_load_idx %arg24[%add3A_80, %broadcast_in_dim3A_180] : memref<128x32xf32, #tpu.memory_space<vmem>>[vector<16xi32>, vector<16xi32>], vector<16xf32>,
        %mul3A_190 = arith.mulf %mul3A_101, %gather3A_189 : vector<16xf32>
        %add3A_191 = arith.addf %add3A_188, %mul3A_190 : vector<16xf32>
        %gather3A_192 = tpu.vector_load_idx %arg25[%add3A_80, %broadcast_in_dim3A_180] : memref<128x32xf32, #tpu.memory_space<vmem>>[vector<16xi32>, vector<16xi32>], vector<16xf32>,
        %mul3A_193 = arith.mulf %mul3A_102, %gather3A_192 : vector<16xf32>
        %add3A_194 = arith.addf %add3A_191, %mul3A_193 : vector<16xf32>
        %gather3A_195 = tpu.vector_load_idx %arg26[%add3A_80, %broadcast_in_dim3A_180] : memref<128x32xf32, #tpu.memory_space<vmem>>[vector<16xi32>, vector<16xi32>], vector<16xf32>,
        %mul3A_196 = arith.mulf %mul3A_103, %gather3A_195 : vector<16xf32>
        %add3A_197 = arith.addf %add3A_194, %mul3A_196 : vector<16xf32>
        %gather3A_198 = tpu.vector_load_idx %arg27[%add3A_80, %broadcast_in_dim3A_180] : memref<128x32xf32, #tpu.memory_space<vmem>>[vector<16xi32>, vector<16xi32>], vector<16xf32>,
        %mul3A_199 = arith.mulf %mul3A_104, %gather3A_198 : vector<16xf32>
        %add3A_200 = arith.addf %add3A_197, %mul3A_199 : vector<16xf32>
        %gather3A_201 = tpu.vector_load_idx %arg28[%add3A_80, %broadcast_in_dim3A_180] : memref<128x32xf32, #tpu.memory_space<vmem>>[vector<16xi32>, vector<16xi32>], vector<16xf32>,
        %mul3A_202 = arith.mulf %mul3A_105, %gather3A_201 : vector<16xf32>
        %add3A_203 = arith.addf %add3A_200, %mul3A_202 : vector<16xf32>
        tpu.vector_store_idx %arg29[%add3A_80, %broadcast_in_dim3A_180], %add3A_203 : memref<128x32xf32, #tpu.memory_space<vmem>>[vector<16xi32>, vector<16xi32>], vector<16xf32>,
        %broadcast_in_dim3A_204 = arith.constant 4 : i32
        %broadcast_in_dim3A_205 = vector.broadcast %broadcast_in_dim3A_204 : i32 to vector<16xi32>
        %gather3A_206 = tpu.vector_load_idx %arg21[%add3A_80, %broadcast_in_dim3A_205] : memref<128x32xf32, #tpu.memory_space<vmem>>[vector<16xi32>, vector<16xi32>], vector<16xf32>,
        %mul3A_207 = arith.mulf %mul3A_98, %gather3A_206 : vector<16xf32>
        %gather3A_208 = tpu.vector_load_idx %arg22[%add3A_80, %broadcast_in_dim3A_205] : memref<128x32xf32, #tpu.memory_space<vmem>>[vector<16xi32>, vector<16xi32>], vector<16xf32>,
        %mul3A_209 = arith.mulf %mul3A_99, %gather3A_208 : vector<16xf32>
        %add3A_210 = arith.addf %mul3A_207, %mul3A_209 : vector<16xf32>
        %gather3A_211 = tpu.vector_load_idx %arg23[%add3A_80, %broadcast_in_dim3A_205] : memref<128x32xf32, #tpu.memory_space<vmem>>[vector<16xi32>, vector<16xi32>], vector<16xf32>,
        %mul3A_212 = arith.mulf %mul3A_100, %gather3A_211 : vector<16xf32>
        %add3A_213 = arith.addf %add3A_210, %mul3A_212 : vector<16xf32>
        %gather3A_214 = tpu.vector_load_idx %arg24[%add3A_80, %broadcast_in_dim3A_205] : memref<128x32xf32, #tpu.memory_space<vmem>>[vector<16xi32>, vector<16xi32>], vector<16xf32>,
        %mul3A_215 = arith.mulf %mul3A_101, %gather3A_214 : vector<16xf32>
        %add3A_216 = arith.addf %add3A_213, %mul3A_215 : vector<16xf32>
        %gather3A_217 = tpu.vector_load_idx %arg25[%add3A_80, %broadcast_in_dim3A_205] : memref<128x32xf32, #tpu.memory_space<vmem>>[vector<16xi32>, vector<16xi32>], vector<16xf32>,
        %mul3A_218 = arith.mulf %mul3A_102, %gather3A_217 : vector<16xf32>
        %add3A_219 = arith.addf %add3A_216, %mul3A_218 : vector<16xf32>
        %gather3A_220 = tpu.vector_load_idx %arg26[%add3A_80, %broadcast_in_dim3A_205] : memref<128x32xf32, #tpu.memory_space<vmem>>[vector<16xi32>, vector<16xi32>], vector<16xf32>,
        %mul3A_221 = arith.mulf %mul3A_103, %gather3A_220 : vector<16xf32>
        %add3A_222 = arith.addf %add3A_219, %mul3A_221 : vector<16xf32>
        %gather3A_223 = tpu.vector_load_idx %arg27[%add3A_80, %broadcast_in_dim3A_205] : memref<128x32xf32, #tpu.memory_space<vmem>>[vector<16xi32>, vector<16xi32>], vector<16xf32>,
        %mul3A_224 = arith.mulf %mul3A_104, %gather3A_223 : vector<16xf32>
        %add3A_225 = arith.addf %add3A_222, %mul3A_224 : vector<16xf32>
        %gather3A_226 = tpu.vector_load_idx %arg28[%add3A_80, %broadcast_in_dim3A_205] : memref<128x32xf32, #tpu.memory_space<vmem>>[vector<16xi32>, vector<16xi32>], vector<16xf32>,
        %mul3A_227 = arith.mulf %mul3A_105, %gather3A_226 : vector<16xf32>
        %add3A_228 = arith.addf %add3A_225, %mul3A_227 : vector<16xf32>
        tpu.vector_store_idx %arg29[%add3A_80, %broadcast_in_dim3A_205], %add3A_228 : memref<128x32xf32, #tpu.memory_space<vmem>>[vector<16xi32>, vector<16xi32>], vector<16xf32>,
        %broadcast_in_dim3A_229 = arith.constant 5 : i32
        %broadcast_in_dim3A_230 = vector.broadcast %broadcast_in_dim3A_229 : i32 to vector<16xi32>
        %gather3A_231 = tpu.vector_load_idx %arg21[%add3A_80, %broadcast_in_dim3A_230] : memref<128x32xf32, #tpu.memory_space<vmem>>[vector<16xi32>, vector<16xi32>], vector<16xf32>,
        %mul3A_232 = arith.mulf %mul3A_98, %gather3A_231 : vector<16xf32>
        %gather3A_233 = tpu.vector_load_idx %arg22[%add3A_80, %broadcast_in_dim3A_230] : memref<128x32xf32, #tpu.memory_space<vmem>>[vector<16xi32>, vector<16xi32>], vector<16xf32>,
        %mul3A_234 = arith.mulf %mul3A_99, %gather3A_233 : vector<16xf32>
        %add3A_235 = arith.addf %mul3A_232, %mul3A_234 : vector<16xf32>
        %gather3A_236 = tpu.vector_load_idx %arg23[%add3A_80, %broadcast_in_dim3A_230] : memref<128x32xf32, #tpu.memory_space<vmem>>[vector<16xi32>, vector<16xi32>], vector<16xf32>,
        %mul3A_237 = arith.mulf %mul3A_100, %gather3A_236 : vector<16xf32>
        %add3A_238 = arith.addf %add3A_235, %mul3A_237 : vector<16xf32>
        %gather3A_239 = tpu.vector_load_idx %arg24[%add3A_80, %broadcast_in_dim3A_230] : memref<128x32xf32, #tpu.memory_space<vmem>>[vector<16xi32>, vector<16xi32>], vector<16xf32>,
        %mul3A_240 = arith.mulf %mul3A_101, %gather3A_239 : vector<16xf32>
        %add3A_241 = arith.addf %add3A_238, %mul3A_240 : vector<16xf32>
        %gather3A_242 = tpu.vector_load_idx %arg25[%add3A_80, %broadcast_in_dim3A_230] : memref<128x32xf32, #tpu.memory_space<vmem>>[vector<16xi32>, vector<16xi32>], vector<16xf32>,
        %mul3A_243 = arith.mulf %mul3A_102, %gather3A_242 : vector<16xf32>
        %add3A_244 = arith.addf %add3A_241, %mul3A_243 : vector<16xf32>
        %gather3A_245 = tpu.vector_load_idx %arg26[%add3A_80, %broadcast_in_dim3A_230] : memref<128x32xf32, #tpu.memory_space<vmem>>[vector<16xi32>, vector<16xi32>], vector<16xf32>,
        %mul3A_246 = arith.mulf %mul3A_103, %gather3A_245 : vector<16xf32>
        %add3A_247 = arith.addf %add3A_244, %mul3A_246 : vector<16xf32>
        %gather3A_248 = tpu.vector_load_idx %arg27[%add3A_80, %broadcast_in_dim3A_230] : memref<128x32xf32, #tpu.memory_space<vmem>>[vector<16xi32>, vector<16xi32>], vector<16xf32>,
        %mul3A_249 = arith.mulf %mul3A_104, %gather3A_248 : vector<16xf32>
        %add3A_250 = arith.addf %add3A_247, %mul3A_249 : vector<16xf32>
        %gather3A_251 = tpu.vector_load_idx %arg28[%add3A_80, %broadcast_in_dim3A_230] : memref<128x32xf32, #tpu.memory_space<vmem>>[vector<16xi32>, vector<16xi32>], vector<16xf32>,
        %mul3A_252 = arith.mulf %mul3A_105, %gather3A_251 : vector<16xf32>
        %add3A_253 = arith.addf %add3A_250, %mul3A_252 : vector<16xf32>
        tpu.vector_store_idx %arg29[%add3A_80, %broadcast_in_dim3A_230], %add3A_253 : memref<128x32xf32, #tpu.memory_space<vmem>>[vector<16xi32>, vector<16xi32>], vector<16xf32>,
        %broadcast_in_dim3A_254 = arith.constant 6 : i32
        %broadcast_in_dim3A_255 = vector.broadcast %broadcast_in_dim3A_254 : i32 to vector<16xi32>
        %gather3A_256 = tpu.vector_load_idx %arg21[%add3A_80, %broadcast_in_dim3A_255] : memref<128x32xf32, #tpu.memory_space<vmem>>[vector<16xi32>, vector<16xi32>], vector<16xf32>,
        %mul3A_257 = arith.mulf %mul3A_98, %gather3A_256 : vector<16xf32>
        %gather3A_258 = tpu.vector_load_idx %arg22[%add3A_80, %broadcast_in_dim3A_255] : memref<128x32xf32, #tpu.memory_space<vmem>>[vector<16xi32>, vector<16xi32>], vector<16xf32>,
        %mul3A_259 = arith.mulf %mul3A_99, %gather3A_258 : vector<16xf32>
        %add3A_260 = arith.addf %mul3A_257, %mul3A_259 : vector<16xf32>
        %gather3A_261 = tpu.vector_load_idx %arg23[%add3A_80, %broadcast_in_dim3A_255] : memref<128x32xf32, #tpu.memory_space<vmem>>[vector<16xi32>, vector<16xi32>], vector<16xf32>,
        %mul3A_262 = arith.mulf %mul3A_100, %gather3A_261 : vector<16xf32>
        %add3A_263 = arith.addf %add3A_260, %mul3A_262 : vector<16xf32>
        %gather3A_264 = tpu.vector_load_idx %arg24[%add3A_80, %broadcast_in_dim3A_255] : memref<128x32xf32, #tpu.memory_space<vmem>>[vector<16xi32>, vector<16xi32>], vector<16xf32>,
        %mul3A_265 = arith.mulf %mul3A_101, %gather3A_264 : vector<16xf32>
        %add3A_266 = arith.addf %add3A_263, %mul3A_265 : vector<16xf32>
        %gather3A_267 = tpu.vector_load_idx %arg25[%add3A_80, %broadcast_in_dim3A_255] : memref<128x32xf32, #tpu.memory_space<vmem>>[vector<16xi32>, vector<16xi32>], vector<16xf32>,
        %mul3A_268 = arith.mulf %mul3A_102, %gather3A_267 : vector<16xf32>
        %add3A_269 = arith.addf %add3A_266, %mul3A_268 : vector<16xf32>
        %gather3A_270 = tpu.vector_load_idx %arg26[%add3A_80, %broadcast_in_dim3A_255] : memref<128x32xf32, #tpu.memory_space<vmem>>[vector<16xi32>, vector<16xi32>], vector<16xf32>,
        %mul3A_271 = arith.mulf %mul3A_103, %gather3A_270 : vector<16xf32>
        %add3A_272 = arith.addf %add3A_269, %mul3A_271 : vector<16xf32>
        %gather3A_273 = tpu.vector_load_idx %arg27[%add3A_80, %broadcast_in_dim3A_255] : memref<128x32xf32, #tpu.memory_space<vmem>>[vector<16xi32>, vector<16xi32>], vector<16xf32>,
        %mul3A_274 = arith.mulf %mul3A_104, %gather3A_273 : vector<16xf32>
        %add3A_275 = arith.addf %add3A_272, %mul3A_274 : vector<16xf32>
        %gather3A_276 = tpu.vector_load_idx %arg28[%add3A_80, %broadcast_in_dim3A_255] : memref<128x32xf32, #tpu.memory_space<vmem>>[vector<16xi32>, vector<16xi32>], vector<16xf32>,
        %mul3A_277 = arith.mulf %mul3A_105, %gather3A_276 : vector<16xf32>
        %add3A_278 = arith.addf %add3A_275, %mul3A_277 : vector<16xf32>
        tpu.vector_store_idx %arg29[%add3A_80, %broadcast_in_dim3A_255], %add3A_278 : memref<128x32xf32, #tpu.memory_space<vmem>>[vector<16xi32>, vector<16xi32>], vector<16xf32>,
        %broadcast_in_dim3A_279 = arith.constant 7 : i32
        %broadcast_in_dim3A_280 = vector.broadcast %broadcast_in_dim3A_279 : i32 to vector<16xi32>
        %gather3A_281 = tpu.vector_load_idx %arg21[%add3A_80, %broadcast_in_dim3A_280] : memref<128x32xf32, #tpu.memory_space<vmem>>[vector<16xi32>, vector<16xi32>], vector<16xf32>,
        %mul3A_282 = arith.mulf %mul3A_98, %gather3A_281 : vector<16xf32>
        %gather3A_283 = tpu.vector_load_idx %arg22[%add3A_80, %broadcast_in_dim3A_280] : memref<128x32xf32, #tpu.memory_space<vmem>>[vector<16xi32>, vector<16xi32>], vector<16xf32>,
        %mul3A_284 = arith.mulf %mul3A_99, %gather3A_283 : vector<16xf32>
        %add3A_285 = arith.addf %mul3A_282, %mul3A_284 : vector<16xf32>
        %gather3A_286 = tpu.vector_load_idx %arg23[%add3A_80, %broadcast_in_dim3A_280] : memref<128x32xf32, #tpu.memory_space<vmem>>[vector<16xi32>, vector<16xi32>], vector<16xf32>,
        %mul3A_287 = arith.mulf %mul3A_100, %gather3A_286 : vector<16xf32>
        %add3A_288 = arith.addf %add3A_285, %mul3A_287 : vector<16xf32>
        %gather3A_289 = tpu.vector_load_idx %arg24[%add3A_80, %broadcast_in_dim3A_280] : memref<128x32xf32, #tpu.memory_space<vmem>>[vector<16xi32>, vector<16xi32>], vector<16xf32>,
        %mul3A_290 = arith.mulf %mul3A_101, %gather3A_289 : vector<16xf32>
        %add3A_291 = arith.addf %add3A_288, %mul3A_290 : vector<16xf32>
        %gather3A_292 = tpu.vector_load_idx %arg25[%add3A_80, %broadcast_in_dim3A_280] : memref<128x32xf32, #tpu.memory_space<vmem>>[vector<16xi32>, vector<16xi32>], vector<16xf32>,
        %mul3A_293 = arith.mulf %mul3A_102, %gather3A_292 : vector<16xf32>
        %add3A_294 = arith.addf %add3A_291, %mul3A_293 : vector<16xf32>
        %gather3A_295 = tpu.vector_load_idx %arg26[%add3A_80, %broadcast_in_dim3A_280] : memref<128x32xf32, #tpu.memory_space<vmem>>[vector<16xi32>, vector<16xi32>], vector<16xf32>,
        %mul3A_296 = arith.mulf %mul3A_103, %gather3A_295 : vector<16xf32>
        %add3A_297 = arith.addf %add3A_294, %mul3A_296 : vector<16xf32>
        %gather3A_298 = tpu.vector_load_idx %arg27[%add3A_80, %broadcast_in_dim3A_280] : memref<128x32xf32, #tpu.memory_space<vmem>>[vector<16xi32>, vector<16xi32>], vector<16xf32>,
        %mul3A_299 = arith.mulf %mul3A_104, %gather3A_298 : vector<16xf32>
        %add3A_300 = arith.addf %add3A_297, %mul3A_299 : vector<16xf32>
        %gather3A_301 = tpu.vector_load_idx %arg28[%add3A_80, %broadcast_in_dim3A_280] : memref<128x32xf32, #tpu.memory_space<vmem>>[vector<16xi32>, vector<16xi32>], vector<16xf32>,
        %mul3A_302 = arith.mulf %mul3A_105, %gather3A_301 : vector<16xf32>
        %add3A_303 = arith.addf %add3A_300, %mul3A_302 : vector<16xf32>
        tpu.vector_store_idx %arg29[%add3A_80, %broadcast_in_dim3A_280], %add3A_303 : memref<128x32xf32, #tpu.memory_space<vmem>>[vector<16xi32>, vector<16xi32>], vector<16xf32>,
        %broadcast_in_dim3A_304 = arith.constant 8 : i32
        %broadcast_in_dim3A_305 = vector.broadcast %broadcast_in_dim3A_304 : i32 to vector<16xi32>
        %gather3A_306 = tpu.vector_load_idx %arg21[%add3A_80, %broadcast_in_dim3A_305] : memref<128x32xf32, #tpu.memory_space<vmem>>[vector<16xi32>, vector<16xi32>], vector<16xf32>,
        %mul3A_307 = arith.mulf %mul3A_98, %gather3A_306 : vector<16xf32>
        %gather3A_308 = tpu.vector_load_idx %arg22[%add3A_80, %broadcast_in_dim3A_305] : memref<128x32xf32, #tpu.memory_space<vmem>>[vector<16xi32>, vector<16xi32>], vector<16xf32>,
        %mul3A_309 = arith.mulf %mul3A_99, %gather3A_308 : vector<16xf32>
        %add3A_310 = arith.addf %mul3A_307, %mul3A_309 : vector<16xf32>
        %gather3A_311 = tpu.vector_load_idx %arg23[%add3A_80, %broadcast_in_dim3A_305] : memref<128x32xf32, #tpu.memory_space<vmem>>[vector<16xi32>, vector<16xi32>], vector<16xf32>,
        %mul3A_312 = arith.mulf %mul3A_100, %gather3A_311 : vector<16xf32>
        %add3A_313 = arith.addf %add3A_310, %mul3A_312 : vector<16xf32>
        %gather3A_314 = tpu.vector_load_idx %arg24[%add3A_80, %broadcast_in_dim3A_305] : memref<128x32xf32, #tpu.memory_space<vmem>>[vector<16xi32>, vector<16xi32>], vector<16xf32>,
        %mul3A_315 = arith.mulf %mul3A_101, %gather3A_314 : vector<16xf32>
        %add3A_316 = arith.addf %add3A_313, %mul3A_315 : vector<16xf32>
        %gather3A_317 = tpu.vector_load_idx %arg25[%add3A_80, %broadcast_in_dim3A_305] : memref<128x32xf32, #tpu.memory_space<vmem>>[vector<16xi32>, vector<16xi32>], vector<16xf32>,
        %mul3A_318 = arith.mulf %mul3A_102, %gather3A_317 : vector<16xf32>
        %add3A_319 = arith.addf %add3A_316, %mul3A_318 : vector<16xf32>
        %gather3A_320 = tpu.vector_load_idx %arg26[%add3A_80, %broadcast_in_dim3A_305] : memref<128x32xf32, #tpu.memory_space<vmem>>[vector<16xi32>, vector<16xi32>], vector<16xf32>,
        %mul3A_321 = arith.mulf %mul3A_103, %gather3A_320 : vector<16xf32>
        %add3A_322 = arith.addf %add3A_319, %mul3A_321 : vector<16xf32>
        %gather3A_323 = tpu.vector_load_idx %arg27[%add3A_80, %broadcast_in_dim3A_305] : memref<128x32xf32, #tpu.memory_space<vmem>>[vector<16xi32>, vector<16xi32>], vector<16xf32>,
        %mul3A_324 = arith.mulf %mul3A_104, %gather3A_323 : vector<16xf32>
        %add3A_325 = arith.addf %add3A_322, %mul3A_324 : vector<16xf32>
        %gather3A_326 = tpu.vector_load_idx %arg28[%add3A_80, %broadcast_in_dim3A_305] : memref<128x32xf32, #tpu.memory_space<vmem>>[vector<16xi32>, vector<16xi32>], vector<16xf32>,
        %mul3A_327 = arith.mulf %mul3A_105, %gather3A_326 : vector<16xf32>
        %add3A_328 = arith.addf %add3A_325, %mul3A_327 : vector<16xf32>
        tpu.vector_store_idx %arg29[%add3A_80, %broadcast_in_dim3A_305], %add3A_328 : memref<128x32xf32, #tpu.memory_space<vmem>>[vector<16xi32>, vector<16xi32>], vector<16xf32>,
        %broadcast_in_dim3A_329 = arith.constant 9 : i32
        %broadcast_in_dim3A_330 = vector.broadcast %broadcast_in_dim3A_329 : i32 to vector<16xi32>
        %gather3A_331 = tpu.vector_load_idx %arg21[%add3A_80, %broadcast_in_dim3A_330] : memref<128x32xf32, #tpu.memory_space<vmem>>[vector<16xi32>, vector<16xi32>], vector<16xf32>,
        %mul3A_332 = arith.mulf %mul3A_98, %gather3A_331 : vector<16xf32>
        %gather3A_333 = tpu.vector_load_idx %arg22[%add3A_80, %broadcast_in_dim3A_330] : memref<128x32xf32, #tpu.memory_space<vmem>>[vector<16xi32>, vector<16xi32>], vector<16xf32>,
        %mul3A_334 = arith.mulf %mul3A_99, %gather3A_333 : vector<16xf32>
        %add3A_335 = arith.addf %mul3A_332, %mul3A_334 : vector<16xf32>
        %gather3A_336 = tpu.vector_load_idx %arg23[%add3A_80, %broadcast_in_dim3A_330] : memref<128x32xf32, #tpu.memory_space<vmem>>[vector<16xi32>, vector<16xi32>], vector<16xf32>,
        %mul3A_337 = arith.mulf %mul3A_100, %gather3A_336 : vector<16xf32>
        %add3A_338 = arith.addf %add3A_335, %mul3A_337 : vector<16xf32>
        %gather3A_339 = tpu.vector_load_idx %arg24[%add3A_80, %broadcast_in_dim3A_330] : memref<128x32xf32, #tpu.memory_space<vmem>>[vector<16xi32>, vector<16xi32>], vector<16xf32>,
        %mul3A_340 = arith.mulf %mul3A_101, %gather3A_339 : vector<16xf32>
        %add3A_341 = arith.addf %add3A_338, %mul3A_340 : vector<16xf32>
        %gather3A_342 = tpu.vector_load_idx %arg25[%add3A_80, %broadcast_in_dim3A_330] : memref<128x32xf32, #tpu.memory_space<vmem>>[vector<16xi32>, vector<16xi32>], vector<16xf32>,
        %mul3A_343 = arith.mulf %mul3A_102, %gather3A_342 : vector<16xf32>
        %add3A_344 = arith.addf %add3A_341, %mul3A_343 : vector<16xf32>
        %gather3A_345 = tpu.vector_load_idx %arg26[%add3A_80, %broadcast_in_dim3A_330] : memref<128x32xf32, #tpu.memory_space<vmem>>[vector<16xi32>, vector<16xi32>], vector<16xf32>,
        %mul3A_346 = arith.mulf %mul3A_103, %gather3A_345 : vector<16xf32>
        %add3A_347 = arith.addf %add3A_344, %mul3A_346 : vector<16xf32>
        %gather3A_348 = tpu.vector_load_idx %arg27[%add3A_80, %broadcast_in_dim3A_330] : memref<128x32xf32, #tpu.memory_space<vmem>>[vector<16xi32>, vector<16xi32>], vector<16xf32>,
        %mul3A_349 = arith.mulf %mul3A_104, %gather3A_348 : vector<16xf32>
        %add3A_350 = arith.addf %add3A_347, %mul3A_349 : vector<16xf32>
        %gather3A_351 = tpu.vector_load_idx %arg28[%add3A_80, %broadcast_in_dim3A_330] : memref<128x32xf32, #tpu.memory_space<vmem>>[vector<16xi32>, vector<16xi32>], vector<16xf32>,
        %mul3A_352 = arith.mulf %mul3A_105, %gather3A_351 : vector<16xf32>
        %add3A_353 = arith.addf %add3A_350, %mul3A_352 : vector<16xf32>
        tpu.vector_store_idx %arg29[%add3A_80, %broadcast_in_dim3A_330], %add3A_353 : memref<128x32xf32, #tpu.memory_space<vmem>>[vector<16xi32>, vector<16xi32>], vector<16xf32>,
        %broadcast_in_dim3A_354 = arith.constant 10 : i32
        %broadcast_in_dim3A_355 = vector.broadcast %broadcast_in_dim3A_354 : i32 to vector<16xi32>
        %gather3A_356 = tpu.vector_load_idx %arg21[%add3A_80, %broadcast_in_dim3A_355] : memref<128x32xf32, #tpu.memory_space<vmem>>[vector<16xi32>, vector<16xi32>], vector<16xf32>,
        %mul3A_357 = arith.mulf %mul3A_98, %gather3A_356 : vector<16xf32>
        %gather3A_358 = tpu.vector_load_idx %arg22[%add3A_80, %broadcast_in_dim3A_355] : memref<128x32xf32, #tpu.memory_space<vmem>>[vector<16xi32>, vector<16xi32>], vector<16xf32>,
        %mul3A_359 = arith.mulf %mul3A_99, %gather3A_358 : vector<16xf32>
        %add3A_360 = arith.addf %mul3A_357, %mul3A_359 : vector<16xf32>
        %gather3A_361 = tpu.vector_load_idx %arg23[%add3A_80, %broadcast_in_dim3A_355] : memref<128x32xf32, #tpu.memory_space<vmem>>[vector<16xi32>, vector<16xi32>], vector<16xf32>,
        %mul3A_362 = arith.mulf %mul3A_100, %gather3A_361 : vector<16xf32>
        %add3A_363 = arith.addf %add3A_360, %mul3A_362 : vector<16xf32>
        %gather3A_364 = tpu.vector_load_idx %arg24[%add3A_80, %broadcast_in_dim3A_355] : memref<128x32xf32, #tpu.memory_space<vmem>>[vector<16xi32>, vector<16xi32>], vector<16xf32>,
        %mul3A_365 = arith.mulf %mul3A_101, %gather3A_364 : vector<16xf32>
        %add3A_366 = arith.addf %add3A_363, %mul3A_365 : vector<16xf32>
        %gather3A_367 = tpu.vector_load_idx %arg25[%add3A_80, %broadcast_in_dim3A_355] : memref<128x32xf32, #tpu.memory_space<vmem>>[vector<16xi32>, vector<16xi32>], vector<16xf32>,
        %mul3A_368 = arith.mulf %mul3A_102, %gather3A_367 : vector<16xf32>
        %add3A_369 = arith.addf %add3A_366, %mul3A_368 : vector<16xf32>
        %gather3A_370 = tpu.vector_load_idx %arg26[%add3A_80, %broadcast_in_dim3A_355] : memref<128x32xf32, #tpu.memory_space<vmem>>[vector<16xi32>, vector<16xi32>], vector<16xf32>,
        %mul3A_371 = arith.mulf %mul3A_103, %gather3A_370 : vector<16xf32>
        %add3A_372 = arith.addf %add3A_369, %mul3A_371 : vector<16xf32>
        %gather3A_373 = tpu.vector_load_idx %arg27[%add3A_80, %broadcast_in_dim3A_355] : memref<128x32xf32, #tpu.memory_space<vmem>>[vector<16xi32>, vector<16xi32>], vector<16xf32>,
        %mul3A_374 = arith.mulf %mul3A_104, %gather3A_373 : vector<16xf32>
        %add3A_375 = arith.addf %add3A_372, %mul3A_374 : vector<16xf32>
        %gather3A_376 = tpu.vector_load_idx %arg28[%add3A_80, %broadcast_in_dim3A_355] : memref<128x32xf32, #tpu.memory_space<vmem>>[vector<16xi32>, vector<16xi32>], vector<16xf32>,
        %mul3A_377 = arith.mulf %mul3A_105, %gather3A_376 : vector<16xf32>
        %add3A_378 = arith.addf %add3A_375, %mul3A_377 : vector<16xf32>
        tpu.vector_store_idx %arg29[%add3A_80, %broadcast_in_dim3A_355], %add3A_378 : memref<128x32xf32, #tpu.memory_space<vmem>>[vector<16xi32>, vector<16xi32>], vector<16xf32>,
        %broadcast_in_dim3A_379 = arith.constant 11 : i32
        %broadcast_in_dim3A_380 = vector.broadcast %broadcast_in_dim3A_379 : i32 to vector<16xi32>
        %gather3A_381 = tpu.vector_load_idx %arg21[%add3A_80, %broadcast_in_dim3A_380] : memref<128x32xf32, #tpu.memory_space<vmem>>[vector<16xi32>, vector<16xi32>], vector<16xf32>,
        %mul3A_382 = arith.mulf %mul3A_98, %gather3A_381 : vector<16xf32>
        %gather3A_383 = tpu.vector_load_idx %arg22[%add3A_80, %broadcast_in_dim3A_380] : memref<128x32xf32, #tpu.memory_space<vmem>>[vector<16xi32>, vector<16xi32>], vector<16xf32>,
        %mul3A_384 = arith.mulf %mul3A_99, %gather3A_383 : vector<16xf32>
        %add3A_385 = arith.addf %mul3A_382, %mul3A_384 : vector<16xf32>
        %gather3A_386 = tpu.vector_load_idx %arg23[%add3A_80, %broadcast_in_dim3A_380] : memref<128x32xf32, #tpu.memory_space<vmem>>[vector<16xi32>, vector<16xi32>], vector<16xf32>,
        %mul3A_387 = arith.mulf %mul3A_100, %gather3A_386 : vector<16xf32>
        %add3A_388 = arith.addf %add3A_385, %mul3A_387 : vector<16xf32>
        %gather3A_389 = tpu.vector_load_idx %arg24[%add3A_80, %broadcast_in_dim3A_380] : memref<128x32xf32, #tpu.memory_space<vmem>>[vector<16xi32>, vector<16xi32>], vector<16xf32>,
        %mul3A_390 = arith.mulf %mul3A_101, %gather3A_389 : vector<16xf32>
        %add3A_391 = arith.addf %add3A_388, %mul3A_390 : vector<16xf32>
        %gather3A_392 = tpu.vector_load_idx %arg25[%add3A_80, %broadcast_in_dim3A_380] : memref<128x32xf32, #tpu.memory_space<vmem>>[vector<16xi32>, vector<16xi32>], vector<16xf32>,
        %mul3A_393 = arith.mulf %mul3A_102, %gather3A_392 : vector<16xf32>
        %add3A_394 = arith.addf %add3A_391, %mul3A_393 : vector<16xf32>
        %gather3A_395 = tpu.vector_load_idx %arg26[%add3A_80, %broadcast_in_dim3A_380] : memref<128x32xf32, #tpu.memory_space<vmem>>[vector<16xi32>, vector<16xi32>], vector<16xf32>,
        %mul3A_396 = arith.mulf %mul3A_103, %gather3A_395 : vector<16xf32>
        %add3A_397 = arith.addf %add3A_394, %mul3A_396 : vector<16xf32>
        %gather3A_398 = tpu.vector_load_idx %arg27[%add3A_80, %broadcast_in_dim3A_380] : memref<128x32xf32, #tpu.memory_space<vmem>>[vector<16xi32>, vector<16xi32>], vector<16xf32>,
        %mul3A_399 = arith.mulf %mul3A_104, %gather3A_398 : vector<16xf32>
        %add3A_400 = arith.addf %add3A_397, %mul3A_399 : vector<16xf32>
        %gather3A_401 = tpu.vector_load_idx %arg28[%add3A_80, %broadcast_in_dim3A_380] : memref<128x32xf32, #tpu.memory_space<vmem>>[vector<16xi32>, vector<16xi32>], vector<16xf32>,
        %mul3A_402 = arith.mulf %mul3A_105, %gather3A_401 : vector<16xf32>
        %add3A_403 = arith.addf %add3A_400, %mul3A_402 : vector<16xf32>
        tpu.vector_store_idx %arg29[%add3A_80, %broadcast_in_dim3A_380], %add3A_403 : memref<128x32xf32, #tpu.memory_space<vmem>>[vector<16xi32>, vector<16xi32>], vector<16xf32>,
        %broadcast_in_dim3A_404 = arith.constant 12 : i32
        %broadcast_in_dim3A_405 = vector.broadcast %broadcast_in_dim3A_404 : i32 to vector<16xi32>
        %gather3A_406 = tpu.vector_load_idx %arg21[%add3A_80, %broadcast_in_dim3A_405] : memref<128x32xf32, #tpu.memory_space<vmem>>[vector<16xi32>, vector<16xi32>], vector<16xf32>,
        %mul3A_407 = arith.mulf %mul3A_98, %gather3A_406 : vector<16xf32>
        %gather3A_408 = tpu.vector_load_idx %arg22[%add3A_80, %broadcast_in_dim3A_405] : memref<128x32xf32, #tpu.memory_space<vmem>>[vector<16xi32>, vector<16xi32>], vector<16xf32>,
        %mul3A_409 = arith.mulf %mul3A_99, %gather3A_408 : vector<16xf32>
        %add3A_410 = arith.addf %mul3A_407, %mul3A_409 : vector<16xf32>
        %gather3A_411 = tpu.vector_load_idx %arg23[%add3A_80, %broadcast_in_dim3A_405] : memref<128x32xf32, #tpu.memory_space<vmem>>[vector<16xi32>, vector<16xi32>], vector<16xf32>,
        %mul3A_412 = arith.mulf %mul3A_100, %gather3A_411 : vector<16xf32>
        %add3A_413 = arith.addf %add3A_410, %mul3A_412 : vector<16xf32>
        %gather3A_414 = tpu.vector_load_idx %arg24[%add3A_80, %broadcast_in_dim3A_405] : memref<128x32xf32, #tpu.memory_space<vmem>>[vector<16xi32>, vector<16xi32>], vector<16xf32>,
        %mul3A_415 = arith.mulf %mul3A_101, %gather3A_414 : vector<16xf32>
        %add3A_416 = arith.addf %add3A_413, %mul3A_415 : vector<16xf32>
        %gather3A_417 = tpu.vector_load_idx %arg25[%add3A_80, %broadcast_in_dim3A_405] : memref<128x32xf32, #tpu.memory_space<vmem>>[vector<16xi32>, vector<16xi32>], vector<16xf32>,
        %mul3A_418 = arith.mulf %mul3A_102, %gather3A_417 : vector<16xf32>
        %add3A_419 = arith.addf %add3A_416, %mul3A_418 : vector<16xf32>
        %gather3A_420 = tpu.vector_load_idx %arg26[%add3A_80, %broadcast_in_dim3A_405] : memref<128x32xf32, #tpu.memory_space<vmem>>[vector<16xi32>, vector<16xi32>], vector<16xf32>,
        %mul3A_421 = arith.mulf %mul3A_103, %gather3A_420 : vector<16xf32>
        %add3A_422 = arith.addf %add3A_419, %mul3A_421 : vector<16xf32>
        %gather3A_423 = tpu.vector_load_idx %arg27[%add3A_80, %broadcast_in_dim3A_405] : memref<128x32xf32, #tpu.memory_space<vmem>>[vector<16xi32>, vector<16xi32>], vector<16xf32>,
        %mul3A_424 = arith.mulf %mul3A_104, %gather3A_423 : vector<16xf32>
        %add3A_425 = arith.addf %add3A_422, %mul3A_424 : vector<16xf32>
        %gather3A_426 = tpu.vector_load_idx %arg28[%add3A_80, %broadcast_in_dim3A_405] : memref<128x32xf32, #tpu.memory_space<vmem>>[vector<16xi32>, vector<16xi32>], vector<16xf32>,
        %mul3A_427 = arith.mulf %mul3A_105, %gather3A_426 : vector<16xf32>
        %add3A_428 = arith.addf %add3A_425, %mul3A_427 : vector<16xf32>
        tpu.vector_store_idx %arg29[%add3A_80, %broadcast_in_dim3A_405], %add3A_428 : memref<128x32xf32, #tpu.memory_space<vmem>>[vector<16xi32>, vector<16xi32>], vector<16xf32>,
        %broadcast_in_dim3A_429 = arith.constant 13 : i32
        %broadcast_in_dim3A_430 = vector.broadcast %broadcast_in_dim3A_429 : i32 to vector<16xi32>
        %gather3A_431 = tpu.vector_load_idx %arg21[%add3A_80, %broadcast_in_dim3A_430] : memref<128x32xf32, #tpu.memory_space<vmem>>[vector<16xi32>, vector<16xi32>], vector<16xf32>,
        %mul3A_432 = arith.mulf %mul3A_98, %gather3A_431 : vector<16xf32>
        %gather3A_433 = tpu.vector_load_idx %arg22[%add3A_80, %broadcast_in_dim3A_430] : memref<128x32xf32, #tpu.memory_space<vmem>>[vector<16xi32>, vector<16xi32>], vector<16xf32>,
        %mul3A_434 = arith.mulf %mul3A_99, %gather3A_433 : vector<16xf32>
        %add3A_435 = arith.addf %mul3A_432, %mul3A_434 : vector<16xf32>
        %gather3A_436 = tpu.vector_load_idx %arg23[%add3A_80, %broadcast_in_dim3A_430] : memref<128x32xf32, #tpu.memory_space<vmem>>[vector<16xi32>, vector<16xi32>], vector<16xf32>,
        %mul3A_437 = arith.mulf %mul3A_100, %gather3A_436 : vector<16xf32>
        %add3A_438 = arith.addf %add3A_435, %mul3A_437 : vector<16xf32>
        %gather3A_439 = tpu.vector_load_idx %arg24[%add3A_80, %broadcast_in_dim3A_430] : memref<128x32xf32, #tpu.memory_space<vmem>>[vector<16xi32>, vector<16xi32>], vector<16xf32>,
        %mul3A_440 = arith.mulf %mul3A_101, %gather3A_439 : vector<16xf32>
        %add3A_441 = arith.addf %add3A_438, %mul3A_440 : vector<16xf32>
        %gather3A_442 = tpu.vector_load_idx %arg25[%add3A_80, %broadcast_in_dim3A_430] : memref<128x32xf32, #tpu.memory_space<vmem>>[vector<16xi32>, vector<16xi32>], vector<16xf32>,
        %mul3A_443 = arith.mulf %mul3A_102, %gather3A_442 : vector<16xf32>
        %add3A_444 = arith.addf %add3A_441, %mul3A_443 : vector<16xf32>
        %gather3A_445 = tpu.vector_load_idx %arg26[%add3A_80, %broadcast_in_dim3A_430] : memref<128x32xf32, #tpu.memory_space<vmem>>[vector<16xi32>, vector<16xi32>], vector<16xf32>,
        %mul3A_446 = arith.mulf %mul3A_103, %gather3A_445 : vector<16xf32>
        %add3A_447 = arith.addf %add3A_444, %mul3A_446 : vector<16xf32>
        %gather3A_448 = tpu.vector_load_idx %arg27[%add3A_80, %broadcast_in_dim3A_430] : memref<128x32xf32, #tpu.memory_space<vmem>>[vector<16xi32>, vector<16xi32>], vector<16xf32>,
        %mul3A_449 = arith.mulf %mul3A_104, %gather3A_448 : vector<16xf32>
        %add3A_450 = arith.addf %add3A_447, %mul3A_449 : vector<16xf32>
        %gather3A_451 = tpu.vector_load_idx %arg28[%add3A_80, %broadcast_in_dim3A_430] : memref<128x32xf32, #tpu.memory_space<vmem>>[vector<16xi32>, vector<16xi32>], vector<16xf32>,
        %mul3A_452 = arith.mulf %mul3A_105, %gather3A_451 : vector<16xf32>
        %add3A_453 = arith.addf %add3A_450, %mul3A_452 : vector<16xf32>
        tpu.vector_store_idx %arg29[%add3A_80, %broadcast_in_dim3A_430], %add3A_453 : memref<128x32xf32, #tpu.memory_space<vmem>>[vector<16xi32>, vector<16xi32>], vector<16xf32>,
        %broadcast_in_dim3A_454 = arith.constant 14 : i32
        %broadcast_in_dim3A_455 = vector.broadcast %broadcast_in_dim3A_454 : i32 to vector<16xi32>
        %gather3A_456 = tpu.vector_load_idx %arg21[%add3A_80, %broadcast_in_dim3A_455] : memref<128x32xf32, #tpu.memory_space<vmem>>[vector<16xi32>, vector<16xi32>], vector<16xf32>,
        %mul3A_457 = arith.mulf %mul3A_98, %gather3A_456 : vector<16xf32>
        %gather3A_458 = tpu.vector_load_idx %arg22[%add3A_80, %broadcast_in_dim3A_455] : memref<128x32xf32, #tpu.memory_space<vmem>>[vector<16xi32>, vector<16xi32>], vector<16xf32>,
        %mul3A_459 = arith.mulf %mul3A_99, %gather3A_458 : vector<16xf32>
        %add3A_460 = arith.addf %mul3A_457, %mul3A_459 : vector<16xf32>
        %gather3A_461 = tpu.vector_load_idx %arg23[%add3A_80, %broadcast_in_dim3A_455] : memref<128x32xf32, #tpu.memory_space<vmem>>[vector<16xi32>, vector<16xi32>], vector<16xf32>,
        %mul3A_462 = arith.mulf %mul3A_100, %gather3A_461 : vector<16xf32>
        %add3A_463 = arith.addf %add3A_460, %mul3A_462 : vector<16xf32>
        %gather3A_464 = tpu.vector_load_idx %arg24[%add3A_80, %broadcast_in_dim3A_455] : memref<128x32xf32, #tpu.memory_space<vmem>>[vector<16xi32>, vector<16xi32>], vector<16xf32>,
        %mul3A_465 = arith.mulf %mul3A_101, %gather3A_464 : vector<16xf32>
        %add3A_466 = arith.addf %add3A_463, %mul3A_465 : vector<16xf32>
        %gather3A_467 = tpu.vector_load_idx %arg25[%add3A_80, %broadcast_in_dim3A_455] : memref<128x32xf32, #tpu.memory_space<vmem>>[vector<16xi32>, vector<16xi32>], vector<16xf32>,
        %mul3A_468 = arith.mulf %mul3A_102, %gather3A_467 : vector<16xf32>
        %add3A_469 = arith.addf %add3A_466, %mul3A_468 : vector<16xf32>
        %gather3A_470 = tpu.vector_load_idx %arg26[%add3A_80, %broadcast_in_dim3A_455] : memref<128x32xf32, #tpu.memory_space<vmem>>[vector<16xi32>, vector<16xi32>], vector<16xf32>,
        %mul3A_471 = arith.mulf %mul3A_103, %gather3A_470 : vector<16xf32>
        %add3A_472 = arith.addf %add3A_469, %mul3A_471 : vector<16xf32>
        %gather3A_473 = tpu.vector_load_idx %arg27[%add3A_80, %broadcast_in_dim3A_455] : memref<128x32xf32, #tpu.memory_space<vmem>>[vector<16xi32>, vector<16xi32>], vector<16xf32>,
        %mul3A_474 = arith.mulf %mul3A_104, %gather3A_473 : vector<16xf32>
        %add3A_475 = arith.addf %add3A_472, %mul3A_474 : vector<16xf32>
        %gather3A_476 = tpu.vector_load_idx %arg28[%add3A_80, %broadcast_in_dim3A_455] : memref<128x32xf32, #tpu.memory_space<vmem>>[vector<16xi32>, vector<16xi32>], vector<16xf32>,
        %mul3A_477 = arith.mulf %mul3A_105, %gather3A_476 : vector<16xf32>
        %add3A_478 = arith.addf %add3A_475, %mul3A_477 : vector<16xf32>
        tpu.vector_store_idx %arg29[%add3A_80, %broadcast_in_dim3A_455], %add3A_478 : memref<128x32xf32, #tpu.memory_space<vmem>>[vector<16xi32>, vector<16xi32>], vector<16xf32>,
        %broadcast_in_dim3A_479 = arith.constant 15 : i32
        %broadcast_in_dim3A_480 = vector.broadcast %broadcast_in_dim3A_479 : i32 to vector<16xi32>
        %gather3A_481 = tpu.vector_load_idx %arg21[%add3A_80, %broadcast_in_dim3A_480] : memref<128x32xf32, #tpu.memory_space<vmem>>[vector<16xi32>, vector<16xi32>], vector<16xf32>,
        %mul3A_482 = arith.mulf %mul3A_98, %gather3A_481 : vector<16xf32>
        %gather3A_483 = tpu.vector_load_idx %arg22[%add3A_80, %broadcast_in_dim3A_480] : memref<128x32xf32, #tpu.memory_space<vmem>>[vector<16xi32>, vector<16xi32>], vector<16xf32>,
        %mul3A_484 = arith.mulf %mul3A_99, %gather3A_483 : vector<16xf32>
        %add3A_485 = arith.addf %mul3A_482, %mul3A_484 : vector<16xf32>
        %gather3A_486 = tpu.vector_load_idx %arg23[%add3A_80, %broadcast_in_dim3A_480] : memref<128x32xf32, #tpu.memory_space<vmem>>[vector<16xi32>, vector<16xi32>], vector<16xf32>,
        %mul3A_487 = arith.mulf %mul3A_100, %gather3A_486 : vector<16xf32>
        %add3A_488 = arith.addf %add3A_485, %mul3A_487 : vector<16xf32>
        %gather3A_489 = tpu.vector_load_idx %arg24[%add3A_80, %broadcast_in_dim3A_480] : memref<128x32xf32, #tpu.memory_space<vmem>>[vector<16xi32>, vector<16xi32>], vector<16xf32>,
        %mul3A_490 = arith.mulf %mul3A_101, %gather3A_489 : vector<16xf32>
        %add3A_491 = arith.addf %add3A_488, %mul3A_490 : vector<16xf32>
        %gather3A_492 = tpu.vector_load_idx %arg25[%add3A_80, %broadcast_in_dim3A_480] : memref<128x32xf32, #tpu.memory_space<vmem>>[vector<16xi32>, vector<16xi32>], vector<16xf32>,
        %mul3A_493 = arith.mulf %mul3A_102, %gather3A_492 : vector<16xf32>
        %add3A_494 = arith.addf %add3A_491, %mul3A_493 : vector<16xf32>
        %gather3A_495 = tpu.vector_load_idx %arg26[%add3A_80, %broadcast_in_dim3A_480] : memref<128x32xf32, #tpu.memory_space<vmem>>[vector<16xi32>, vector<16xi32>], vector<16xf32>,
        %mul3A_496 = arith.mulf %mul3A_103, %gather3A_495 : vector<16xf32>
        %add3A_497 = arith.addf %add3A_494, %mul3A_496 : vector<16xf32>
        %gather3A_498 = tpu.vector_load_idx %arg27[%add3A_80, %broadcast_in_dim3A_480] : memref<128x32xf32, #tpu.memory_space<vmem>>[vector<16xi32>, vector<16xi32>], vector<16xf32>,
        %mul3A_499 = arith.mulf %mul3A_104, %gather3A_498 : vector<16xf32>
        %add3A_500 = arith.addf %add3A_497, %mul3A_499 : vector<16xf32>
        %gather3A_501 = tpu.vector_load_idx %arg28[%add3A_80, %broadcast_in_dim3A_480] : memref<128x32xf32, #tpu.memory_space<vmem>>[vector<16xi32>, vector<16xi32>], vector<16xf32>,
        %mul3A_502 = arith.mulf %mul3A_105, %gather3A_501 : vector<16xf32>
        %add3A_503 = arith.addf %add3A_500, %mul3A_502 : vector<16xf32>
        tpu.vector_store_idx %arg29[%add3A_80, %broadcast_in_dim3A_480], %add3A_503 : memref<128x32xf32, #tpu.memory_space<vmem>>[vector<16xi32>, vector<16xi32>], vector<16xf32>,
        %broadcast_in_dim3A_504 = arith.constant 16 : i32
        %broadcast_in_dim3A_505 = vector.broadcast %broadcast_in_dim3A_504 : i32 to vector<16xi32>
        %gather3A_506 = tpu.vector_load_idx %arg21[%add3A_80, %broadcast_in_dim3A_505] : memref<128x32xf32, #tpu.memory_space<vmem>>[vector<16xi32>, vector<16xi32>], vector<16xf32>,
        %mul3A_507 = arith.mulf %mul3A_98, %gather3A_506 : vector<16xf32>
        %gather3A_508 = tpu.vector_load_idx %arg22[%add3A_80, %broadcast_in_dim3A_505] : memref<128x32xf32, #tpu.memory_space<vmem>>[vector<16xi32>, vector<16xi32>], vector<16xf32>,
        %mul3A_509 = arith.mulf %mul3A_99, %gather3A_508 : vector<16xf32>
        %add3A_510 = arith.addf %mul3A_507, %mul3A_509 : vector<16xf32>
        %gather3A_511 = tpu.vector_load_idx %arg23[%add3A_80, %broadcast_in_dim3A_505] : memref<128x32xf32, #tpu.memory_space<vmem>>[vector<16xi32>, vector<16xi32>], vector<16xf32>,
        %mul3A_512 = arith.mulf %mul3A_100, %gather3A_511 : vector<16xf32>
        %add3A_513 = arith.addf %add3A_510, %mul3A_512 : vector<16xf32>
        %gather3A_514 = tpu.vector_load_idx %arg24[%add3A_80, %broadcast_in_dim3A_505] : memref<128x32xf32, #tpu.memory_space<vmem>>[vector<16xi32>, vector<16xi32>], vector<16xf32>,
        %mul3A_515 = arith.mulf %mul3A_101, %gather3A_514 : vector<16xf32>
        %add3A_516 = arith.addf %add3A_513, %mul3A_515 : vector<16xf32>
        %gather3A_517 = tpu.vector_load_idx %arg25[%add3A_80, %broadcast_in_dim3A_505] : memref<128x32xf32, #tpu.memory_space<vmem>>[vector<16xi32>, vector<16xi32>], vector<16xf32>,
        %mul3A_518 = arith.mulf %mul3A_102, %gather3A_517 : vector<16xf32>
        %add3A_519 = arith.addf %add3A_516, %mul3A_518 : vector<16xf32>
        %gather3A_520 = tpu.vector_load_idx %arg26[%add3A_80, %broadcast_in_dim3A_505] : memref<128x32xf32, #tpu.memory_space<vmem>>[vector<16xi32>, vector<16xi32>], vector<16xf32>,
        %mul3A_521 = arith.mulf %mul3A_103, %gather3A_520 : vector<16xf32>
        %add3A_522 = arith.addf %add3A_519, %mul3A_521 : vector<16xf32>
        %gather3A_523 = tpu.vector_load_idx %arg27[%add3A_80, %broadcast_in_dim3A_505] : memref<128x32xf32, #tpu.memory_space<vmem>>[vector<16xi32>, vector<16xi32>], vector<16xf32>,
        %mul3A_524 = arith.mulf %mul3A_104, %gather3A_523 : vector<16xf32>
        %add3A_525 = arith.addf %add3A_522, %mul3A_524 : vector<16xf32>
        %gather3A_526 = tpu.vector_load_idx %arg28[%add3A_80, %broadcast_in_dim3A_505] : memref<128x32xf32, #tpu.memory_space<vmem>>[vector<16xi32>, vector<16xi32>], vector<16xf32>,
        %mul3A_527 = arith.mulf %mul3A_105, %gather3A_526 : vector<16xf32>
        %add3A_528 = arith.addf %add3A_525, %mul3A_527 : vector<16xf32>
        tpu.vector_store_idx %arg29[%add3A_80, %broadcast_in_dim3A_505], %add3A_528 : memref<128x32xf32, #tpu.memory_space<vmem>>[vector<16xi32>, vector<16xi32>], vector<16xf32>,
        %broadcast_in_dim3A_529 = arith.constant 17 : i32
        %broadcast_in_dim3A_530 = vector.broadcast %broadcast_in_dim3A_529 : i32 to vector<16xi32>
        %gather3A_531 = tpu.vector_load_idx %arg21[%add3A_80, %broadcast_in_dim3A_530] : memref<128x32xf32, #tpu.memory_space<vmem>>[vector<16xi32>, vector<16xi32>], vector<16xf32>,
        %mul3A_532 = arith.mulf %mul3A_98, %gather3A_531 : vector<16xf32>
        %gather3A_533 = tpu.vector_load_idx %arg22[%add3A_80, %broadcast_in_dim3A_530] : memref<128x32xf32, #tpu.memory_space<vmem>>[vector<16xi32>, vector<16xi32>], vector<16xf32>,
        %mul3A_534 = arith.mulf %mul3A_99, %gather3A_533 : vector<16xf32>
        %add3A_535 = arith.addf %mul3A_532, %mul3A_534 : vector<16xf32>
        %gather3A_536 = tpu.vector_load_idx %arg23[%add3A_80, %broadcast_in_dim3A_530] : memref<128x32xf32, #tpu.memory_space<vmem>>[vector<16xi32>, vector<16xi32>], vector<16xf32>,
        %mul3A_537 = arith.mulf %mul3A_100, %gather3A_536 : vector<16xf32>
        %add3A_538 = arith.addf %add3A_535, %mul3A_537 : vector<16xf32>
        %gather3A_539 = tpu.vector_load_idx %arg24[%add3A_80, %broadcast_in_dim3A_530] : memref<128x32xf32, #tpu.memory_space<vmem>>[vector<16xi32>, vector<16xi32>], vector<16xf32>,
        %mul3A_540 = arith.mulf %mul3A_101, %gather3A_539 : vector<16xf32>
        %add3A_541 = arith.addf %add3A_538, %mul3A_540 : vector<16xf32>
        %gather3A_542 = tpu.vector_load_idx %arg25[%add3A_80, %broadcast_in_dim3A_530] : memref<128x32xf32, #tpu.memory_space<vmem>>[vector<16xi32>, vector<16xi32>], vector<16xf32>,
        %mul3A_543 = arith.mulf %mul3A_102, %gather3A_542 : vector<16xf32>
        %add3A_544 = arith.addf %add3A_541, %mul3A_543 : vector<16xf32>
        %gather3A_545 = tpu.vector_load_idx %arg26[%add3A_80, %broadcast_in_dim3A_530] : memref<128x32xf32, #tpu.memory_space<vmem>>[vector<16xi32>, vector<16xi32>], vector<16xf32>,
        %mul3A_546 = arith.mulf %mul3A_103, %gather3A_545 : vector<16xf32>
        %add3A_547 = arith.addf %add3A_544, %mul3A_546 : vector<16xf32>
        %gather3A_548 = tpu.vector_load_idx %arg27[%add3A_80, %broadcast_in_dim3A_530] : memref<128x32xf32, #tpu.memory_space<vmem>>[vector<16xi32>, vector<16xi32>], vector<16xf32>,
        %mul3A_549 = arith.mulf %mul3A_104, %gather3A_548 : vector<16xf32>
        %add3A_550 = arith.addf %add3A_547, %mul3A_549 : vector<16xf32>
        %gather3A_551 = tpu.vector_load_idx %arg28[%add3A_80, %broadcast_in_dim3A_530] : memref<128x32xf32, #tpu.memory_space<vmem>>[vector<16xi32>, vector<16xi32>], vector<16xf32>,
        %mul3A_552 = arith.mulf %mul3A_105, %gather3A_551 : vector<16xf32>
        %add3A_553 = arith.addf %add3A_550, %mul3A_552 : vector<16xf32>
        tpu.vector_store_idx %arg29[%add3A_80, %broadcast_in_dim3A_530], %add3A_553 : memref<128x32xf32, #tpu.memory_space<vmem>>[vector<16xi32>, vector<16xi32>], vector<16xf32>,
        %broadcast_in_dim3A_554 = arith.constant 18 : i32
        %broadcast_in_dim3A_555 = vector.broadcast %broadcast_in_dim3A_554 : i32 to vector<16xi32>
        %gather3A_556 = tpu.vector_load_idx %arg21[%add3A_80, %broadcast_in_dim3A_555] : memref<128x32xf32, #tpu.memory_space<vmem>>[vector<16xi32>, vector<16xi32>], vector<16xf32>,
        %mul3A_557 = arith.mulf %mul3A_98, %gather3A_556 : vector<16xf32>
        %gather3A_558 = tpu.vector_load_idx %arg22[%add3A_80, %broadcast_in_dim3A_555] : memref<128x32xf32, #tpu.memory_space<vmem>>[vector<16xi32>, vector<16xi32>], vector<16xf32>,
        %mul3A_559 = arith.mulf %mul3A_99, %gather3A_558 : vector<16xf32>
        %add3A_560 = arith.addf %mul3A_557, %mul3A_559 : vector<16xf32>
        %gather3A_561 = tpu.vector_load_idx %arg23[%add3A_80, %broadcast_in_dim3A_555] : memref<128x32xf32, #tpu.memory_space<vmem>>[vector<16xi32>, vector<16xi32>], vector<16xf32>,
        %mul3A_562 = arith.mulf %mul3A_100, %gather3A_561 : vector<16xf32>
        %add3A_563 = arith.addf %add3A_560, %mul3A_562 : vector<16xf32>
        %gather3A_564 = tpu.vector_load_idx %arg24[%add3A_80, %broadcast_in_dim3A_555] : memref<128x32xf32, #tpu.memory_space<vmem>>[vector<16xi32>, vector<16xi32>], vector<16xf32>,
        %mul3A_565 = arith.mulf %mul3A_101, %gather3A_564 : vector<16xf32>
        %add3A_566 = arith.addf %add3A_563, %mul3A_565 : vector<16xf32>
        %gather3A_567 = tpu.vector_load_idx %arg25[%add3A_80, %broadcast_in_dim3A_555] : memref<128x32xf32, #tpu.memory_space<vmem>>[vector<16xi32>, vector<16xi32>], vector<16xf32>,
        %mul3A_568 = arith.mulf %mul3A_102, %gather3A_567 : vector<16xf32>
        %add3A_569 = arith.addf %add3A_566, %mul3A_568 : vector<16xf32>
        %gather3A_570 = tpu.vector_load_idx %arg26[%add3A_80, %broadcast_in_dim3A_555] : memref<128x32xf32, #tpu.memory_space<vmem>>[vector<16xi32>, vector<16xi32>], vector<16xf32>,
        %mul3A_571 = arith.mulf %mul3A_103, %gather3A_570 : vector<16xf32>
        %add3A_572 = arith.addf %add3A_569, %mul3A_571 : vector<16xf32>
        %gather3A_573 = tpu.vector_load_idx %arg27[%add3A_80, %broadcast_in_dim3A_555] : memref<128x32xf32, #tpu.memory_space<vmem>>[vector<16xi32>, vector<16xi32>], vector<16xf32>,
        %mul3A_574 = arith.mulf %mul3A_104, %gather3A_573 : vector<16xf32>
        %add3A_575 = arith.addf %add3A_572, %mul3A_574 : vector<16xf32>
        %gather3A_576 = tpu.vector_load_idx %arg28[%add3A_80, %broadcast_in_dim3A_555] : memref<128x32xf32, #tpu.memory_space<vmem>>[vector<16xi32>, vector<16xi32>], vector<16xf32>,
        %mul3A_577 = arith.mulf %mul3A_105, %gather3A_576 : vector<16xf32>
        %add3A_578 = arith.addf %add3A_575, %mul3A_577 : vector<16xf32>
        tpu.vector_store_idx %arg29[%add3A_80, %broadcast_in_dim3A_555], %add3A_578 : memref<128x32xf32, #tpu.memory_space<vmem>>[vector<16xi32>, vector<16xi32>], vector<16xf32>,
        %broadcast_in_dim3A_579 = arith.constant 19 : i32
        %broadcast_in_dim3A_580 = vector.broadcast %broadcast_in_dim3A_579 : i32 to vector<16xi32>
        %gather3A_581 = tpu.vector_load_idx %arg21[%add3A_80, %broadcast_in_dim3A_580] : memref<128x32xf32, #tpu.memory_space<vmem>>[vector<16xi32>, vector<16xi32>], vector<16xf32>,
        %mul3A_582 = arith.mulf %mul3A_98, %gather3A_581 : vector<16xf32>
        %gather3A_583 = tpu.vector_load_idx %arg22[%add3A_80, %broadcast_in_dim3A_580] : memref<128x32xf32, #tpu.memory_space<vmem>>[vector<16xi32>, vector<16xi32>], vector<16xf32>,
        %mul3A_584 = arith.mulf %mul3A_99, %gather3A_583 : vector<16xf32>
        %add3A_585 = arith.addf %mul3A_582, %mul3A_584 : vector<16xf32>
        %gather3A_586 = tpu.vector_load_idx %arg23[%add3A_80, %broadcast_in_dim3A_580] : memref<128x32xf32, #tpu.memory_space<vmem>>[vector<16xi32>, vector<16xi32>], vector<16xf32>,
        %mul3A_587 = arith.mulf %mul3A_100, %gather3A_586 : vector<16xf32>
        %add3A_588 = arith.addf %add3A_585, %mul3A_587 : vector<16xf32>
        %gather3A_589 = tpu.vector_load_idx %arg24[%add3A_80, %broadcast_in_dim3A_580] : memref<128x32xf32, #tpu.memory_space<vmem>>[vector<16xi32>, vector<16xi32>], vector<16xf32>,
        %mul3A_590 = arith.mulf %mul3A_101, %gather3A_589 : vector<16xf32>
        %add3A_591 = arith.addf %add3A_588, %mul3A_590 : vector<16xf32>
        %gather3A_592 = tpu.vector_load_idx %arg25[%add3A_80, %broadcast_in_dim3A_580] : memref<128x32xf32, #tpu.memory_space<vmem>>[vector<16xi32>, vector<16xi32>], vector<16xf32>,
        %mul3A_593 = arith.mulf %mul3A_102, %gather3A_592 : vector<16xf32>
        %add3A_594 = arith.addf %add3A_591, %mul3A_593 : vector<16xf32>
        %gather3A_595 = tpu.vector_load_idx %arg26[%add3A_80, %broadcast_in_dim3A_580] : memref<128x32xf32, #tpu.memory_space<vmem>>[vector<16xi32>, vector<16xi32>], vector<16xf32>,
        %mul3A_596 = arith.mulf %mul3A_103, %gather3A_595 : vector<16xf32>
        %add3A_597 = arith.addf %add3A_594, %mul3A_596 : vector<16xf32>
        %gather3A_598 = tpu.vector_load_idx %arg27[%add3A_80, %broadcast_in_dim3A_580] : memref<128x32xf32, #tpu.memory_space<vmem>>[vector<16xi32>, vector<16xi32>], vector<16xf32>,
        %mul3A_599 = arith.mulf %mul3A_104, %gather3A_598 : vector<16xf32>
        %add3A_600 = arith.addf %add3A_597, %mul3A_599 : vector<16xf32>
        %gather3A_601 = tpu.vector_load_idx %arg28[%add3A_80, %broadcast_in_dim3A_580] : memref<128x32xf32, #tpu.memory_space<vmem>>[vector<16xi32>, vector<16xi32>], vector<16xf32>,
        %mul3A_602 = arith.mulf %mul3A_105, %gather3A_601 : vector<16xf32>
        %add3A_603 = arith.addf %add3A_600, %mul3A_602 : vector<16xf32>
        tpu.vector_store_idx %arg29[%add3A_80, %broadcast_in_dim3A_580], %add3A_603 : memref<128x32xf32, #tpu.memory_space<vmem>>[vector<16xi32>, vector<16xi32>], vector<16xf32>,
        %broadcast_in_dim3A_604 = arith.constant 20 : i32
        %broadcast_in_dim3A_605 = vector.broadcast %broadcast_in_dim3A_604 : i32 to vector<16xi32>
        %gather3A_606 = tpu.vector_load_idx %arg21[%add3A_80, %broadcast_in_dim3A_605] : memref<128x32xf32, #tpu.memory_space<vmem>>[vector<16xi32>, vector<16xi32>], vector<16xf32>,
        %mul3A_607 = arith.mulf %mul3A_98, %gather3A_606 : vector<16xf32>
        %gather3A_608 = tpu.vector_load_idx %arg22[%add3A_80, %broadcast_in_dim3A_605] : memref<128x32xf32, #tpu.memory_space<vmem>>[vector<16xi32>, vector<16xi32>], vector<16xf32>,
        %mul3A_609 = arith.mulf %mul3A_99, %gather3A_608 : vector<16xf32>
        %add3A_610 = arith.addf %mul3A_607, %mul3A_609 : vector<16xf32>
        %gather3A_611 = tpu.vector_load_idx %arg23[%add3A_80, %broadcast_in_dim3A_605] : memref<128x32xf32, #tpu.memory_space<vmem>>[vector<16xi32>, vector<16xi32>], vector<16xf32>,
        %mul3A_612 = arith.mulf %mul3A_100, %gather3A_611 : vector<16xf32>
        %add3A_613 = arith.addf %add3A_610, %mul3A_612 : vector<16xf32>
        %gather3A_614 = tpu.vector_load_idx %arg24[%add3A_80, %broadcast_in_dim3A_605] : memref<128x32xf32, #tpu.memory_space<vmem>>[vector<16xi32>, vector<16xi32>], vector<16xf32>,
        %mul3A_615 = arith.mulf %mul3A_101, %gather3A_614 : vector<16xf32>
        %add3A_616 = arith.addf %add3A_613, %mul3A_615 : vector<16xf32>
        %gather3A_617 = tpu.vector_load_idx %arg25[%add3A_80, %broadcast_in_dim3A_605] : memref<128x32xf32, #tpu.memory_space<vmem>>[vector<16xi32>, vector<16xi32>], vector<16xf32>,
        %mul3A_618 = arith.mulf %mul3A_102, %gather3A_617 : vector<16xf32>
        %add3A_619 = arith.addf %add3A_616, %mul3A_618 : vector<16xf32>
        %gather3A_620 = tpu.vector_load_idx %arg26[%add3A_80, %broadcast_in_dim3A_605] : memref<128x32xf32, #tpu.memory_space<vmem>>[vector<16xi32>, vector<16xi32>], vector<16xf32>,
        %mul3A_621 = arith.mulf %mul3A_103, %gather3A_620 : vector<16xf32>
        %add3A_622 = arith.addf %add3A_619, %mul3A_621 : vector<16xf32>
        %gather3A_623 = tpu.vector_load_idx %arg27[%add3A_80, %broadcast_in_dim3A_605] : memref<128x32xf32, #tpu.memory_space<vmem>>[vector<16xi32>, vector<16xi32>], vector<16xf32>,
        %mul3A_624 = arith.mulf %mul3A_104, %gather3A_623 : vector<16xf32>
        %add3A_625 = arith.addf %add3A_622, %mul3A_624 : vector<16xf32>
        %gather3A_626 = tpu.vector_load_idx %arg28[%add3A_80, %broadcast_in_dim3A_605] : memref<128x32xf32, #tpu.memory_space<vmem>>[vector<16xi32>, vector<16xi32>], vector<16xf32>,
        %mul3A_627 = arith.mulf %mul3A_105, %gather3A_626 : vector<16xf32>
        %add3A_628 = arith.addf %add3A_625, %mul3A_627 : vector<16xf32>
        tpu.vector_store_idx %arg29[%add3A_80, %broadcast_in_dim3A_605], %add3A_628 : memref<128x32xf32, #tpu.memory_space<vmem>>[vector<16xi32>, vector<16xi32>], vector<16xf32>,
        %broadcast_in_dim3A_629 = arith.constant 21 : i32
        %broadcast_in_dim3A_630 = vector.broadcast %broadcast_in_dim3A_629 : i32 to vector<16xi32>
        %gather3A_631 = tpu.vector_load_idx %arg21[%add3A_80, %broadcast_in_dim3A_630] : memref<128x32xf32, #tpu.memory_space<vmem>>[vector<16xi32>, vector<16xi32>], vector<16xf32>,
        %mul3A_632 = arith.mulf %mul3A_98, %gather3A_631 : vector<16xf32>
        %gather3A_633 = tpu.vector_load_idx %arg22[%add3A_80, %broadcast_in_dim3A_630] : memref<128x32xf32, #tpu.memory_space<vmem>>[vector<16xi32>, vector<16xi32>], vector<16xf32>,
        %mul3A_634 = arith.mulf %mul3A_99, %gather3A_633 : vector<16xf32>
        %add3A_635 = arith.addf %mul3A_632, %mul3A_634 : vector<16xf32>
        %gather3A_636 = tpu.vector_load_idx %arg23[%add3A_80, %broadcast_in_dim3A_630] : memref<128x32xf32, #tpu.memory_space<vmem>>[vector<16xi32>, vector<16xi32>], vector<16xf32>,
        %mul3A_637 = arith.mulf %mul3A_100, %gather3A_636 : vector<16xf32>
        %add3A_638 = arith.addf %add3A_635, %mul3A_637 : vector<16xf32>
        %gather3A_639 = tpu.vector_load_idx %arg24[%add3A_80, %broadcast_in_dim3A_630] : memref<128x32xf32, #tpu.memory_space<vmem>>[vector<16xi32>, vector<16xi32>], vector<16xf32>,
        %mul3A_640 = arith.mulf %mul3A_101, %gather3A_639 : vector<16xf32>
        %add3A_641 = arith.addf %add3A_638, %mul3A_640 : vector<16xf32>
        %gather3A_642 = tpu.vector_load_idx %arg25[%add3A_80, %broadcast_in_dim3A_630] : memref<128x32xf32, #tpu.memory_space<vmem>>[vector<16xi32>, vector<16xi32>], vector<16xf32>,
        %mul3A_643 = arith.mulf %mul3A_102, %gather3A_642 : vector<16xf32>
        %add3A_644 = arith.addf %add3A_641, %mul3A_643 : vector<16xf32>
        %gather3A_645 = tpu.vector_load_idx %arg26[%add3A_80, %broadcast_in_dim3A_630] : memref<128x32xf32, #tpu.memory_space<vmem>>[vector<16xi32>, vector<16xi32>], vector<16xf32>,
        %mul3A_646 = arith.mulf %mul3A_103, %gather3A_645 : vector<16xf32>
        %add3A_647 = arith.addf %add3A_644, %mul3A_646 : vector<16xf32>
        %gather3A_648 = tpu.vector_load_idx %arg27[%add3A_80, %broadcast_in_dim3A_630] : memref<128x32xf32, #tpu.memory_space<vmem>>[vector<16xi32>, vector<16xi32>], vector<16xf32>,
        %mul3A_649 = arith.mulf %mul3A_104, %gather3A_648 : vector<16xf32>
        %add3A_650 = arith.addf %add3A_647, %mul3A_649 : vector<16xf32>
        %gather3A_651 = tpu.vector_load_idx %arg28[%add3A_80, %broadcast_in_dim3A_630] : memref<128x32xf32, #tpu.memory_space<vmem>>[vector<16xi32>, vector<16xi32>], vector<16xf32>,
        %mul3A_652 = arith.mulf %mul3A_105, %gather3A_651 : vector<16xf32>
        %add3A_653 = arith.addf %add3A_650, %mul3A_652 : vector<16xf32>
        tpu.vector_store_idx %arg29[%add3A_80, %broadcast_in_dim3A_630], %add3A_653 : memref<128x32xf32, #tpu.memory_space<vmem>>[vector<16xi32>, vector<16xi32>], vector<16xf32>,
        %broadcast_in_dim3A_654 = arith.constant 22 : i32
        %broadcast_in_dim3A_655 = vector.broadcast %broadcast_in_dim3A_654 : i32 to vector<16xi32>
        %gather3A_656 = tpu.vector_load_idx %arg21[%add3A_80, %broadcast_in_dim3A_655] : memref<128x32xf32, #tpu.memory_space<vmem>>[vector<16xi32>, vector<16xi32>], vector<16xf32>,
        %mul3A_657 = arith.mulf %mul3A_98, %gather3A_656 : vector<16xf32>
        %gather3A_658 = tpu.vector_load_idx %arg22[%add3A_80, %broadcast_in_dim3A_655] : memref<128x32xf32, #tpu.memory_space<vmem>>[vector<16xi32>, vector<16xi32>], vector<16xf32>,
        %mul3A_659 = arith.mulf %mul3A_99, %gather3A_658 : vector<16xf32>
        %add3A_660 = arith.addf %mul3A_657, %mul3A_659 : vector<16xf32>
        %gather3A_661 = tpu.vector_load_idx %arg23[%add3A_80, %broadcast_in_dim3A_655] : memref<128x32xf32, #tpu.memory_space<vmem>>[vector<16xi32>, vector<16xi32>], vector<16xf32>,
        %mul3A_662 = arith.mulf %mul3A_100, %gather3A_661 : vector<16xf32>
        %add3A_663 = arith.addf %add3A_660, %mul3A_662 : vector<16xf32>
        %gather3A_664 = tpu.vector_load_idx %arg24[%add3A_80, %broadcast_in_dim3A_655] : memref<128x32xf32, #tpu.memory_space<vmem>>[vector<16xi32>, vector<16xi32>], vector<16xf32>,
        %mul3A_665 = arith.mulf %mul3A_101, %gather3A_664 : vector<16xf32>
        %add3A_666 = arith.addf %add3A_663, %mul3A_665 : vector<16xf32>
        %gather3A_667 = tpu.vector_load_idx %arg25[%add3A_80, %broadcast_in_dim3A_655] : memref<128x32xf32, #tpu.memory_space<vmem>>[vector<16xi32>, vector<16xi32>], vector<16xf32>,
        %mul3A_668 = arith.mulf %mul3A_102, %gather3A_667 : vector<16xf32>
        %add3A_669 = arith.addf %add3A_666, %mul3A_668 : vector<16xf32>
        %gather3A_670 = tpu.vector_load_idx %arg26[%add3A_80, %broadcast_in_dim3A_655] : memref<128x32xf32, #tpu.memory_space<vmem>>[vector<16xi32>, vector<16xi32>], vector<16xf32>,
        %mul3A_671 = arith.mulf %mul3A_103, %gather3A_670 : vector<16xf32>
        %add3A_672 = arith.addf %add3A_669, %mul3A_671 : vector<16xf32>
        %gather3A_673 = tpu.vector_load_idx %arg27[%add3A_80, %broadcast_in_dim3A_655] : memref<128x32xf32, #tpu.memory_space<vmem>>[vector<16xi32>, vector<16xi32>], vector<16xf32>,
        %mul3A_674 = arith.mulf %mul3A_104, %gather3A_673 : vector<16xf32>
        %add3A_675 = arith.addf %add3A_672, %mul3A_674 : vector<16xf32>
        %gather3A_676 = tpu.vector_load_idx %arg28[%add3A_80, %broadcast_in_dim3A_655] : memref<128x32xf32, #tpu.memory_space<vmem>>[vector<16xi32>, vector<16xi32>], vector<16xf32>,
        %mul3A_677 = arith.mulf %mul3A_105, %gather3A_676 : vector<16xf32>
        %add3A_678 = arith.addf %add3A_675, %mul3A_677 : vector<16xf32>
        tpu.vector_store_idx %arg29[%add3A_80, %broadcast_in_dim3A_655], %add3A_678 : memref<128x32xf32, #tpu.memory_space<vmem>>[vector<16xi32>, vector<16xi32>], vector<16xf32>,
        %broadcast_in_dim3A_679 = arith.constant 23 : i32
        %broadcast_in_dim3A_680 = vector.broadcast %broadcast_in_dim3A_679 : i32 to vector<16xi32>
        %gather3A_681 = tpu.vector_load_idx %arg21[%add3A_80, %broadcast_in_dim3A_680] : memref<128x32xf32, #tpu.memory_space<vmem>>[vector<16xi32>, vector<16xi32>], vector<16xf32>,
        %mul3A_682 = arith.mulf %mul3A_98, %gather3A_681 : vector<16xf32>
        %gather3A_683 = tpu.vector_load_idx %arg22[%add3A_80, %broadcast_in_dim3A_680] : memref<128x32xf32, #tpu.memory_space<vmem>>[vector<16xi32>, vector<16xi32>], vector<16xf32>,
        %mul3A_684 = arith.mulf %mul3A_99, %gather3A_683 : vector<16xf32>
        %add3A_685 = arith.addf %mul3A_682, %mul3A_684 : vector<16xf32>
        %gather3A_686 = tpu.vector_load_idx %arg23[%add3A_80, %broadcast_in_dim3A_680] : memref<128x32xf32, #tpu.memory_space<vmem>>[vector<16xi32>, vector<16xi32>], vector<16xf32>,
        %mul3A_687 = arith.mulf %mul3A_100, %gather3A_686 : vector<16xf32>
        %add3A_688 = arith.addf %add3A_685, %mul3A_687 : vector<16xf32>
        %gather3A_689 = tpu.vector_load_idx %arg24[%add3A_80, %broadcast_in_dim3A_680] : memref<128x32xf32, #tpu.memory_space<vmem>>[vector<16xi32>, vector<16xi32>], vector<16xf32>,
        %mul3A_690 = arith.mulf %mul3A_101, %gather3A_689 : vector<16xf32>
        %add3A_691 = arith.addf %add3A_688, %mul3A_690 : vector<16xf32>
        %gather3A_692 = tpu.vector_load_idx %arg25[%add3A_80, %broadcast_in_dim3A_680] : memref<128x32xf32, #tpu.memory_space<vmem>>[vector<16xi32>, vector<16xi32>], vector<16xf32>,
        %mul3A_693 = arith.mulf %mul3A_102, %gather3A_692 : vector<16xf32>
        %add3A_694 = arith.addf %add3A_691, %mul3A_693 : vector<16xf32>
        %gather3A_695 = tpu.vector_load_idx %arg26[%add3A_80, %broadcast_in_dim3A_680] : memref<128x32xf32, #tpu.memory_space<vmem>>[vector<16xi32>, vector<16xi32>], vector<16xf32>,
        %mul3A_696 = arith.mulf %mul3A_103, %gather3A_695 : vector<16xf32>
        %add3A_697 = arith.addf %add3A_694, %mul3A_696 : vector<16xf32>
        %gather3A_698 = tpu.vector_load_idx %arg27[%add3A_80, %broadcast_in_dim3A_680] : memref<128x32xf32, #tpu.memory_space<vmem>>[vector<16xi32>, vector<16xi32>], vector<16xf32>,
        %mul3A_699 = arith.mulf %mul3A_104, %gather3A_698 : vector<16xf32>
        %add3A_700 = arith.addf %add3A_697, %mul3A_699 : vector<16xf32>
        %gather3A_701 = tpu.vector_load_idx %arg28[%add3A_80, %broadcast_in_dim3A_680] : memref<128x32xf32, #tpu.memory_space<vmem>>[vector<16xi32>, vector<16xi32>], vector<16xf32>,
        %mul3A_702 = arith.mulf %mul3A_105, %gather3A_701 : vector<16xf32>
        %add3A_703 = arith.addf %add3A_700, %mul3A_702 : vector<16xf32>
        tpu.vector_store_idx %arg29[%add3A_80, %broadcast_in_dim3A_680], %add3A_703 : memref<128x32xf32, #tpu.memory_space<vmem>>[vector<16xi32>, vector<16xi32>], vector<16xf32>,
        %broadcast_in_dim3A_704 = arith.constant 24 : i32
        %broadcast_in_dim3A_705 = vector.broadcast %broadcast_in_dim3A_704 : i32 to vector<16xi32>
        %gather3A_706 = tpu.vector_load_idx %arg21[%add3A_80, %broadcast_in_dim3A_705] : memref<128x32xf32, #tpu.memory_space<vmem>>[vector<16xi32>, vector<16xi32>], vector<16xf32>,
        %mul3A_707 = arith.mulf %mul3A_98, %gather3A_706 : vector<16xf32>
        %gather3A_708 = tpu.vector_load_idx %arg22[%add3A_80, %broadcast_in_dim3A_705] : memref<128x32xf32, #tpu.memory_space<vmem>>[vector<16xi32>, vector<16xi32>], vector<16xf32>,
        %mul3A_709 = arith.mulf %mul3A_99, %gather3A_708 : vector<16xf32>
        %add3A_710 = arith.addf %mul3A_707, %mul3A_709 : vector<16xf32>
        %gather3A_711 = tpu.vector_load_idx %arg23[%add3A_80, %broadcast_in_dim3A_705] : memref<128x32xf32, #tpu.memory_space<vmem>>[vector<16xi32>, vector<16xi32>], vector<16xf32>,
        %mul3A_712 = arith.mulf %mul3A_100, %gather3A_711 : vector<16xf32>
        %add3A_713 = arith.addf %add3A_710, %mul3A_712 : vector<16xf32>
        %gather3A_714 = tpu.vector_load_idx %arg24[%add3A_80, %broadcast_in_dim3A_705] : memref<128x32xf32, #tpu.memory_space<vmem>>[vector<16xi32>, vector<16xi32>], vector<16xf32>,
        %mul3A_715 = arith.mulf %mul3A_101, %gather3A_714 : vector<16xf32>
        %add3A_716 = arith.addf %add3A_713, %mul3A_715 : vector<16xf32>
        %gather3A_717 = tpu.vector_load_idx %arg25[%add3A_80, %broadcast_in_dim3A_705] : memref<128x32xf32, #tpu.memory_space<vmem>>[vector<16xi32>, vector<16xi32>], vector<16xf32>,
        %mul3A_718 = arith.mulf %mul3A_102, %gather3A_717 : vector<16xf32>
        %add3A_719 = arith.addf %add3A_716, %mul3A_718 : vector<16xf32>
        %gather3A_720 = tpu.vector_load_idx %arg26[%add3A_80, %broadcast_in_dim3A_705] : memref<128x32xf32, #tpu.memory_space<vmem>>[vector<16xi32>, vector<16xi32>], vector<16xf32>,
        %mul3A_721 = arith.mulf %mul3A_103, %gather3A_720 : vector<16xf32>
        %add3A_722 = arith.addf %add3A_719, %mul3A_721 : vector<16xf32>
        %gather3A_723 = tpu.vector_load_idx %arg27[%add3A_80, %broadcast_in_dim3A_705] : memref<128x32xf32, #tpu.memory_space<vmem>>[vector<16xi32>, vector<16xi32>], vector<16xf32>,
        %mul3A_724 = arith.mulf %mul3A_104, %gather3A_723 : vector<16xf32>
        %add3A_725 = arith.addf %add3A_722, %mul3A_724 : vector<16xf32>
        %gather3A_726 = tpu.vector_load_idx %arg28[%add3A_80, %broadcast_in_dim3A_705] : memref<128x32xf32, #tpu.memory_space<vmem>>[vector<16xi32>, vector<16xi32>], vector<16xf32>,
        %mul3A_727 = arith.mulf %mul3A_105, %gather3A_726 : vector<16xf32>
        %add3A_728 = arith.addf %add3A_725, %mul3A_727 : vector<16xf32>
        tpu.vector_store_idx %arg29[%add3A_80, %broadcast_in_dim3A_705], %add3A_728 : memref<128x32xf32, #tpu.memory_space<vmem>>[vector<16xi32>, vector<16xi32>], vector<16xf32>,
        %broadcast_in_dim3A_729 = arith.constant 25 : i32
        %broadcast_in_dim3A_730 = vector.broadcast %broadcast_in_dim3A_729 : i32 to vector<16xi32>
        %gather3A_731 = tpu.vector_load_idx %arg21[%add3A_80, %broadcast_in_dim3A_730] : memref<128x32xf32, #tpu.memory_space<vmem>>[vector<16xi32>, vector<16xi32>], vector<16xf32>,
        %mul3A_732 = arith.mulf %mul3A_98, %gather3A_731 : vector<16xf32>
        %gather3A_733 = tpu.vector_load_idx %arg22[%add3A_80, %broadcast_in_dim3A_730] : memref<128x32xf32, #tpu.memory_space<vmem>>[vector<16xi32>, vector<16xi32>], vector<16xf32>,
        %mul3A_734 = arith.mulf %mul3A_99, %gather3A_733 : vector<16xf32>
        %add3A_735 = arith.addf %mul3A_732, %mul3A_734 : vector<16xf32>
        %gather3A_736 = tpu.vector_load_idx %arg23[%add3A_80, %broadcast_in_dim3A_730] : memref<128x32xf32, #tpu.memory_space<vmem>>[vector<16xi32>, vector<16xi32>], vector<16xf32>,
        %mul3A_737 = arith.mulf %mul3A_100, %gather3A_736 : vector<16xf32>
        %add3A_738 = arith.addf %add3A_735, %mul3A_737 : vector<16xf32>
        %gather3A_739 = tpu.vector_load_idx %arg24[%add3A_80, %broadcast_in_dim3A_730] : memref<128x32xf32, #tpu.memory_space<vmem>>[vector<16xi32>, vector<16xi32>], vector<16xf32>,
        %mul3A_740 = arith.mulf %mul3A_101, %gather3A_739 : vector<16xf32>
        %add3A_741 = arith.addf %add3A_738, %mul3A_740 : vector<16xf32>
        %gather3A_742 = tpu.vector_load_idx %arg25[%add3A_80, %broadcast_in_dim3A_730] : memref<128x32xf32, #tpu.memory_space<vmem>>[vector<16xi32>, vector<16xi32>], vector<16xf32>,
        %mul3A_743 = arith.mulf %mul3A_102, %gather3A_742 : vector<16xf32>
        %add3A_744 = arith.addf %add3A_741, %mul3A_743 : vector<16xf32>
        %gather3A_745 = tpu.vector_load_idx %arg26[%add3A_80, %broadcast_in_dim3A_730] : memref<128x32xf32, #tpu.memory_space<vmem>>[vector<16xi32>, vector<16xi32>], vector<16xf32>,
        %mul3A_746 = arith.mulf %mul3A_103, %gather3A_745 : vector<16xf32>
        %add3A_747 = arith.addf %add3A_744, %mul3A_746 : vector<16xf32>
        %gather3A_748 = tpu.vector_load_idx %arg27[%add3A_80, %broadcast_in_dim3A_730] : memref<128x32xf32, #tpu.memory_space<vmem>>[vector<16xi32>, vector<16xi32>], vector<16xf32>,
        %mul3A_749 = arith.mulf %mul3A_104, %gather3A_748 : vector<16xf32>
        %add3A_750 = arith.addf %add3A_747, %mul3A_749 : vector<16xf32>
        %gather3A_751 = tpu.vector_load_idx %arg28[%add3A_80, %broadcast_in_dim3A_730] : memref<128x32xf32, #tpu.memory_space<vmem>>[vector<16xi32>, vector<16xi32>], vector<16xf32>,
        %mul3A_752 = arith.mulf %mul3A_105, %gather3A_751 : vector<16xf32>
        %add3A_753 = arith.addf %add3A_750, %mul3A_752 : vector<16xf32>
        tpu.vector_store_idx %arg29[%add3A_80, %broadcast_in_dim3A_730], %add3A_753 : memref<128x32xf32, #tpu.memory_space<vmem>>[vector<16xi32>, vector<16xi32>], vector<16xf32>,
        %broadcast_in_dim3A_754 = arith.constant 26 : i32
        %broadcast_in_dim3A_755 = vector.broadcast %broadcast_in_dim3A_754 : i32 to vector<16xi32>
        %gather3A_756 = tpu.vector_load_idx %arg21[%add3A_80, %broadcast_in_dim3A_755] : memref<128x32xf32, #tpu.memory_space<vmem>>[vector<16xi32>, vector<16xi32>], vector<16xf32>,
        %mul3A_757 = arith.mulf %mul3A_98, %gather3A_756 : vector<16xf32>
        %gather3A_758 = tpu.vector_load_idx %arg22[%add3A_80, %broadcast_in_dim3A_755] : memref<128x32xf32, #tpu.memory_space<vmem>>[vector<16xi32>, vector<16xi32>], vector<16xf32>,
        %mul3A_759 = arith.mulf %mul3A_99, %gather3A_758 : vector<16xf32>
        %add3A_760 = arith.addf %mul3A_757, %mul3A_759 : vector<16xf32>
        %gather3A_761 = tpu.vector_load_idx %arg23[%add3A_80, %broadcast_in_dim3A_755] : memref<128x32xf32, #tpu.memory_space<vmem>>[vector<16xi32>, vector<16xi32>], vector<16xf32>,
        %mul3A_762 = arith.mulf %mul3A_100, %gather3A_761 : vector<16xf32>
        %add3A_763 = arith.addf %add3A_760, %mul3A_762 : vector<16xf32>
        %gather3A_764 = tpu.vector_load_idx %arg24[%add3A_80, %broadcast_in_dim3A_755] : memref<128x32xf32, #tpu.memory_space<vmem>>[vector<16xi32>, vector<16xi32>], vector<16xf32>,
        %mul3A_765 = arith.mulf %mul3A_101, %gather3A_764 : vector<16xf32>
        %add3A_766 = arith.addf %add3A_763, %mul3A_765 : vector<16xf32>
        %gather3A_767 = tpu.vector_load_idx %arg25[%add3A_80, %broadcast_in_dim3A_755] : memref<128x32xf32, #tpu.memory_space<vmem>>[vector<16xi32>, vector<16xi32>], vector<16xf32>,
        %mul3A_768 = arith.mulf %mul3A_102, %gather3A_767 : vector<16xf32>
        %add3A_769 = arith.addf %add3A_766, %mul3A_768 : vector<16xf32>
        %gather3A_770 = tpu.vector_load_idx %arg26[%add3A_80, %broadcast_in_dim3A_755] : memref<128x32xf32, #tpu.memory_space<vmem>>[vector<16xi32>, vector<16xi32>], vector<16xf32>,
        %mul3A_771 = arith.mulf %mul3A_103, %gather3A_770 : vector<16xf32>
        %add3A_772 = arith.addf %add3A_769, %mul3A_771 : vector<16xf32>
        %gather3A_773 = tpu.vector_load_idx %arg27[%add3A_80, %broadcast_in_dim3A_755] : memref<128x32xf32, #tpu.memory_space<vmem>>[vector<16xi32>, vector<16xi32>], vector<16xf32>,
        %mul3A_774 = arith.mulf %mul3A_104, %gather3A_773 : vector<16xf32>
        %add3A_775 = arith.addf %add3A_772, %mul3A_774 : vector<16xf32>
        %gather3A_776 = tpu.vector_load_idx %arg28[%add3A_80, %broadcast_in_dim3A_755] : memref<128x32xf32, #tpu.memory_space<vmem>>[vector<16xi32>, vector<16xi32>], vector<16xf32>,
        %mul3A_777 = arith.mulf %mul3A_105, %gather3A_776 : vector<16xf32>
        %add3A_778 = arith.addf %add3A_775, %mul3A_777 : vector<16xf32>
        tpu.vector_store_idx %arg29[%add3A_80, %broadcast_in_dim3A_755], %add3A_778 : memref<128x32xf32, #tpu.memory_space<vmem>>[vector<16xi32>, vector<16xi32>], vector<16xf32>,
        %broadcast_in_dim3A_779 = arith.constant 27 : i32
        %broadcast_in_dim3A_780 = vector.broadcast %broadcast_in_dim3A_779 : i32 to vector<16xi32>
        %gather3A_781 = tpu.vector_load_idx %arg21[%add3A_80, %broadcast_in_dim3A_780] : memref<128x32xf32, #tpu.memory_space<vmem>>[vector<16xi32>, vector<16xi32>], vector<16xf32>,
        %mul3A_782 = arith.mulf %mul3A_98, %gather3A_781 : vector<16xf32>
        %gather3A_783 = tpu.vector_load_idx %arg22[%add3A_80, %broadcast_in_dim3A_780] : memref<128x32xf32, #tpu.memory_space<vmem>>[vector<16xi32>, vector<16xi32>], vector<16xf32>,
        %mul3A_784 = arith.mulf %mul3A_99, %gather3A_783 : vector<16xf32>
        %add3A_785 = arith.addf %mul3A_782, %mul3A_784 : vector<16xf32>
        %gather3A_786 = tpu.vector_load_idx %arg23[%add3A_80, %broadcast_in_dim3A_780] : memref<128x32xf32, #tpu.memory_space<vmem>>[vector<16xi32>, vector<16xi32>], vector<16xf32>,
        %mul3A_787 = arith.mulf %mul3A_100, %gather3A_786 : vector<16xf32>
        %add3A_788 = arith.addf %add3A_785, %mul3A_787 : vector<16xf32>
        %gather3A_789 = tpu.vector_load_idx %arg24[%add3A_80, %broadcast_in_dim3A_780] : memref<128x32xf32, #tpu.memory_space<vmem>>[vector<16xi32>, vector<16xi32>], vector<16xf32>,
        %mul3A_790 = arith.mulf %mul3A_101, %gather3A_789 : vector<16xf32>
        %add3A_791 = arith.addf %add3A_788, %mul3A_790 : vector<16xf32>
        %gather3A_792 = tpu.vector_load_idx %arg25[%add3A_80, %broadcast_in_dim3A_780] : memref<128x32xf32, #tpu.memory_space<vmem>>[vector<16xi32>, vector<16xi32>], vector<16xf32>,
        %mul3A_793 = arith.mulf %mul3A_102, %gather3A_792 : vector<16xf32>
        %add3A_794 = arith.addf %add3A_791, %mul3A_793 : vector<16xf32>
        %gather3A_795 = tpu.vector_load_idx %arg26[%add3A_80, %broadcast_in_dim3A_780] : memref<128x32xf32, #tpu.memory_space<vmem>>[vector<16xi32>, vector<16xi32>], vector<16xf32>,
        %mul3A_796 = arith.mulf %mul3A_103, %gather3A_795 : vector<16xf32>
        %add3A_797 = arith.addf %add3A_794, %mul3A_796 : vector<16xf32>
        %gather3A_798 = tpu.vector_load_idx %arg27[%add3A_80, %broadcast_in_dim3A_780] : memref<128x32xf32, #tpu.memory_space<vmem>>[vector<16xi32>, vector<16xi32>], vector<16xf32>,
        %mul3A_799 = arith.mulf %mul3A_104, %gather3A_798 : vector<16xf32>
        %add3A_800 = arith.addf %add3A_797, %mul3A_799 : vector<16xf32>
        %gather3A_801 = tpu.vector_load_idx %arg28[%add3A_80, %broadcast_in_dim3A_780] : memref<128x32xf32, #tpu.memory_space<vmem>>[vector<16xi32>, vector<16xi32>], vector<16xf32>,
        %mul3A_802 = arith.mulf %mul3A_105, %gather3A_801 : vector<16xf32>
        %add3A_803 = arith.addf %add3A_800, %mul3A_802 : vector<16xf32>
        tpu.vector_store_idx %arg29[%add3A_80, %broadcast_in_dim3A_780], %add3A_803 : memref<128x32xf32, #tpu.memory_space<vmem>>[vector<16xi32>, vector<16xi32>], vector<16xf32>,
        %broadcast_in_dim3A_804 = arith.constant 28 : i32
        %broadcast_in_dim3A_805 = vector.broadcast %broadcast_in_dim3A_804 : i32 to vector<16xi32>
        %gather3A_806 = tpu.vector_load_idx %arg21[%add3A_80, %broadcast_in_dim3A_805] : memref<128x32xf32, #tpu.memory_space<vmem>>[vector<16xi32>, vector<16xi32>], vector<16xf32>,
        %mul3A_807 = arith.mulf %mul3A_98, %gather3A_806 : vector<16xf32>
        %gather3A_808 = tpu.vector_load_idx %arg22[%add3A_80, %broadcast_in_dim3A_805] : memref<128x32xf32, #tpu.memory_space<vmem>>[vector<16xi32>, vector<16xi32>], vector<16xf32>,
        %mul3A_809 = arith.mulf %mul3A_99, %gather3A_808 : vector<16xf32>
        %add3A_810 = arith.addf %mul3A_807, %mul3A_809 : vector<16xf32>
        %gather3A_811 = tpu.vector_load_idx %arg23[%add3A_80, %broadcast_in_dim3A_805] : memref<128x32xf32, #tpu.memory_space<vmem>>[vector<16xi32>, vector<16xi32>], vector<16xf32>,
        %mul3A_812 = arith.mulf %mul3A_100, %gather3A_811 : vector<16xf32>
        %add3A_813 = arith.addf %add3A_810, %mul3A_812 : vector<16xf32>
        %gather3A_814 = tpu.vector_load_idx %arg24[%add3A_80, %broadcast_in_dim3A_805] : memref<128x32xf32, #tpu.memory_space<vmem>>[vector<16xi32>, vector<16xi32>], vector<16xf32>,
        %mul3A_815 = arith.mulf %mul3A_101, %gather3A_814 : vector<16xf32>
        %add3A_816 = arith.addf %add3A_813, %mul3A_815 : vector<16xf32>
        %gather3A_817 = tpu.vector_load_idx %arg25[%add3A_80, %broadcast_in_dim3A_805] : memref<128x32xf32, #tpu.memory_space<vmem>>[vector<16xi32>, vector<16xi32>], vector<16xf32>,
        %mul3A_818 = arith.mulf %mul3A_102, %gather3A_817 : vector<16xf32>
        %add3A_819 = arith.addf %add3A_816, %mul3A_818 : vector<16xf32>
        %gather3A_820 = tpu.vector_load_idx %arg26[%add3A_80, %broadcast_in_dim3A_805] : memref<128x32xf32, #tpu.memory_space<vmem>>[vector<16xi32>, vector<16xi32>], vector<16xf32>,
        %mul3A_821 = arith.mulf %mul3A_103, %gather3A_820 : vector<16xf32>
        %add3A_822 = arith.addf %add3A_819, %mul3A_821 : vector<16xf32>
        %gather3A_823 = tpu.vector_load_idx %arg27[%add3A_80, %broadcast_in_dim3A_805] : memref<128x32xf32, #tpu.memory_space<vmem>>[vector<16xi32>, vector<16xi32>], vector<16xf32>,
        %mul3A_824 = arith.mulf %mul3A_104, %gather3A_823 : vector<16xf32>
        %add3A_825 = arith.addf %add3A_822, %mul3A_824 : vector<16xf32>
        %gather3A_826 = tpu.vector_load_idx %arg28[%add3A_80, %broadcast_in_dim3A_805] : memref<128x32xf32, #tpu.memory_space<vmem>>[vector<16xi32>, vector<16xi32>], vector<16xf32>,
        %mul3A_827 = arith.mulf %mul3A_105, %gather3A_826 : vector<16xf32>
        %add3A_828 = arith.addf %add3A_825, %mul3A_827 : vector<16xf32>
        tpu.vector_store_idx %arg29[%add3A_80, %broadcast_in_dim3A_805], %add3A_828 : memref<128x32xf32, #tpu.memory_space<vmem>>[vector<16xi32>, vector<16xi32>], vector<16xf32>,
        %broadcast_in_dim3A_829 = arith.constant 29 : i32
        %broadcast_in_dim3A_830 = vector.broadcast %broadcast_in_dim3A_829 : i32 to vector<16xi32>
        %gather3A_831 = tpu.vector_load_idx %arg21[%add3A_80, %broadcast_in_dim3A_830] : memref<128x32xf32, #tpu.memory_space<vmem>>[vector<16xi32>, vector<16xi32>], vector<16xf32>,
        %mul3A_832 = arith.mulf %mul3A_98, %gather3A_831 : vector<16xf32>
        %gather3A_833 = tpu.vector_load_idx %arg22[%add3A_80, %broadcast_in_dim3A_830] : memref<128x32xf32, #tpu.memory_space<vmem>>[vector<16xi32>, vector<16xi32>], vector<16xf32>,
        %mul3A_834 = arith.mulf %mul3A_99, %gather3A_833 : vector<16xf32>
        %add3A_835 = arith.addf %mul3A_832, %mul3A_834 : vector<16xf32>
        %gather3A_836 = tpu.vector_load_idx %arg23[%add3A_80, %broadcast_in_dim3A_830] : memref<128x32xf32, #tpu.memory_space<vmem>>[vector<16xi32>, vector<16xi32>], vector<16xf32>,
        %mul3A_837 = arith.mulf %mul3A_100, %gather3A_836 : vector<16xf32>
        %add3A_838 = arith.addf %add3A_835, %mul3A_837 : vector<16xf32>
        %gather3A_839 = tpu.vector_load_idx %arg24[%add3A_80, %broadcast_in_dim3A_830] : memref<128x32xf32, #tpu.memory_space<vmem>>[vector<16xi32>, vector<16xi32>], vector<16xf32>,
        %mul3A_840 = arith.mulf %mul3A_101, %gather3A_839 : vector<16xf32>
        %add3A_841 = arith.addf %add3A_838, %mul3A_840 : vector<16xf32>
        %gather3A_842 = tpu.vector_load_idx %arg25[%add3A_80, %broadcast_in_dim3A_830] : memref<128x32xf32, #tpu.memory_space<vmem>>[vector<16xi32>, vector<16xi32>], vector<16xf32>,
        %mul3A_843 = arith.mulf %mul3A_102, %gather3A_842 : vector<16xf32>
        %add3A_844 = arith.addf %add3A_841, %mul3A_843 : vector<16xf32>
        %gather3A_845 = tpu.vector_load_idx %arg26[%add3A_80, %broadcast_in_dim3A_830] : memref<128x32xf32, #tpu.memory_space<vmem>>[vector<16xi32>, vector<16xi32>], vector<16xf32>,
        %mul3A_846 = arith.mulf %mul3A_103, %gather3A_845 : vector<16xf32>
        %add3A_847 = arith.addf %add3A_844, %mul3A_846 : vector<16xf32>
        %gather3A_848 = tpu.vector_load_idx %arg27[%add3A_80, %broadcast_in_dim3A_830] : memref<128x32xf32, #tpu.memory_space<vmem>>[vector<16xi32>, vector<16xi32>], vector<16xf32>,
        %mul3A_849 = arith.mulf %mul3A_104, %gather3A_848 : vector<16xf32>
        %add3A_850 = arith.addf %add3A_847, %mul3A_849 : vector<16xf32>
        %gather3A_851 = tpu.vector_load_idx %arg28[%add3A_80, %broadcast_in_dim3A_830] : memref<128x32xf32, #tpu.memory_space<vmem>>[vector<16xi32>, vector<16xi32>], vector<16xf32>,
        %mul3A_852 = arith.mulf %mul3A_105, %gather3A_851 : vector<16xf32>
        %add3A_853 = arith.addf %add3A_850, %mul3A_852 : vector<16xf32>
        tpu.vector_store_idx %arg29[%add3A_80, %broadcast_in_dim3A_830], %add3A_853 : memref<128x32xf32, #tpu.memory_space<vmem>>[vector<16xi32>, vector<16xi32>], vector<16xf32>,
        %broadcast_in_dim3A_854 = arith.constant 30 : i32
        %broadcast_in_dim3A_855 = vector.broadcast %broadcast_in_dim3A_854 : i32 to vector<16xi32>
        %gather3A_856 = tpu.vector_load_idx %arg21[%add3A_80, %broadcast_in_dim3A_855] : memref<128x32xf32, #tpu.memory_space<vmem>>[vector<16xi32>, vector<16xi32>], vector<16xf32>,
        %mul3A_857 = arith.mulf %mul3A_98, %gather3A_856 : vector<16xf32>
        %gather3A_858 = tpu.vector_load_idx %arg22[%add3A_80, %broadcast_in_dim3A_855] : memref<128x32xf32, #tpu.memory_space<vmem>>[vector<16xi32>, vector<16xi32>], vector<16xf32>,
        %mul3A_859 = arith.mulf %mul3A_99, %gather3A_858 : vector<16xf32>
        %add3A_860 = arith.addf %mul3A_857, %mul3A_859 : vector<16xf32>
        %gather3A_861 = tpu.vector_load_idx %arg23[%add3A_80, %broadcast_in_dim3A_855] : memref<128x32xf32, #tpu.memory_space<vmem>>[vector<16xi32>, vector<16xi32>], vector<16xf32>,
        %mul3A_862 = arith.mulf %mul3A_100, %gather3A_861 : vector<16xf32>
        %add3A_863 = arith.addf %add3A_860, %mul3A_862 : vector<16xf32>
        %gather3A_864 = tpu.vector_load_idx %arg24[%add3A_80, %broadcast_in_dim3A_855] : memref<128x32xf32, #tpu.memory_space<vmem>>[vector<16xi32>, vector<16xi32>], vector<16xf32>,
        %mul3A_865 = arith.mulf %mul3A_101, %gather3A_864 : vector<16xf32>
        %add3A_866 = arith.addf %add3A_863, %mul3A_865 : vector<16xf32>
        %gather3A_867 = tpu.vector_load_idx %arg25[%add3A_80, %broadcast_in_dim3A_855] : memref<128x32xf32, #tpu.memory_space<vmem>>[vector<16xi32>, vector<16xi32>], vector<16xf32>,
        %mul3A_868 = arith.mulf %mul3A_102, %gather3A_867 : vector<16xf32>
        %add3A_869 = arith.addf %add3A_866, %mul3A_868 : vector<16xf32>
        %gather3A_870 = tpu.vector_load_idx %arg26[%add3A_80, %broadcast_in_dim3A_855] : memref<128x32xf32, #tpu.memory_space<vmem>>[vector<16xi32>, vector<16xi32>], vector<16xf32>,
        %mul3A_871 = arith.mulf %mul3A_103, %gather3A_870 : vector<16xf32>
        %add3A_872 = arith.addf %add3A_869, %mul3A_871 : vector<16xf32>
        %gather3A_873 = tpu.vector_load_idx %arg27[%add3A_80, %broadcast_in_dim3A_855] : memref<128x32xf32, #tpu.memory_space<vmem>>[vector<16xi32>, vector<16xi32>], vector<16xf32>,
        %mul3A_874 = arith.mulf %mul3A_104, %gather3A_873 : vector<16xf32>
        %add3A_875 = arith.addf %add3A_872, %mul3A_874 : vector<16xf32>
        %gather3A_876 = tpu.vector_load_idx %arg28[%add3A_80, %broadcast_in_dim3A_855] : memref<128x32xf32, #tpu.memory_space<vmem>>[vector<16xi32>, vector<16xi32>], vector<16xf32>,
        %mul3A_877 = arith.mulf %mul3A_105, %gather3A_876 : vector<16xf32>
        %add3A_878 = arith.addf %add3A_875, %mul3A_877 : vector<16xf32>
        tpu.vector_store_idx %arg29[%add3A_80, %broadcast_in_dim3A_855], %add3A_878 : memref<128x32xf32, #tpu.memory_space<vmem>>[vector<16xi32>, vector<16xi32>], vector<16xf32>,
        %broadcast_in_dim3A_879 = arith.constant 31 : i32
        %broadcast_in_dim3A_880 = vector.broadcast %broadcast_in_dim3A_879 : i32 to vector<16xi32>
        %gather3A_881 = tpu.vector_load_idx %arg21[%add3A_80, %broadcast_in_dim3A_880] : memref<128x32xf32, #tpu.memory_space<vmem>>[vector<16xi32>, vector<16xi32>], vector<16xf32>,
        %mul3A_882 = arith.mulf %mul3A_98, %gather3A_881 : vector<16xf32>
        %gather3A_883 = tpu.vector_load_idx %arg22[%add3A_80, %broadcast_in_dim3A_880] : memref<128x32xf32, #tpu.memory_space<vmem>>[vector<16xi32>, vector<16xi32>], vector<16xf32>,
        %mul3A_884 = arith.mulf %mul3A_99, %gather3A_883 : vector<16xf32>
        %add3A_885 = arith.addf %mul3A_882, %mul3A_884 : vector<16xf32>
        %gather3A_886 = tpu.vector_load_idx %arg23[%add3A_80, %broadcast_in_dim3A_880] : memref<128x32xf32, #tpu.memory_space<vmem>>[vector<16xi32>, vector<16xi32>], vector<16xf32>,
        %mul3A_887 = arith.mulf %mul3A_100, %gather3A_886 : vector<16xf32>
        %add3A_888 = arith.addf %add3A_885, %mul3A_887 : vector<16xf32>
        %gather3A_889 = tpu.vector_load_idx %arg24[%add3A_80, %broadcast_in_dim3A_880] : memref<128x32xf32, #tpu.memory_space<vmem>>[vector<16xi32>, vector<16xi32>], vector<16xf32>,
        %mul3A_890 = arith.mulf %mul3A_101, %gather3A_889 : vector<16xf32>
        %add3A_891 = arith.addf %add3A_888, %mul3A_890 : vector<16xf32>
        %gather3A_892 = tpu.vector_load_idx %arg25[%add3A_80, %broadcast_in_dim3A_880] : memref<128x32xf32, #tpu.memory_space<vmem>>[vector<16xi32>, vector<16xi32>], vector<16xf32>,
        %mul3A_893 = arith.mulf %mul3A_102, %gather3A_892 : vector<16xf32>
        %add3A_894 = arith.addf %add3A_891, %mul3A_893 : vector<16xf32>
        %gather3A_895 = tpu.vector_load_idx %arg26[%add3A_80, %broadcast_in_dim3A_880] : memref<128x32xf32, #tpu.memory_space<vmem>>[vector<16xi32>, vector<16xi32>], vector<16xf32>,
        %mul3A_896 = arith.mulf %mul3A_103, %gather3A_895 : vector<16xf32>
        %add3A_897 = arith.addf %add3A_894, %mul3A_896 : vector<16xf32>
        %gather3A_898 = tpu.vector_load_idx %arg27[%add3A_80, %broadcast_in_dim3A_880] : memref<128x32xf32, #tpu.memory_space<vmem>>[vector<16xi32>, vector<16xi32>], vector<16xf32>,
        %mul3A_899 = arith.mulf %mul3A_104, %gather3A_898 : vector<16xf32>
        %add3A_900 = arith.addf %add3A_897, %mul3A_899 : vector<16xf32>
        %gather3A_901 = tpu.vector_load_idx %arg28[%add3A_80, %broadcast_in_dim3A_880] : memref<128x32xf32, #tpu.memory_space<vmem>>[vector<16xi32>, vector<16xi32>], vector<16xf32>,
        %mul3A_902 = arith.mulf %mul3A_105, %gather3A_901 : vector<16xf32>
        %add3A_903 = arith.addf %add3A_900, %mul3A_902 : vector<16xf32>
        tpu.vector_store_idx %arg29[%add3A_80, %broadcast_in_dim3A_880], %add3A_903 : memref<128x32xf32, #tpu.memory_space<vmem>>[vector<16xi32>, vector<16xi32>], vector<16xf32>,
        %scan3A_904 = arith.constant 0 : i32
        scf.yield %scan3A_904 : i32
      }
      %scan3A_73 = arith.constant 8 : i32
      "tpu.region"() ({
        %run_scoped3A = tpu.sem_alloc : memref<!tpu.dma_semaphore, #tpu.memory_space<semaphore_mem>>
        %dma_start3A_75 = arith.constant 0 : i32
        %dma_start3A_76 = tpu.memref_slice %arg6[%add3A_13, %dma_start3A_75] : memref<1048576x32xf32, #tpu.memory_space<hbm>> -> memref<128x32xf32, #tpu.memory_space<hbm>>
        %dma_start3A_77 = arith.constant 0 : i32
        %dma_start3A_78 = tpu.memref_slice %arg6[%add3A_13, %dma_start3A_77] : memref<1048576x32xf32, #tpu.memory_space<hbm>> -> memref<128x32xf32, #tpu.memory_space<hbm>>
        tpu.enqueue_dma source(%arg29 : memref<128x32xf32, #tpu.memory_space<vmem>>) target(%dma_start3A_78 : memref<128x32xf32, #tpu.memory_space<hbm>>) target_semaphore(%run_scoped3A : memref<!tpu.dma_semaphore, #tpu.memory_space<semaphore_mem>>)
        %dma_wait3A_79 = arith.constant 0 : i32
        %dma_wait3A_80 = tpu.memref_slice %arg6[%add3A_13, %dma_wait3A_79] : memref<1048576x32xf32, #tpu.memory_space<hbm>> -> memref<128x32xf32, #tpu.memory_space<hbm>>
        %dma_wait3A_81 = arith.constant 0 : i32
        %dma_wait3A_82 = tpu.memref_slice %arg6[%add3A_13, %dma_wait3A_81] : memref<1048576x32xf32, #tpu.memory_space<hbm>> -> memref<128x32xf32, #tpu.memory_space<hbm>>
        tpu.wait_dma2 semaphore(%run_scoped3A : memref<!tpu.dma_semaphore, #tpu.memory_space<semaphore_mem>>) src(%arg29 : memref<128x32xf32, #tpu.memory_space<vmem>>) dst(%dma_wait3A_82 : memref<128x32xf32, #tpu.memory_space<hbm>>)
        tpu.yield
      }) : () -> ()
      %scan3A_74 = arith.constant 0 : i32
      scf.yield %scan3A_74 : i32
    }
    %scan3A_6 = arith.constant 256 : i32
    return
  }
}

</mosaic_0001>

<sc_bundles>
// kernel: kernel.3.cloned.1.call-start
scs
__scs_entry_jumppad:
0x0: {  	(pc) =	sbr.rel $0x88, $3  }
0x1: {  	(tag) =	ssettag $0x0;
	lr =	simm.s32 $0x1  }
0x2: {  	[smem:$0x3F9F] =	sst lr;
	_ =	strace $0xD0000000  }
0x3: {  	_ = 	snop  }
0x4: {  	_ = 	snop  }
0x5: {  	_ = 	snop  }
0x6: {  	_ = 	snop  }
0x7: {  	_ = 	snop  }
__scs_overlays_trampoline_lowered:
0x8: {  	[smem:$0x3FAE] =	sst s0  }
0x9: {  	[smem:$0x3FAF] =	sst s1  }
0xa: {  	[smem:$0x3FB0] =	sst s2  }
0xb: {  	[smem:$0x3FB1] =	sst s3  }
0xc: {  	[smem:$0x3FB2] =	sst s4  }
0xd: {  	[smem:$0x3FB3] =	sst s5  }
0xe: {  	[smem:$0x3FB4] =	sst s6  }
0xf: {  	[smem:$0x3FB5] =	sst s7  }
0x10: {  	[smem:$0x3FB6] =	sst s8  }
0x11: {  	[smem:$0x3FB7] =	sst s9;
	s0 =	simm.s32 @!p0 $0x0  }
0x12: {  	s1 =	sld [smem:$0x3F9D];
	s0 =	simm.s32 @p0 $0x1  }
0x13: {  	[smem:$0x3FB8] =	sst s0;
	s0 =	simm.s32 @!p1 $0x0  }
0x14: {  	s2 =	sld [smem:$0x3F9C];
	s0 =	simm.s32 @p1 $0x1  }
0x15: {  	[smem:$0x3FB9] =	sst s0;
	s0 =	simm.s32 @!p2 $0x0  }
0x16: {  	s3 =	sld [smem:$0x3FDB];
	s0 =	simm.s32 @p2 $0x1  }
0x17: {  	s4 =	simm.s32 $0x1BF5;
	[smem:$0x3FBB] =	sst s0  }
0x18: {  	s0 =	sld [smem:$0x3F9E];
	_ =	swait.ge [sflag:s4], $0x0  }
0x19: {  	s7 =	sld [smem:$0x3F9F]  }
0x1a: {  	s8 =	sadd.s32 $0xFFFFE003, lr  }
0x1b: {  	s9 =	sadd.s32 $0xFFFFFEF7, lr;
	s5 =	simm.s32 $0xFFFFFFFF;
	p2 =	slt.u32 s8, $0xFFFFF086  }
0x1c: {  	p1 =	slt.u32 s9, $0xF7A;
	s5 =	simm.s32 @!p2 $0x0  }
0x1d: {  	s5 =	simm.s32 @p1 $0x1;
	p0 =	seq.s32 s7, s2  }
0x1e: {  	s7 =	smul.u32 @!p0 $0xF7A, s2;
	p2 =	seq.s32 @!p0 s5, $0x0  }
0x1f: {  	s9 =	smul.u32 $0xF7A, s1;
	s8 =	simm.s32 @!p0 $0x1BF5;
	p2 =	por !p2, p0  }
0x20: {  	[sflag:s8] =	ssyncset.s32 @!p0 $0xFFFFF086;
	s6 =	sadd.s32 @!p0 s3, s7;
	s7 =	simm.s32 @!p0 $0x108  }
0x21: {  	s3 =	sadd.s32 s3, s9;
	s6 =	sadd.s32 @!p0 $0x88, s6;
	s7 =	simm.s32 @p2 $0x1082  }
0x22: {  	[simem:s7], [sflag:s8] =	dma.local @!p0 [hbm:s6], $0xF7A  }
0x23: {  	s9 =	sor.u32 $0xD0000000, s2;
	s6 =	simm.s32 $0x108;
	_ =	swait.ge @!p0 [sflag:s8], $0x0  }
0x24: {  	s3 =	sadd.s32 $0x88, s3;
	s6 =	simm.s32 @!p1 $0x1082;
	[sflag:s4] =	ssyncset.s32 $0xFFFFF086  }
0x25: {  	[simem:s6], [sflag:s4] =	dma.local [hbm:s3], $0xF7A  }
0x26: {  	[smem:$0x3F9F] =	sst s1;
	(tag) =	ssettag s2;
	_ =	strace s9  }
0x27: {  	s1 =	sld [smem:$0x3FAF]  }
0x28: {  	s2 =	sld [smem:$0x3FB0]  }
0x29: {  	s4 =	sld [smem:$0x3FB2]  }
0x2a: {  	p0 =	seq.s32 s5, $0x0;
	s5 =	sld [smem:$0x3FB3]  }
0x2b: {  	s6 =	sld [smem:$0x3FB4]  }
0x2c: {  	s7 =	sld [smem:$0x3FB5]  }
0x2d: {  	s3 =	simm.s32 $0x108;
	s8 =	sld [smem:$0x3FB6]  }
0x2e: {  	s3 =	simm.s32 @!p0 $0x1082;
	s9 =	sld [smem:$0x3FB7]  }
0x2f: {  	lr =	sadd.s32 s0, s3;
	s0 =	sld [smem:$0x3FAE]  }
0x30: {  	s3 =	sld [smem:$0x3FB1]  }
0x31: {  	[smem:$0x3FBA] =	sst s10  }
0x32: {  	s10 =	sld [smem:$0x3FB8];
	_ =	sdelay $0x3  }
0x33: {  	p0 =	seq.s32 s10, $0x1;
	s10 =	sld [smem:$0x3FBA];
	_ =	sdelay $0x3  }
0x34: {  	[smem:$0x3FBA] =	sst s10  }
0x35: {  	s10 =	sld [smem:$0x3FB9];
	_ =	sdelay $0x3  }
0x36: {  	p1 =	seq.s32 s10, $0x1;
	s10 =	sld [smem:$0x3FBA];
	_ =	sdelay $0x3  }
0x37: {  	[smem:$0x3FBA] =	sst s10  }
0x38: {  	s10 =	sld [smem:$0x3FBB]  }
0x39: {  	_ = 	snop;
	(pc) =	sbr.ind lr, $3  }
0x3a: {  	_ = 	snop  }
0x3b: {  	_ = 	snop  }
0x3c: {  	p2 =	seq.s32 s10, $0x1;
	s10 =	sld [smem:$0x3FBA]  }
0x3d: {  	_ =	shalt  }
0x3e: {  	_ =	shalt  }
0x3f: {  	_ =	shalt  }
0x40: {  	_ =	shalt  }
0x41: {  	_ =	shalt  }
0x42: {  	_ =	shalt  }
0x43: {  	_ =	shalt  }
0x44: {  	_ =	shalt  }
0x45: {  	_ =	shalt  }
0x46: {  	_ =	shalt  }
0x47: {  	_ =	shalt  }
0x48: {  	_ =	shalt  }
0x49: {  	_ =	shalt  }
0x4a: {  	_ =	shalt  }
0x4b: {  	_ =	shalt  }
0x4c: {  	_ =	shalt  }
0x4d: {  	_ =	shalt  }
0x4e: {  	_ =	shalt  }
0x4f: {  	_ =	shalt  }
0x50: {  	_ =	shalt  }
0x51: {  	_ =	shalt  }
0x52: {  	_ =	shalt  }
0x53: {  	_ =	shalt  }
0x54: {  	_ =	shalt  }
0x55: {  	_ =	shalt  }
0x56: {  	_ =	shalt  }
0x57: {  	_ =	shalt  }
0x58: {  	_ =	shalt  }
0x59: {  	_ =	shalt  }
0x5a: {  	_ =	shalt  }
0x5b: {  	_ =	shalt  }
0x5c: {  	_ =	shalt  }
0x5d: {  	_ =	shalt  }
0x5e: {  	_ =	shalt  }
0x5f: {  	_ =	shalt  }
0x60: {  	_ =	shalt  }
0x61: {  	_ =	shalt  }
0x62: {  	_ =	shalt  }
0x63: {  	_ =	shalt  }
0x64: {  	_ =	shalt  }
0x65: {  	_ =	shalt  }
0x66: {  	_ =	shalt  }
0x67: {  	_ =	shalt  }
0x68: {  	_ =	shalt  }
0x69: {  	_ =	shalt  }
0x6a: {  	_ =	shalt  }
0x6b: {  	_ =	shalt  }
0x6c: {  	_ =	shalt  }
0x6d: {  	_ =	shalt  }
0x6e: {  	_ =	shalt  }
0x6f: {  	_ =	shalt  }
0x70: {  	_ =	shalt  }
0x71: {  	_ =	shalt  }
0x72: {  	_ =	shalt  }
0x73: {  	_ =	shalt  }
0x74: {  	_ =	shalt  }
0x75: {  	_ =	shalt  }
0x76: {  	_ =	shalt  }
0x77: {  	_ =	shalt  }
0x78: {  	_ =	shalt  }
0x79: {  	_ =	shalt  }
0x7a: {  	_ =	shalt  }
0x7b: {  	_ =	shalt  }
0x7c: {  	_ =	shalt  }
0x7d: {  	_ =	shalt  }
0x7e: {  	_ =	shalt  }
0x7f: {  	_ =	shalt  }
0x80: {  	_ =	shalt  }
0x81: {  	_ =	shalt  }
0x82: {  	_ =	shalt  }
0x83: {  	_ =	shalt  }
0x84: {  	_ =	shalt  }
0x85: {  	_ =	shalt  }
0x86: {  	_ =	shalt  }
0x87: {  	_ =	shalt  }
.Lfunc_end0:
.L_simem_size_0:
called_computation.1_lowered:
.L_overlay_start_0:
0x88: {  	s2 =	sld [smem:$0x3FD9]  }
0x89: {  	s3 =	sld [smem:$0x3FFE];
	_ =	sdelay $0x1  }
0x8a: {  	s1 =	srdreg.scid  }
0x8b: {  	s0 =	sand.u32 $0x1, s1  }
0x8c: {  	s17 =	sshll.u32 s0, $0xA;
	s2 =	sadd.s32 s3, s2  }
0x8d: {  	s2 =	sadd.s32 s2, s17  }
0x8e: {  	[smem:$0x3FC6] =	sst s2  }
0x8f: {  	_ = 	snop  }
0x90: {  	s2 =	sld [smem:$0x3FD0];
	(tm) =	ssettm $0x1  }
0x91: {  	s18 =	sld [smem:$0x3FFB];
	_ =	sdelay $0x3  }
0x92: {  	_ =	strace s18  }
0x93: {  	s3 =	sld [smem:$0x3FFC];
	_ =	sdelay $0x3  }
0x94: {  	_ =	strace s3  }
0x95: {  	s3 =	sld [smem:$0x3FFD];
	_ =	sdelay $0x3  }
0x96: {  	_ =	strace s3  }
0x97: {  	_ =	strace $0x8FFFFFFF  }
0x98: {  	s19 =	sld [smem:$0x3FDB];
	_ =	sdelay $0x1  }
0x99: {  	s4 =	simm.s32 $_scs_section_size  }
0x9a: {  	s5 =	simm.s32 $_size__tile_overlayer_lowered;
	s6 =	simm.s32 $_tile_overlayer_lowered  }
0x9b: {  	s22 =	simm.s32 $0x1BFF;
	s21 =	sshll.u32 s6, $0x1;
	s3 =	sadd.s32 s4, s19  }
0x9c: {  	s7 =	simm.s32 $0x0;
	s20 =	sshll.u32 s5, $0x1;
	s5 =	sadd.s32 s21, s3  }
0x9d: {  	[timem:s7], [sflag:s22] =	dma.local [hbm:s5], s20  }
0x9e: {  	_ =	swait.ge [sflag:s22], s20  }
0x9f: {  	s4 =	ssub.s32 $0x0, s20;
	[sflag:s22] =	ssyncset.done $0x0  }
0xa0: {  	[sflag:s22] =	ssyncadd.s32 s4;
	_ =	sdelay $0x1  }
0xa1: {  	s23 =	simm.s32 $0x1B8B  }
0xa2: {  	_ =	swait.ge [sflag:s23], $0x1  }
0xa3: {  	[sflag:s23] =	ssyncset.done $0x0  }
0xa4: {  	s25 =	simm.s32 $0x1B8E;
	s24 =	sld [smem:$0x3FFE];
	[sflag:s23] =	ssyncadd.s32 $0xFFFFFFFF  }
0xa5: {  	s26 =	simm.s32 $execute0_lowered;
	[smem:$0x3FD2] =	sst s25  }
0xa6: {  	s5 =	sshll.u32 s26, $0x1;
	_ =	strace $0x80000046;
	[dreg:$0x1] =	wrdreg $0xFFFFFFFF  }
0xa7: {  	s28 =	simm.s32 $_size_execute0_lowered;
	s3 =	sadd.s32 s3, s5;
	[dreg:$0x0] =	wrdreg $0x0  }
0xa8: {  	s5 =	sshll.u32 s28, $0x1;
	[dreg:$0x2] =	wrdreg s3  }
0xa9: {  	[dreg:$0x3] =	wrdreg s5  }
0xaa: {  	[dreg:$0x4] =	wrdreg $0xC0  }
0xab: {  	_ =	task [dreg:s7], $0x5FFFF  }
0xac: {  	[dreg:$0x1] =	wrdreg $0xFFFFFFFF  }
0xad: {  	[dreg:$0x0] =	wrdreg $0x60  }
0xae: {  	[dreg:$0x2] =	wrdreg s24  }
0xaf: {  	[dreg:$0x3] =	wrdreg s2  }
0xb0: {  	[dreg:$0x4] =	wrdreg $0x9  }
0xb1: {  	_ =	task.clear_ibuf [dreg:s7], $0x5FFFF;
	_ =	strace $0x90000046  }
0xb2: {  	s29 =	simm.s32 $0x9;
	_ =	strace $0x80000048  }
0xb3: {  	_ =	swait.ge [sflag:s29], $0x1  }
0xb4: {  	[sflag:s29] =	ssyncadd.s32 $0xFFFFFFFF  }
0xb5: {  	_ =	strace $0x90000048  }
0xb6: {  	_ =	sfence  }
0xb7: {  	s30 =	sld [smem:$0x0];
	_ =	sdelay $0x2  }
0xb8: {  	s31 =	sshll.u32 s1, $0xD;
	s1 =	sshrl.u32 s1, $0x2  }
0xb9: {  	s3 =	sand.u32 $0x4000, s31;
	s1 =	sadd.s32 s1, s30  }
0xba: {  	s0 =	sor.u32 s3, s0;
	s1 =	sshll.u32 s1, $0x11  }
0xbb: {  	s0 =	sor.u32 s1, s0  }
0xbc: {  	s0 =	sadd.s32 $0x8F2B, s0  }
0xbd: {  	[sflag:s0] =	ssyncadd.remote.s32 $0x1  }
0xbe: {  	_ =	sfence.sel $0xFFFF  }
0xbf: {  	[dreg:$0x0] =	wrdreg $0xFFFFFFFF;
	(pc) =	sbr.abs _section_cstart, $3  }
0xc0: {  	[dreg:$0x1] =	wrdreg $0xFFFFFFFF  }
0xc1: {  	_ =	task.clear_ibuf [dreg:s7], $0x2FFFF;
	_ =	strace $0x9FFFFFFF  }
0xc2: {  	(tm) =	ssettm $0x7FFFFFFF  }
0xc3: {  	_ =	shalt  }
tec
execute0_lowered:
.L_overlay_start_1:
0x0: {  	(tag) =	ssettag $0x1  }
0x1: {  	s0 =	rddreg [dreg:$0x0]  }
0x2: {  	s1 =	simm.s32 $0x0;
	s24 =	srdreg.scid;
	s4 =	stileid.u32  }
0x3: {  	s10 =	simm.s32 $0x2;
	s11 =	simm.s32 $0x80;
	s13 =	simm.s32 $0x300  }
0x4: {  	s14 =	simm.s32 $0x700;
	s15 =	simm.s32 $0x380;
	s16 =	simm.s32 $0x1700  }
0x5: {  	s17 =	simm.s32 $0x400;
	s18 =	simm.s32 $0x2700;
	s19 =	simm.s32 $0x480  }
0x6: {  	s20 =	simm.s32 $0x3700;
	s21 =	simm.s32 $0x500;
	s22 =	simm.s32 $0x4700  }
0x7: {  	s23 =	simm.s32 $0x580;
	s28 =	simm.s32 $0x680;
	s29 =	simm.s32 $0x7700  }
0x8: {  	s30 =	simm.s32 $0x1;
	s31 =	simm.s32 $0x8700;
	[smem:$0x7FF] =	sst s1  }
0x9: {  	s3 =	sadd.s32 $0x40A00, s0;
	s1 =	sand.u32 $0x1, s24;
	s5 =	sadd.s32 $0x20A00, s0  }
0xa: {  	s6 =	sadd.s32 $0xA00, s0;
	s7 =	sadd.s32 $0xDE0A00, s0;
	s2 =	ssub.s32 $0x2, s1  }
0xb: {  	s26 =	sshll.u32 s4, $0x10;
	s24 =	simm.s32 $0x5700;
	s25 =	sshrl.u32 s2, $0x1  }
0xc: {  	_ =	strace $0x80000047;
	s1 =	sshll.u32 s1, $0xF;
	s0 =	ssub.s32 s2, s25  }
0xd: {  	v1 =	vlaneseq.u32;
	s8 =	sor.u32 s1, s26;
	s26 =	simm.s32 $0x6700;
	s0 =	smax.u32 s0, $0x1  }
0xe: {  	v0 =	vimm.s32 $0x0;
	v1 =	vmul.u32 $0x20, v1;
	s1 =	simm.s32 $0x0;
	s25 =	simm.s32 $0x600;
	[dreg:$0x3] =	wrdreg s0  }
.LBB2_1:
0xf: {  	[dreg:$0x4] =	wrdreg s1;
	s4 =	simm.s32 $0x0  }
.LBB2_2:
0x10: {  	s0 =	sshll.u32 s4, $0x7  }
0x11: {  	s9 =	sadd.s32 s8, s0  }
0x12: {  	s0 =	sshrl.u32 s9, $0x3  }
0x13: {  	s2 =	simm.s32 $0x0;
	s1 =	sadd.s32 s3, s0  }
0x14: {  	[tilespmem:s2], [sflag:$0x2] =	stream.linear.gather [hbm4b:s1+s2], $0x80, $0x38;
	[tilespmem:$0x9700] =	vst v63  }
0x15: {  	_ =	swait.ge [sflag:s10], $0x80  }
0x16: {  	[sflag:s10] =	ssyncset.done $0x0  }
0x17: {  	s12 =	sadd.s32 s5, s0;
	[sflag:s10] =	ssyncadd.s32 $0xFFFFFF80  }
0x18: {  	[tilespmem:s11], [sflag:$0x2] =	stream.linear.gather [hbm4b:s12+s2], $0x80, $0x38;
	[tilespmem:$0x9700] =	vst v63  }
0x19: {  	_ =	swait.ge [sflag:s10], $0x80  }
0x1a: {  	[sflag:s10] =	ssyncset.done $0x0  }
0x1b: {  	s0 =	sadd.s32 s6, s0;
	s12 =	simm.s32 $0x100;
	[sflag:s10] =	ssyncadd.s32 $0xFFFFFF80  }
0x1c: {  	[tilespmem:s12], [sflag:$0x2] =	stream.linear.gather [hbm4b:s0+s2], $0x80, $0x38;
	[tilespmem:$0x9700] =	vst v63  }
0x1d: {  	_ =	swait.ge [sflag:s10], $0x80  }
0x1e: {  	[sflag:s10] =	ssyncset.done $0x0  }
0x1f: {  	s0 =	simm.s32 $0x0;
	[sflag:s10] =	ssyncadd.s32 $0xFFFFFF80  }
0x20: {  	v2 =	vld [tilespmem:s0+$0x10]  }
0x21: {  	v3 =	vld [tilespmem:s0+$0x90]  }
0x22: {  	v4 =	vld [tilespmem:s0+$0x0]  }
0x23: {  	v5 =	vld [tilespmem:s0+$0x80]  }
0x24: {  	v6 =	vld [tilespmem:s0+$0x110]  }
0x25: {  	v7 =	vld [tilespmem:s0+$0x100];
	_ =	sdelay $0x1  }
0x26: {  	v2 =	vmul.f32 $9.600000000e+01, v2  }
0x27: {  	v3 =	vmul.f32 $9.600000000e+01, v3;
	v4 =	vmul.f32 $9.600000000e+01, v4  }
0x28: {  	v5 =	vmul.f32 $9.600000000e+01, v5;
	v6 =	vmul.f32 $9.600000000e+01, v6;
	v2 =	vadd.f32 $-5.000000000e-01, v2  }
0x29: {  	v10 =	vmul.f32 $9.600000000e+01, v7;
	v3 =	vadd.f32 $-5.000000000e-01, v3;
	v4 =	vadd.f32 $-5.000000000e-01, v4  }
0x2a: {  	v5 =	vadd.f32 $-5.000000000e-01, v5;
	v6 =	vadd.f32 $-5.000000000e-01, v6  }
0x2b: {  	v15 =	vadd.f32 $-5.000000000e-01, v10;
	v2 =	vmax.f32 v2, $0.0e+00;
	v8 =	vmax.f32 v3, $0.0e+00  }
0x2c: {  	v6 =	vmax.f32 v6, $0.0e+00;
	v5 =	vmax.f32 v5, $0.0e+00;
	v3 =	vmin.f32 v2, $9.500000000e+01  }
0x2d: {  	v2 =	vmin.f32 v8, $9.500000000e+01;
	v8 =	vmax.f32 v4, $0.0e+00;
	v4 =	vtrunc.f32 v3  }
0x2e: {  	v15 =	vmax.f32 v15, $0.0e+00;
	v9 =	vtrunc.f32 v2;
	v11 =	vcvt.f32.s32 v4  }
0x2f: {  	v7 =	vmin.f32 v8, $9.500000000e+01;
	v14 =	vcvt.f32.s32 v9;
	v4 =	vmin.f32 v6, $9.500000000e+01  }
0x30: {  	v6 =	vmin.f32 v5, $9.500000000e+01;
	v9 =	vtrunc.f32 v4;
	v12 =	vmul.u32 $0x2400, v11  }
0x31: {  	v13 =	vmul.u32 $0x60, v14;
	v9 =	vcvt.f32.s32 v9;
	vm0 =	vlt.s32 v11, $0x5F  }
0x32: {  	v11 =	vcvt.s32.f32 v11;
	v8 =	vsel vm0, $0x2400, v0;
	vm0 =	vlt.s32 v14, $0x5F  }
0x33: {  	v14 =	vcvt.s32.f32 v14;
	v5 =	vadd.s32 v12, v13;
	v12 =	vsel vm0, $0x60, v0  }
0x34: {  	vm0 =	vlt.s32 v9, $0x5F;
	v13 =	vtrunc.f32 v7;
	v5 =	vadd.s32 v9, v5  }
0x35: {  	v19 =	vcvt.f32.s32 v13;
	v13 =	vtrunc.f32 v6;
	v10 =	vadd.s32 v8, v5  }
0x36: {  	v8 =	vsel vm0, $0x1, v0;
	v21 =	vcvt.f32.s32 v13;
	v13 =	vmin.f32 v15, $9.500000000e+01  }
0x37: {  	[tilespmem:s0+$0x310] =	vst v5;
	v16 =	vadd.s32 v12, v10;
	vm0 =	vlt.s32 v19, $0x5F;
	v22 =	vmul.u32 $0x2400, v19  }
0x38: {  	[tilespmem:s0+$0x510] =	vst v10;
	v15 =	vtrunc.f32 v13;
	v20 =	vadd.s32 v8, v16;
	v23 =	vmul.u32 $0x60, v21  }
0x39: {  	v18 =	vsel vm0, $0x2400, v0;
	[tilespmem:s0+$0x610] =	vst v16;
	v17 =	vcvt.f32.s32 v15;
	v15 =	vcvt.s32.f32 v19  }
0x3a: {  	s1 =	simm.s32 $0x0;
	s2 =	simm.s32 $0x80;
	vm0 =	vlt.s32 v21, $0x5F;
	v16 =	vcvt.s32.f32 v21;
	[tilespmem:s0+$0x690] =	vst v20;
	v19 =	vadd.s32 v22, v23  }
.LBB2_3:
0x3b: {  	s12 =	sshra.s32 s2, $0x2;
	v20 =	vcvt.s32.f32 v17;
	v19 =	vadd.s32 v17, v19;
	v9 =	vcvt.s32.f32 v9  }
0x3c: {  	s1 =	sadd.s32 $0x2, s1;
	v22 =	vsel vm0, $0x60, v0;
	vm0 =	vlt.s32 v17, $0x5F;
	v21 =	vld [tilespmem:s12+$0x10];
	[tilespmem:s0+$0x300] =	vst v19;
	v17 =	vadd.s32 v18, v19  }
0x3d: {  	v12 =	vadd.s32 v12, v5;
	p0 =	slt.u32 s1, $0x6;
	v23 =	vadd.s32 v22, v19;
	v18 =	vld [tilespmem:s12+$0x90];
	[tilespmem:s0+$0x500] =	vst v17;
	v22 =	vadd.s32 v22, v17  }
0x3e: {  	v7 =	vsub.f32 v7, v15;
	v6 =	vsub.f32 v6, v16;
	v15 =	vsel vm0, $0x1, v0;
	v24 =	vld [tilespmem:s12+$0x0];
	[tilespmem:s0+$0x600] =	vst v22  }
0x3f: {  	v11 =	vsub.f32 v3, v11;
	v13 =	vsub.f32 v13, v20;
	v20 =	vadd.s32 v15, v22;
	v16 =	vld [tilespmem:s12+$0x80];
	[tilespmem:s0+$0x400] =	vst v23  }
0x40: {  	v14 =	vsub.f32 v2, v14;
	v22 =	vadd.s32 v15, v23;
	v3 =	vld [tilespmem:s12+$0x110];
	[tilespmem:s0+$0x680] =	vst v20;
	v20 =	vsub.f32 v4, v9  }
0x41: {  	v10 =	vadd.s32 v8, v10;
	v2 =	vadd.s32 v15, v17;
	v9 =	vadd.s32 v8, v12;
	v4 =	vld [tilespmem:s12+$0x100];
	[tilespmem:s0+$0x480] =	vst v22  }
0x42: {  	v15 =	vadd.s32 v15, v19;
	v17 =	vmul.f32 $9.600000000e+01, v21;
	v18 =	vmul.f32 $9.600000000e+01, v18;
	[tilespmem:s0+$0x580] =	vst v2  }
0x43: {  	v5 =	vadd.s32 v8, v5;
	v2 =	vmul.f32 $9.600000000e+01, v24;
	[tilespmem:s0+$0x490] =	vst v9  }
0x44: {  	v9 =	vadd.f32 $-5.000000000e-01, v17;
	v8 =	vmul.f32 $9.600000000e+01, v16;
	v16 =	vadd.f32 $-5.000000000e-01, v18;
	[tilespmem:s0+$0x590] =	vst v10  }
0x45: {  	v10 =	vadd.f32 $-5.000000000e-01, v2;
	v17 =	vmul.f32 $9.600000000e+01, v3;
	[tilespmem:s0+$0x380] =	vst v15  }
0x46: {  	v2 =	vmax.f32 v9, $0.0e+00;
	v8 =	vadd.f32 $-5.000000000e-01, v8;
	v9 =	vmax.f32 v16, $0.0e+00;
	[tilespmem:s0+$0x390] =	vst v5  }
0x47: {  	v3 =	vmin.f32 v2, $9.500000000e+01;
	v2 =	vmin.f32 v9, $9.500000000e+01;
	v5 =	vadd.f32 $-5.000000000e-01, v17;
	[tilespmem:s0+$0x410] =	vst v12  }
0x48: {  	v9 =	vmax.f32 v10, $0.0e+00;
	v10 =	vtrunc.f32 v3;
	v12 =	vtrunc.f32 v2;
	[tilespmem:s0+$0x180] =	vst v7  }
0x49: {  	v15 =	vcvt.f32.s32 v10;
	v5 =	vmax.f32 v5, $0.0e+00;
	v21 =	vcvt.f32.s32 v12;
	[tilespmem:s0+$0x200] =	vst v6  }
0x4a: {  	v6 =	vmax.f32 v8, $0.0e+00;
	v8 =	vmul.f32 $9.600000000e+01, v4;
	v4 =	vmin.f32 v5, $9.500000000e+01;
	[tilespmem:s0+$0x280] =	vst v13  }
0x4b: {  	v10 =	vmul.u32 $0x2400, v15;
	v5 =	vtrunc.f32 v4;
	v12 =	vmul.u32 $0x60, v21;
	[tilespmem:s0+$0x190] =	vst v11  }
0x4c: {  	v7 =	vmin.f32 v9, $9.500000000e+01;
	v6 =	vmin.f32 v6, $9.500000000e+01;
	v9 =	vcvt.f32.s32 v5;
	[tilespmem:s0+$0x210] =	vst v14  }
0x4d: {  	vm0 =	vlt.s32 v15, $0x5F;
	v11 =	vadd.f32 $-5.000000000e-01, v8;
	v5 =	vadd.s32 v10, v12;
	[tilespmem:s0+$0x290] =	vst v20;
	s0 =	smov.u32 s12  }
0x4e: {  	v8 =	vsel vm0, $0x2400, v0;
	vm0 =	vlt.s32 v21, $0x5F;
	v5 =	vadd.s32 v9, v5  }
0x4f: {  	v12 =	vsel vm0, $0x60, v0;
	vm0 =	vlt.s32 v9, $0x5F;
	[tilespmem:s0+$0x310] =	vst v5;
	v10 =	vadd.s32 v8, v5  }
0x50: {  	v13 =	vtrunc.f32 v7;
	v8 =	vsel vm0, $0x1, v0;
	[tilespmem:s0+$0x510] =	vst v10;
	v14 =	vadd.s32 v12, v10  }
0x51: {  	v16 =	vcvt.f32.s32 v13;
	v13 =	vtrunc.f32 v6;
	[tilespmem:s0+$0x610] =	vst v14;
	v14 =	vadd.s32 v8, v14  }
.Ltmp0:
0x52: {  	v19 =	vcvt.f32.s32 v13;
	v17 =	vmax.f32 v11, $0.0e+00;
	v11 =	vcvt.s32.f32 v15;
	[tilespmem:s0+$0x690] =	vst v14;
	(pc) =	sbr.rel @p0 .LBB2_3-.Ltmp0, $4  }
0x53: {  	v13 =	vmin.f32 v17, $9.500000000e+01;
	vm0 =	vlt.s32 v16, $0x5F;
	v14 =	vmul.u32 $0x2400, v16  }
0x54: {  	v20 =	vmul.u32 $0x60, v19;
	v15 =	vtrunc.f32 v13;
	v18 =	vsel vm0, $0x2400, v0  }
0x55: {  	v17 =	vcvt.f32.s32 v15;
	v15 =	vcvt.s32.f32 v16;
	vm0 =	vlt.s32 v19, $0x5F  }
0x56: {  	s2 =	sadd.s32 $0x80, s2;
	v16 =	vcvt.s32.f32 v19;
	v19 =	vadd.s32 v14, v20;
	v14 =	vcvt.s32.f32 v21  }
0x57: {  	v19 =	vadd.s32 v17, v19  }
0x58: {  	v10 =	vadd.s32 v8, v10;
	[tilespmem:s0+$0x300] =	vst v19  }
0x59: {  	v59 =	vadd.s32 v8, v5;
	[tilespmem:s0+$0x590] =	vst v10  }
0x5a: {  	v12 =	vadd.s32 v12, v5;
	[tilespmem:s0+$0x390] =	vst v59  }
0x5b: {  	v18 =	vadd.s32 v18, v19;
	[tilespmem:s0+$0x410] =	vst v12  }
0x5c: {  	v7 =	vsub.f32 v7, v15;
	v57 =	vadd.s32 v8, v12;
	[tilespmem:s0+$0x500] =	vst v18  }
0x5d: {  	v3 =	vsub.f32 v3, v11;
	[tilespmem:s0+$0x490] =	vst v57  }
0x5e: {  	v20 =	vsel vm0, $0x60, v0;
	[tilespmem:s0+$0x180] =	vst v7  }
0x5f: {  	vm15 =	vlt.s32 v17, $0x5F;
	v21 =	vadd.s32 v20, v18;
	[tilespmem:s0+$0x190] =	vst v3  }
0x60: {  	v22 =	vsel vm15, $0x1, v0;
	v20 =	vadd.s32 v20, v19;
	[tilespmem:s0+$0x600] =	vst v21  }
0x61: {  	v18 =	vadd.s32 v22, v18;
	[tilespmem:s0+$0x400] =	vst v20  }
0x62: {  	v61 =	vsub.f32 v6, v16;
	v58 =	vadd.s32 v22, v19;
	[tilespmem:s0+$0x580] =	vst v18  }
0x63: {  	v2 =	vsub.f32 v2, v14;
	[tilespmem:s0+$0x380] =	vst v58  }
0x64: {  	v60 =	vcvt.s32.f32 v17;
	[tilespmem:s0+$0x200] =	vst v61  }
0x65: {  	v63 =	vcvt.s32.f32 v9;
	v21 =	vadd.s32 v22, v21;
	[tilespmem:s0+$0x210] =	vst v2  }
0x66: {  	v62 =	vsub.f32 v13, v60;
	v20 =	vadd.s32 v22, v20;
	[tilespmem:s0+$0x680] =	vst v21  }
0x67: {  	v4 =	vsub.f32 v4, v63;
	[tilespmem:s0+$0x480] =	vst v20  }
0x68: {  	[tilespmem:s0+$0x280] =	vst v62  }
0x69: {  	[tilespmem:s0+$0x290] =	vst v4  }
0x6a: {  	[tilespmem:s14], [sflag:$0x1] =	stream.indirect.gather [hbm4b:s7+s11], $0x20, s13, s11, $0xb8;
	[tilespmem:$0x9700] =	vst v63  }
0x6b: {  	_ = 	snop  }
0x6c: {  	[tilespmem:s16], [sflag:$0x1] =	stream.indirect.gather [hbm4b:s7+s11], $0x20, s15, s11, $0xb8;
	[tilespmem:$0x9700] =	vst v63  }
0x6d: {  	_ = 	snop  }
0x6e: {  	[tilespmem:s18], [sflag:$0x1] =	stream.indirect.gather [hbm4b:s7+s11], $0x20, s17, s11, $0xb8;
	[tilespmem:$0x9700] =	vst v63  }
0x6f: {  	_ = 	snop  }
0x70: {  	[tilespmem:s20], [sflag:$0x1] =	stream.indirect.gather [hbm4b:s7+s11], $0x20, s19, s11, $0xb8;
	[tilespmem:$0x9700] =	vst v63  }
0x71: {  	_ = 	snop  }
0x72: {  	[tilespmem:s22], [sflag:$0x1] =	stream.indirect.gather [hbm4b:s7+s11], $0x20, s21, s11, $0xb8;
	[tilespmem:$0x9700] =	vst v63  }
0x73: {  	_ = 	snop  }
0x74: {  	[tilespmem:s24], [sflag:$0x1] =	stream.indirect.gather [hbm4b:s7+s11], $0x20, s23, s11, $0xb8;
	[tilespmem:$0x9700] =	vst v63  }
0x75: {  	_ = 	snop  }
0x76: {  	[tilespmem:s26], [sflag:$0x1] =	stream.indirect.gather [hbm4b:s7+s11], $0x20, s25, s11, $0xb8;
	[tilespmem:$0x9700] =	vst v63  }
0x77: {  	_ = 	snop  }
0x78: {  	[tilespmem:s29], [sflag:$0x1] =	stream.indirect.gather [hbm4b:s7+s11], $0x20, s28, s11, $0xb8;
	[tilespmem:$0x9700] =	vst v63  }
0x79: {  	_ =	swait.ge [sflag:s30], $0x1000  }
0x7a: {  	[sflag:s30] =	ssyncset.done $0x0  }
0x7b: {  	[sflag:s30] =	ssyncadd.s32 $0xFFFFF000  }
0x7c: {  	_ =	swait.ge [sflag:s30], $0x1000  }
0x7d: {  	[sflag:s30] =	ssyncset.done $0x0  }
0x7e: {  	[sflag:s30] =	ssyncadd.s32 $0xFFFFF000  }
0x7f: {  	_ =	swait.ge [sflag:s30], $0x1000  }
0x80: {  	[sflag:s30] =	ssyncset.done $0x0  }
0x81: {  	[sflag:s30] =	ssyncadd.s32 $0xFFFFF000  }
0x82: {  	_ =	swait.ge [sflag:s30], $0x1000  }
0x83: {  	[sflag:s30] =	ssyncset.done $0x0  }
0x84: {  	[sflag:s30] =	ssyncadd.s32 $0xFFFFF000  }
0x85: {  	_ =	swait.ge [sflag:s30], $0x1000  }
0x86: {  	[sflag:s30] =	ssyncset.done $0x0  }
0x87: {  	[sflag:s30] =	ssyncadd.s32 $0xFFFFF000  }
0x88: {  	_ =	swait.ge [sflag:s30], $0x1000  }
0x89: {  	[sflag:s30] =	ssyncset.done $0x0  }
0x8a: {  	[sflag:s30] =	ssyncadd.s32 $0xFFFFF000  }
0x8b: {  	_ =	swait.ge [sflag:s30], $0x1000  }
0x8c: {  	[sflag:s30] =	ssyncset.done $0x0  }
0x8d: {  	[sflag:s30] =	ssyncadd.s32 $0xFFFFF000  }
0x8e: {  	_ =	swait.ge [sflag:s30], $0x1000  }
0x8f: {  	s1 =	simm.s32 $0x180;
	s2 =	simm.s32 $0x200;
	[sflag:s30] =	ssyncset.done $0x0  }
0x90: {  	s12 =	simm.s32 $0x280;
	s0 =	simm.s32 $0x0;
	[sflag:s30] =	ssyncadd.s32 $0xFFFFF000  }
.LBB2_5:
0x91: {  	v2 =	vmov s0  }
0x92: {  	v8 =	vld [tilespmem:s1+$0x0];
	v2 =	vshll.u32 v2, $0x5  }
0x93: {  	v9 =	vld [tilespmem:s2+$0x0];
	v2 =	vor.u32 v1, v2;
	_ =	sdelay $0x1  }
0x94: {  	v10 =	vld [tilespmem:s12+$0x0];
	_ =	sdelay $0x2  }
0x95: {  	v3 =	vsub.f32 $1.000000000e+00, v8;
	v6 =	vsub.f32 $1.000000000e+00, v9;
	v7 =	vld.idx.msk [tilespmem:v2+s14+$0x0], $0xffff  }
0x96: {  	v11 =	vld.idx.msk [tilespmem:v2+s16+$0x0], $0xffff  }
0x97: {  	v12 =	vsub.f32 $1.000000000e+00, v10;
	v5 =	vmul.f32 v6, v3  }
0x98: {  	v13 =	vmul.f32 v9, v3;
	v14 =	vld.idx.msk [tilespmem:v2+s18+$0x0], $0xffff  }
0x99: {  	v4 =	vmul.f32 v12, v5;
	v5 =	vmul.f32 v5, v10  }
0x9a: {  	v15 =	vld.idx.msk [tilespmem:v2+s20+$0x0], $0xffff;
	v3 =	vmul.f32 v12, v13  }
0x9b: {  	v7 =	vmul.f32 v4, v7;
	v11 =	vmul.f32 v11, v5  }
0x9c: {  	v16 =	vmul.f32 v6, v8;
	v17 =	vld.idx.msk [tilespmem:v2+s22+$0x0], $0xffff  }
0x9d: {  	v6 =	vmul.f32 v10, v13;
	v58 =	vmul.f32 v14, v3;
	v7 =	vadd.f32 v11, v7  }
0x9e: {  	v59 =	vld.idx.msk [tilespmem:v2+s24+$0x0], $0xffff  }
0x9f: {  	v60 =	vmul.f32 v15, v6;
	v11 =	vadd.f32 v58, v7;
	v7 =	vmul.f32 v12, v16  }
0xa0: {  	v61 =	vmul.f32 v9, v8;
	v18 =	vld.idx.msk [tilespmem:v2+s26+$0x0], $0xffff  }
0xa1: {  	v8 =	vmul.f32 v16, v10;
	v11 =	vadd.f32 v60, v11;
	v62 =	vmul.f32 v17, v7  }
0xa2: {  	v63 =	vld.idx.msk [tilespmem:v2+s29+$0x0], $0xffff  }
0xa3: {  	v9 =	vmul.f32 v12, v61;
	v17 =	vmul.f32 v59, v8;
	v11 =	vadd.f32 v62, v11;
	_ =	sdelay $0x1  }
0xa4: {  	v10 =	vmul.f32 v10, v61;
	v18 =	vmul.f32 v18, v9;
	v11 =	vadd.f32 v17, v11;
	_ =	sdelay $0x1  }
0xa5: {  	v20 =	vor.u32 $0x1, v2;
	v19 =	vmul.f32 v63, v10;
	v11 =	vadd.f32 v18, v11;
	_ =	sdelay $0x1  }
0xa6: {  	v11 =	vadd.f32 v19, v11;
	_ =	sdelay $0x1  }
0xa7: {  	[tilespmem:v2+s31+$0x0] =	vst.idx.msk $0xffff, v11  }
0xa8: {  	v11 =	vld.idx.msk [tilespmem:v20+s14+$0x0], $0xffff  }
0xa9: {  	v21 =	vld.idx.msk [tilespmem:v20+s16+$0x0], $0xffff;
	_ =	sdelay $0x1  }
0xaa: {  	v22 =	vld.idx.msk [tilespmem:v20+s18+$0x0], $0xffff;
	_ =	sdelay $0x1  }
0xab: {  	v23 =	vld.idx.msk [tilespmem:v20+s20+$0x0], $0xffff  }
0xac: {  	v11 =	vmul.f32 v11, v4;
	v12 =	vmul.f32 v21, v5  }
0xad: {  	v24 =	vld.idx.msk [tilespmem:v20+s22+$0x0], $0xffff  }
0xae: {  	v25 =	vmul.f32 v22, v3;
	v11 =	vadd.f32 v12, v11  }
0xaf: {  	v26 =	vld.idx.msk [tilespmem:v20+s24+$0x0], $0xffff  }
0xb0: {  	v27 =	vmul.f32 v23, v6;
	v11 =	vadd.f32 v25, v11  }
0xb1: {  	v28 =	vld.idx.msk [tilespmem:v20+s26+$0x0], $0xffff  }
0xb2: {  	v29 =	vmul.f32 v24, v7;
	v11 =	vadd.f32 v27, v11  }
0xb3: {  	v30 =	vld.idx.msk [tilespmem:v20+s29+$0x0], $0xffff  }
0xb4: {  	v31 =	vmul.f32 v26, v8;
	v11 =	vadd.f32 v29, v11;
	_ =	sdelay $0x1  }
0xb5: {  	v32 =	vmul.f32 v28, v9;
	v11 =	vadd.f32 v31, v11;
	_ =	sdelay $0x1  }
0xb6: {  	v34 =	vor.u32 $0x2, v2;
	v33 =	vmul.f32 v30, v10;
	v11 =	vadd.f32 v32, v11;
	_ =	sdelay $0x1  }
0xb7: {  	v11 =	vadd.f32 v33, v11;
	_ =	sdelay $0x1  }
0xb8: {  	[tilespmem:v20+s31+$0x0] =	vst.idx.msk $0xffff, v11  }
0xb9: {  	v11 =	vld.idx.msk [tilespmem:v34+s14+$0x0], $0xffff  }
0xba: {  	v35 =	vld.idx.msk [tilespmem:v34+s16+$0x0], $0xffff;
	_ =	sdelay $0x1  }
0xbb: {  	v13 =	vld.idx.msk [tilespmem:v34+s18+$0x0], $0xffff;
	_ =	sdelay $0x1  }
0xbc: {  	v36 =	vld.idx.msk [tilespmem:v34+s20+$0x0], $0xffff  }
0xbd: {  	v11 =	vmul.f32 v11, v4;
	v12 =	vmul.f32 v35, v5  }
0xbe: {  	v37 =	vld.idx.msk [tilespmem:v34+s22+$0x0], $0xffff  }
0xbf: {  	v38 =	vmul.f32 v13, v3;
	v11 =	vadd.f32 v12, v11  }
0xc0: {  	v39 =	vld.idx.msk [tilespmem:v34+s24+$0x0], $0xffff  }
0xc1: {  	v40 =	vmul.f32 v36, v6;
	v11 =	vadd.f32 v38, v11  }
0xc2: {  	v41 =	vld.idx.msk [tilespmem:v34+s26+$0x0], $0xffff  }
0xc3: {  	v42 =	vmul.f32 v37, v7;
	v11 =	vadd.f32 v40, v11  }
0xc4: {  	v43 =	vld.idx.msk [tilespmem:v34+s29+$0x0], $0xffff  }
0xc5: {  	v44 =	vmul.f32 v39, v8;
	v11 =	vadd.f32 v42, v11;
	_ =	sdelay $0x1  }
0xc6: {  	v45 =	vmul.f32 v41, v9;
	v11 =	vadd.f32 v44, v11;
	_ =	sdelay $0x1  }
0xc7: {  	v47 =	vor.u32 $0x3, v2;
	v46 =	vmul.f32 v43, v10;
	v11 =	vadd.f32 v45, v11;
	_ =	sdelay $0x1  }
0xc8: {  	v11 =	vadd.f32 v46, v11;
	_ =	sdelay $0x1  }
0xc9: {  	[tilespmem:v34+s31+$0x0] =	vst.idx.msk $0xffff, v11  }
0xca: {  	v11 =	vld.idx.msk [tilespmem:v47+s14+$0x0], $0xffff  }
0xcb: {  	v48 =	vld.idx.msk [tilespmem:v47+s16+$0x0], $0xffff;
	_ =	sdelay $0x1  }
0xcc: {  	v14 =	vld.idx.msk [tilespmem:v47+s18+$0x0], $0xffff;
	_ =	sdelay $0x1  }
0xcd: {  	v49 =	vld.idx.msk [tilespmem:v47+s20+$0x0], $0xffff  }
0xce: {  	v11 =	vmul.f32 v11, v4;
	v12 =	vmul.f32 v48, v5  }
0xcf: {  	v50 =	vld.idx.msk [tilespmem:v47+s22+$0x0], $0xffff  }
0xd0: {  	v51 =	vmul.f32 v14, v3;
	v11 =	vadd.f32 v12, v11  }
0xd1: {  	v52 =	vld.idx.msk [tilespmem:v47+s24+$0x0], $0xffff  }
0xd2: {  	v53 =	vmul.f32 v49, v6;
	v11 =	vadd.f32 v51, v11  }
0xd3: {  	v54 =	vld.idx.msk [tilespmem:v47+s26+$0x0], $0xffff  }
0xd4: {  	v55 =	vmul.f32 v50, v7;
	v11 =	vadd.f32 v53, v11  }
0xd5: {  	v56 =	vld.idx.msk [tilespmem:v47+s29+$0x0], $0xffff  }
0xd6: {  	v57 =	vmul.f32 v52, v8;
	v11 =	vadd.f32 v55, v11;
	_ =	sdelay $0x1  }
0xd7: {  	v58 =	vmul.f32 v54, v9;
	v11 =	vadd.f32 v57, v11;
	_ =	sdelay $0x1  }
0xd8: {  	v60 =	vor.u32 $0x4, v2;
	v59 =	vmul.f32 v56, v10;
	v11 =	vadd.f32 v58, v11;
	_ =	sdelay $0x1  }
0xd9: {  	v11 =	vadd.f32 v59, v11;
	_ =	sdelay $0x1  }
0xda: {  	[tilespmem:v47+s31+$0x0] =	vst.idx.msk $0xffff, v11  }
0xdb: {  	v11 =	vld.idx.msk [tilespmem:v60+s14+$0x0], $0xffff  }
0xdc: {  	v61 =	vld.idx.msk [tilespmem:v60+s16+$0x0], $0xffff;
	_ =	sdelay $0x1  }
0xdd: {  	v13 =	vld.idx.msk [tilespmem:v60+s18+$0x0], $0xffff;
	_ =	sdelay $0x1  }
0xde: {  	v62 =	vld.idx.msk [tilespmem:v60+s20+$0x0], $0xffff  }
0xdf: {  	v11 =	vmul.f32 v11, v4;
	v12 =	vmul.f32 v61, v5  }
0xe0: {  	v63 =	vld.idx.msk [tilespmem:v60+s22+$0x0], $0xffff  }
0xe1: {  	v19 =	vmul.f32 v13, v3;
	v11 =	vadd.f32 v12, v11  }
0xe2: {  	v20 =	vld.idx.msk [tilespmem:v60+s24+$0x0], $0xffff  }
0xe3: {  	v21 =	vmul.f32 v62, v6;
	v11 =	vadd.f32 v19, v11  }
0xe4: {  	v22 =	vld.idx.msk [tilespmem:v60+s26+$0x0], $0xffff  }
0xe5: {  	v23 =	vmul.f32 v63, v7;
	v11 =	vadd.f32 v21, v11  }
0xe6: {  	v24 =	vld.idx.msk [tilespmem:v60+s29+$0x0], $0xffff  }
0xe7: {  	v25 =	vmul.f32 v20, v8;
	v11 =	vadd.f32 v23, v11;
	_ =	sdelay $0x1  }
0xe8: {  	v26 =	vmul.f32 v22, v9;
	v11 =	vadd.f32 v25, v11;
	_ =	sdelay $0x1  }
0xe9: {  	v28 =	vor.u32 $0x5, v2;
	v27 =	vmul.f32 v24, v10;
	v11 =	vadd.f32 v26, v11;
	_ =	sdelay $0x1  }
0xea: {  	v11 =	vadd.f32 v27, v11;
	_ =	sdelay $0x1  }
0xeb: {  	[tilespmem:v60+s31+$0x0] =	vst.idx.msk $0xffff, v11  }
0xec: {  	v11 =	vld.idx.msk [tilespmem:v28+s14+$0x0], $0xffff  }
0xed: {  	v29 =	vld.idx.msk [tilespmem:v28+s16+$0x0], $0xffff;
	_ =	sdelay $0x1  }
0xee: {  	v14 =	vld.idx.msk [tilespmem:v28+s18+$0x0], $0xffff;
	_ =	sdelay $0x1  }
0xef: {  	v30 =	vld.idx.msk [tilespmem:v28+s20+$0x0], $0xffff  }
0xf0: {  	v11 =	vmul.f32 v11, v4;
	v12 =	vmul.f32 v29, v5  }
0xf1: {  	v31 =	vld.idx.msk [tilespmem:v28+s22+$0x0], $0xffff  }
0xf2: {  	v32 =	vmul.f32 v14, v3;
	v11 =	vadd.f32 v12, v11  }
0xf3: {  	v33 =	vld.idx.msk [tilespmem:v28+s24+$0x0], $0xffff  }
0xf4: {  	v34 =	vmul.f32 v30, v6;
	v11 =	vadd.f32 v32, v11  }
0xf5: {  	v35 =	vld.idx.msk [tilespmem:v28+s26+$0x0], $0xffff  }
0xf6: {  	v36 =	vmul.f32 v31, v7;
	v11 =	vadd.f32 v34, v11  }
0xf7: {  	v37 =	vld.idx.msk [tilespmem:v28+s29+$0x0], $0xffff  }
0xf8: {  	v38 =	vmul.f32 v33, v8;
	v11 =	vadd.f32 v36, v11;
	_ =	sdelay $0x1  }
0xf9: {  	v39 =	vmul.f32 v35, v9;
	v11 =	vadd.f32 v38, v11;
	_ =	sdelay $0x1  }
0xfa: {  	v41 =	vor.u32 $0x6, v2;
	v40 =	vmul.f32 v37, v10;
	v11 =	vadd.f32 v39, v11;
	_ =	sdelay $0x1  }
0xfb: {  	v11 =	vadd.f32 v40, v11;
	_ =	sdelay $0x1  }
0xfc: {  	[tilespmem:v28+s31+$0x0] =	vst.idx.msk $0xffff, v11  }
0xfd: {  	v11 =	vld.idx.msk [tilespmem:v41+s14+$0x0], $0xffff  }
0xfe: {  	v42 =	vld.idx.msk [tilespmem:v41+s16+$0x0], $0xffff;
	_ =	sdelay $0x1  }
0xff: {  	v13 =	vld.idx.msk [tilespmem:v41+s18+$0x0], $0xffff;
	_ =	sdelay $0x1  }
0x100: {  	v43 =	vld.idx.msk [tilespmem:v41+s20+$0x0], $0xffff  }
0x101: {  	v11 =	vmul.f32 v11, v4;
	v12 =	vmul.f32 v42, v5  }
0x102: {  	v44 =	vld.idx.msk [tilespmem:v41+s22+$0x0], $0xffff  }
0x103: {  	v45 =	vmul.f32 v13, v3;
	v11 =	vadd.f32 v12, v11  }
0x104: {  	v46 =	vld.idx.msk [tilespmem:v41+s24+$0x0], $0xffff  }
0x105: {  	v47 =	vmul.f32 v43, v6;
	v11 =	vadd.f32 v45, v11  }
0x106: {  	v48 =	vld.idx.msk [tilespmem:v41+s26+$0x0], $0xffff  }
0x107: {  	v49 =	vmul.f32 v44, v7;
	v11 =	vadd.f32 v47, v11  }
0x108: {  	v50 =	vld.idx.msk [tilespmem:v41+s29+$0x0], $0xffff  }
0x109: {  	v51 =	vmul.f32 v46, v8;
	v11 =	vadd.f32 v49, v11;
	_ =	sdelay $0x1  }
0x10a: {  	v52 =	vmul.f32 v48, v9;
	v11 =	vadd.f32 v51, v11;
	_ =	sdelay $0x1  }
0x10b: {  	v54 =	vor.u32 $0x7, v2;
	v53 =	vmul.f32 v50, v10;
	v11 =	vadd.f32 v52, v11;
	_ =	sdelay $0x1  }
0x10c: {  	v11 =	vadd.f32 v53, v11;
	_ =	sdelay $0x1  }
0x10d: {  	[tilespmem:v41+s31+$0x0] =	vst.idx.msk $0xffff, v11  }
0x10e: {  	v11 =	vld.idx.msk [tilespmem:v54+s14+$0x0], $0xffff  }
0x10f: {  	v55 =	vld.idx.msk [tilespmem:v54+s16+$0x0], $0xffff;
	_ =	sdelay $0x1  }
0x110: {  	v14 =	vld.idx.msk [tilespmem:v54+s18+$0x0], $0xffff;
	_ =	sdelay $0x1  }
0x111: {  	v56 =	vld.idx.msk [tilespmem:v54+s20+$0x0], $0xffff  }
0x112: {  	v11 =	vmul.f32 v11, v4;
	v12 =	vmul.f32 v55, v5  }
0x113: {  	v57 =	vld.idx.msk [tilespmem:v54+s22+$0x0], $0xffff  }
0x114: {  	v58 =	vmul.f32 v14, v3;
	v11 =	vadd.f32 v12, v11  }
0x115: {  	v59 =	vld.idx.msk [tilespmem:v54+s24+$0x0], $0xffff  }
0x116: {  	v60 =	vmul.f32 v56, v6;
	v11 =	vadd.f32 v58, v11  }
0x117: {  	v61 =	vld.idx.msk [tilespmem:v54+s26+$0x0], $0xffff  }
0x118: {  	v62 =	vmul.f32 v57, v7;
	v11 =	vadd.f32 v60, v11  }
0x119: {  	v63 =	vld.idx.msk [tilespmem:v54+s29+$0x0], $0xffff  }
0x11a: {  	v18 =	vmul.f32 v59, v8;
	v11 =	vadd.f32 v62, v11;
	_ =	sdelay $0x1  }
0x11b: {  	v19 =	vmul.f32 v61, v9;
	v11 =	vadd.f32 v18, v11;
	_ =	sdelay $0x1  }
0x11c: {  	v21 =	vor.u32 $0x8, v2;
	v20 =	vmul.f32 v63, v10;
	v11 =	vadd.f32 v19, v11;
	_ =	sdelay $0x1  }
0x11d: {  	v11 =	vadd.f32 v20, v11;
	_ =	sdelay $0x1  }
0x11e: {  	[tilespmem:v54+s31+$0x0] =	vst.idx.msk $0xffff, v11  }
0x11f: {  	v11 =	vld.idx.msk [tilespmem:v21+s14+$0x0], $0xffff  }
0x120: {  	v22 =	vld.idx.msk [tilespmem:v21+s16+$0x0], $0xffff;
	_ =	sdelay $0x1  }
0x121: {  	v13 =	vld.idx.msk [tilespmem:v21+s18+$0x0], $0xffff;
	_ =	sdelay $0x1  }
0x122: {  	v23 =	vld.idx.msk [tilespmem:v21+s20+$0x0], $0xffff  }
0x123: {  	v11 =	vmul.f32 v11, v4;
	v12 =	vmul.f32 v22, v5  }
0x124: {  	v24 =	vld.idx.msk [tilespmem:v21+s22+$0x0], $0xffff  }
0x125: {  	v25 =	vmul.f32 v13, v3;
	v11 =	vadd.f32 v12, v11  }
0x126: {  	v26 =	vld.idx.msk [tilespmem:v21+s24+$0x0], $0xffff  }
0x127: {  	v27 =	vmul.f32 v23, v6;
	v11 =	vadd.f32 v25, v11  }
0x128: {  	v28 =	vld.idx.msk [tilespmem:v21+s26+$0x0], $0xffff  }
0x129: {  	v29 =	vmul.f32 v24, v7;
	v11 =	vadd.f32 v27, v11  }
0x12a: {  	v30 =	vld.idx.msk [tilespmem:v21+s29+$0x0], $0xffff  }
0x12b: {  	v31 =	vmul.f32 v26, v8;
	v11 =	vadd.f32 v29, v11;
	_ =	sdelay $0x1  }
0x12c: {  	v32 =	vmul.f32 v28, v9;
	v11 =	vadd.f32 v31, v11;
	_ =	sdelay $0x1  }
0x12d: {  	v34 =	vor.u32 $0x9, v2;
	v33 =	vmul.f32 v30, v10;
	v11 =	vadd.f32 v32, v11;
	_ =	sdelay $0x1  }
0x12e: {  	v11 =	vadd.f32 v33, v11;
	_ =	sdelay $0x1  }
0x12f: {  	[tilespmem:v21+s31+$0x0] =	vst.idx.msk $0xffff, v11  }
0x130: {  	v11 =	vld.idx.msk [tilespmem:v34+s14+$0x0], $0xffff  }
0x131: {  	v35 =	vld.idx.msk [tilespmem:v34+s16+$0x0], $0xffff;
	_ =	sdelay $0x1  }
0x132: {  	v14 =	vld.idx.msk [tilespmem:v34+s18+$0x0], $0xffff;
	_ =	sdelay $0x1  }
0x133: {  	v36 =	vld.idx.msk [tilespmem:v34+s20+$0x0], $0xffff  }
0x134: {  	v11 =	vmul.f32 v11, v4;
	v12 =	vmul.f32 v35, v5  }
0x135: {  	v37 =	vld.idx.msk [tilespmem:v34+s22+$0x0], $0xffff  }
0x136: {  	v38 =	vmul.f32 v14, v3;
	v11 =	vadd.f32 v12, v11  }
0x137: {  	v39 =	vld.idx.msk [tilespmem:v34+s24+$0x0], $0xffff  }
0x138: {  	v40 =	vmul.f32 v36, v6;
	v11 =	vadd.f32 v38, v11  }
0x139: {  	v41 =	vld.idx.msk [tilespmem:v34+s26+$0x0], $0xffff  }
0x13a: {  	v42 =	vmul.f32 v37, v7;
	v11 =	vadd.f32 v40, v11  }
0x13b: {  	v43 =	vld.idx.msk [tilespmem:v34+s29+$0x0], $0xffff  }
0x13c: {  	v44 =	vmul.f32 v39, v8;
	v11 =	vadd.f32 v42, v11;
	_ =	sdelay $0x1  }
0x13d: {  	v45 =	vmul.f32 v41, v9;
	v11 =	vadd.f32 v44, v11;
	_ =	sdelay $0x1  }
0x13e: {  	v47 =	vor.u32 $0xA, v2;
	v46 =	vmul.f32 v43, v10;
	v11 =	vadd.f32 v45, v11;
	_ =	sdelay $0x1  }
0x13f: {  	v11 =	vadd.f32 v46, v11;
	_ =	sdelay $0x1  }
0x140: {  	[tilespmem:v34+s31+$0x0] =	vst.idx.msk $0xffff, v11  }
0x141: {  	v11 =	vld.idx.msk [tilespmem:v47+s14+$0x0], $0xffff  }
0x142: {  	v48 =	vld.idx.msk [tilespmem:v47+s16+$0x0], $0xffff;
	_ =	sdelay $0x1  }
0x143: {  	v13 =	vld.idx.msk [tilespmem:v47+s18+$0x0], $0xffff;
	_ =	sdelay $0x1  }
0x144: {  	v49 =	vld.idx.msk [tilespmem:v47+s20+$0x0], $0xffff  }
0x145: {  	v11 =	vmul.f32 v11, v4;
	v12 =	vmul.f32 v48, v5  }
0x146: {  	v50 =	vld.idx.msk [tilespmem:v47+s22+$0x0], $0xffff  }
0x147: {  	v51 =	vmul.f32 v13, v3;
	v11 =	vadd.f32 v12, v11  }
0x148: {  	v52 =	vld.idx.msk [tilespmem:v47+s24+$0x0], $0xffff  }
0x149: {  	v53 =	vmul.f32 v49, v6;
	v11 =	vadd.f32 v51, v11  }
0x14a: {  	v54 =	vld.idx.msk [tilespmem:v47+s26+$0x0], $0xffff  }
0x14b: {  	v55 =	vmul.f32 v50, v7;
	v11 =	vadd.f32 v53, v11  }
0x14c: {  	v56 =	vld.idx.msk [tilespmem:v47+s29+$0x0], $0xffff  }
0x14d: {  	v57 =	vmul.f32 v52, v8;
	v11 =	vadd.f32 v55, v11;
	_ =	sdelay $0x1  }
0x14e: {  	v58 =	vmul.f32 v54, v9;
	v11 =	vadd.f32 v57, v11;
	_ =	sdelay $0x1  }
0x14f: {  	v60 =	vor.u32 $0xB, v2;
	v59 =	vmul.f32 v56, v10;
	v11 =	vadd.f32 v58, v11;
	_ =	sdelay $0x1  }
0x150: {  	v11 =	vadd.f32 v59, v11;
	_ =	sdelay $0x1  }
0x151: {  	[tilespmem:v47+s31+$0x0] =	vst.idx.msk $0xffff, v11  }
0x152: {  	v11 =	vld.idx.msk [tilespmem:v60+s14+$0x0], $0xffff  }
0x153: {  	v61 =	vld.idx.msk [tilespmem:v60+s16+$0x0], $0xffff;
	_ =	sdelay $0x1  }
0x154: {  	v14 =	vld.idx.msk [tilespmem:v60+s18+$0x0], $0xffff;
	_ =	sdelay $0x1  }
0x155: {  	v62 =	vld.idx.msk [tilespmem:v60+s20+$0x0], $0xffff  }
0x156: {  	v11 =	vmul.f32 v11, v4;
	v12 =	vmul.f32 v61, v5  }
0x157: {  	v63 =	vld.idx.msk [tilespmem:v60+s22+$0x0], $0xffff  }
0x158: {  	v19 =	vmul.f32 v14, v3;
	v11 =	vadd.f32 v12, v11  }
0x159: {  	v20 =	vld.idx.msk [tilespmem:v60+s24+$0x0], $0xffff  }
0x15a: {  	v21 =	vmul.f32 v62, v6;
	v11 =	vadd.f32 v19, v11  }
0x15b: {  	v22 =	vld.idx.msk [tilespmem:v60+s26+$0x0], $0xffff  }
0x15c: {  	v23 =	vmul.f32 v63, v7;
	v11 =	vadd.f32 v21, v11  }
0x15d: {  	v24 =	vld.idx.msk [tilespmem:v60+s29+$0x0], $0xffff  }
0x15e: {  	v25 =	vmul.f32 v20, v8;
	v11 =	vadd.f32 v23, v11;
	_ =	sdelay $0x1  }
0x15f: {  	v26 =	vmul.f32 v22, v9;
	v11 =	vadd.f32 v25, v11;
	_ =	sdelay $0x1  }
0x160: {  	v28 =	vor.u32 $0xC, v2;
	v27 =	vmul.f32 v24, v10;
	v11 =	vadd.f32 v26, v11;
	_ =	sdelay $0x1  }
0x161: {  	v11 =	vadd.f32 v27, v11;
	_ =	sdelay $0x1  }
0x162: {  	[tilespmem:v60+s31+$0x0] =	vst.idx.msk $0xffff, v11  }
0x163: {  	v11 =	vld.idx.msk [tilespmem:v28+s14+$0x0], $0xffff  }
0x164: {  	v29 =	vld.idx.msk [tilespmem:v28+s16+$0x0], $0xffff;
	_ =	sdelay $0x1  }
0x165: {  	v13 =	vld.idx.msk [tilespmem:v28+s18+$0x0], $0xffff;
	_ =	sdelay $0x1  }
0x166: {  	v30 =	vld.idx.msk [tilespmem:v28+s20+$0x0], $0xffff  }
0x167: {  	v11 =	vmul.f32 v11, v4;
	v12 =	vmul.f32 v29, v5  }
0x168: {  	v31 =	vld.idx.msk [tilespmem:v28+s22+$0x0], $0xffff  }
0x169: {  	v32 =	vmul.f32 v13, v3;
	v11 =	vadd.f32 v12, v11  }
0x16a: {  	v33 =	vld.idx.msk [tilespmem:v28+s24+$0x0], $0xffff  }
0x16b: {  	v34 =	vmul.f32 v30, v6;
	v11 =	vadd.f32 v32, v11  }
0x16c: {  	v35 =	vld.idx.msk [tilespmem:v28+s26+$0x0], $0xffff  }
0x16d: {  	v36 =	vmul.f32 v31, v7;
	v11 =	vadd.f32 v34, v11  }
0x16e: {  	v37 =	vld.idx.msk [tilespmem:v28+s29+$0x0], $0xffff  }
0x16f: {  	v38 =	vmul.f32 v33, v8;
	v11 =	vadd.f32 v36, v11;
	_ =	sdelay $0x1  }
0x170: {  	v39 =	vmul.f32 v35, v9;
	v11 =	vadd.f32 v38, v11;
	_ =	sdelay $0x1  }
0x171: {  	v41 =	vor.u32 $0xD, v2;
	v40 =	vmul.f32 v37, v10;
	v11 =	vadd.f32 v39, v11;
	_ =	sdelay $0x1  }
0x172: {  	v11 =	vadd.f32 v40, v11;
	_ =	sdelay $0x1  }
0x173: {  	[tilespmem:v28+s31+$0x0] =	vst.idx.msk $0xffff, v11  }
0x174: {  	v11 =	vld.idx.msk [tilespmem:v41+s14+$0x0], $0xffff  }
0x175: {  	v42 =	vld.idx.msk [tilespmem:v41+s16+$0x0], $0xffff;
	_ =	sdelay $0x1  }
0x176: {  	v14 =	vld.idx.msk [tilespmem:v41+s18+$0x0], $0xffff;
	_ =	sdelay $0x1  }
0x177: {  	v43 =	vld.idx.msk [tilespmem:v41+s20+$0x0], $0xffff  }
0x178: {  	v11 =	vmul.f32 v11, v4;
	v12 =	vmul.f32 v42, v5  }
0x179: {  	v44 =	vld.idx.msk [tilespmem:v41+s22+$0x0], $0xffff  }
0x17a: {  	v45 =	vmul.f32 v14, v3;
	v11 =	vadd.f32 v12, v11  }
0x17b: {  	v46 =	vld.idx.msk [tilespmem:v41+s24+$0x0], $0xffff  }
0x17c: {  	v47 =	vmul.f32 v43, v6;
	v11 =	vadd.f32 v45, v11  }
0x17d: {  	v48 =	vld.idx.msk [tilespmem:v41+s26+$0x0], $0xffff  }
0x17e: {  	v49 =	vmul.f32 v44, v7;
	v11 =	vadd.f32 v47, v11  }
0x17f: {  	v50 =	vld.idx.msk [tilespmem:v41+s29+$0x0], $0xffff  }
0x180: {  	v51 =	vmul.f32 v46, v8;
	v11 =	vadd.f32 v49, v11;
	_ =	sdelay $0x1  }
0x181: {  	v52 =	vmul.f32 v48, v9;
	v11 =	vadd.f32 v51, v11;
	_ =	sdelay $0x1  }
0x182: {  	v54 =	vor.u32 $0xE, v2;
	v53 =	vmul.f32 v50, v10;
	v11 =	vadd.f32 v52, v11;
	_ =	sdelay $0x1  }
0x183: {  	v11 =	vadd.f32 v53, v11;
	_ =	sdelay $0x1  }
0x184: {  	[tilespmem:v41+s31+$0x0] =	vst.idx.msk $0xffff, v11  }
0x185: {  	v11 =	vld.idx.msk [tilespmem:v54+s14+$0x0], $0xffff  }
0x186: {  	v55 =	vld.idx.msk [tilespmem:v54+s16+$0x0], $0xffff;
	_ =	sdelay $0x1  }
0x187: {  	v13 =	vld.idx.msk [tilespmem:v54+s18+$0x0], $0xffff;
	_ =	sdelay $0x1  }
0x188: {  	v56 =	vld.idx.msk [tilespmem:v54+s20+$0x0], $0xffff  }
0x189: {  	v11 =	vmul.f32 v11, v4;
	v12 =	vmul.f32 v55, v5  }
0x18a: {  	v57 =	vld.idx.msk [tilespmem:v54+s22+$0x0], $0xffff  }
0x18b: {  	v58 =	vmul.f32 v13, v3;
	v11 =	vadd.f32 v12, v11  }
0x18c: {  	v59 =	vld.idx.msk [tilespmem:v54+s24+$0x0], $0xffff  }
0x18d: {  	v60 =	vmul.f32 v56, v6;
	v11 =	vadd.f32 v58, v11  }
0x18e: {  	v61 =	vld.idx.msk [tilespmem:v54+s26+$0x0], $0xffff  }
0x18f: {  	v62 =	vmul.f32 v57, v7;
	v11 =	vadd.f32 v60, v11  }
0x190: {  	v63 =	vld.idx.msk [tilespmem:v54+s29+$0x0], $0xffff  }
0x191: {  	v18 =	vmul.f32 v59, v8;
	v11 =	vadd.f32 v62, v11;
	_ =	sdelay $0x1  }
0x192: {  	v19 =	vmul.f32 v61, v9;
	v11 =	vadd.f32 v18, v11;
	_ =	sdelay $0x1  }
0x193: {  	v21 =	vor.u32 $0xF, v2;
	v20 =	vmul.f32 v63, v10;
	v11 =	vadd.f32 v19, v11;
	_ =	sdelay $0x1  }
0x194: {  	v11 =	vadd.f32 v20, v11;
	_ =	sdelay $0x1  }
0x195: {  	[tilespmem:v54+s31+$0x0] =	vst.idx.msk $0xffff, v11  }
0x196: {  	v11 =	vld.idx.msk [tilespmem:v21+s14+$0x0], $0xffff  }
0x197: {  	v22 =	vld.idx.msk [tilespmem:v21+s16+$0x0], $0xffff;
	_ =	sdelay $0x1  }
0x198: {  	v14 =	vld.idx.msk [tilespmem:v21+s18+$0x0], $0xffff;
	_ =	sdelay $0x1  }
0x199: {  	v23 =	vld.idx.msk [tilespmem:v21+s20+$0x0], $0xffff  }
0x19a: {  	v11 =	vmul.f32 v11, v4;
	v12 =	vmul.f32 v22, v5  }
0x19b: {  	v24 =	vld.idx.msk [tilespmem:v21+s22+$0x0], $0xffff  }
0x19c: {  	v25 =	vmul.f32 v14, v3;
	v11 =	vadd.f32 v12, v11  }
0x19d: {  	v26 =	vld.idx.msk [tilespmem:v21+s24+$0x0], $0xffff  }
0x19e: {  	v27 =	vmul.f32 v23, v6;
	v11 =	vadd.f32 v25, v11  }
0x19f: {  	v28 =	vld.idx.msk [tilespmem:v21+s26+$0x0], $0xffff  }
0x1a0: {  	v29 =	vmul.f32 v24, v7;
	v11 =	vadd.f32 v27, v11  }
0x1a1: {  	v30 =	vld.idx.msk [tilespmem:v21+s29+$0x0], $0xffff  }
0x1a2: {  	v31 =	vmul.f32 v26, v8;
	v11 =	vadd.f32 v29, v11;
	_ =	sdelay $0x1  }
0x1a3: {  	v32 =	vmul.f32 v28, v9;
	v11 =	vadd.f32 v31, v11;
	_ =	sdelay $0x1  }
0x1a4: {  	v34 =	vor.u32 $0x10, v2;
	v33 =	vmul.f32 v30, v10;
	v11 =	vadd.f32 v32, v11;
	_ =	sdelay $0x1  }
0x1a5: {  	v11 =	vadd.f32 v33, v11;
	_ =	sdelay $0x1  }
0x1a6: {  	[tilespmem:v21+s31+$0x0] =	vst.idx.msk $0xffff, v11  }
0x1a7: {  	v11 =	vld.idx.msk [tilespmem:v34+s14+$0x0], $0xffff  }
0x1a8: {  	v35 =	vld.idx.msk [tilespmem:v34+s16+$0x0], $0xffff;
	_ =	sdelay $0x1  }
0x1a9: {  	v13 =	vld.idx.msk [tilespmem:v34+s18+$0x0], $0xffff;
	_ =	sdelay $0x1  }
0x1aa: {  	v36 =	vld.idx.msk [tilespmem:v34+s20+$0x0], $0xffff  }
0x1ab: {  	v11 =	vmul.f32 v11, v4;
	v12 =	vmul.f32 v35, v5  }
0x1ac: {  	v37 =	vld.idx.msk [tilespmem:v34+s22+$0x0], $0xffff  }
0x1ad: {  	v38 =	vmul.f32 v13, v3;
	v11 =	vadd.f32 v12, v11  }
0x1ae: {  	v39 =	vld.idx.msk [tilespmem:v34+s24+$0x0], $0xffff  }
0x1af: {  	v40 =	vmul.f32 v36, v6;
	v11 =	vadd.f32 v38, v11  }
0x1b0: {  	v41 =	vld.idx.msk [tilespmem:v34+s26+$0x0], $0xffff  }
0x1b1: {  	v42 =	vmul.f32 v37, v7;
	v11 =	vadd.f32 v40, v11  }
0x1b2: {  	v43 =	vld.idx.msk [tilespmem:v34+s29+$0x0], $0xffff  }
0x1b3: {  	v44 =	vmul.f32 v39, v8;
	v11 =	vadd.f32 v42, v11;
	_ =	sdelay $0x1  }
0x1b4: {  	v45 =	vmul.f32 v41, v9;
	v11 =	vadd.f32 v44, v11;
	_ =	sdelay $0x1  }
0x1b5: {  	v47 =	vor.u32 $0x11, v2;
	v46 =	vmul.f32 v43, v10;
	v11 =	vadd.f32 v45, v11;
	_ =	sdelay $0x1  }
0x1b6: {  	v11 =	vadd.f32 v46, v11;
	_ =	sdelay $0x1  }
0x1b7: {  	[tilespmem:v34+s31+$0x0] =	vst.idx.msk $0xffff, v11  }
0x1b8: {  	v11 =	vld.idx.msk [tilespmem:v47+s14+$0x0], $0xffff  }
0x1b9: {  	v48 =	vld.idx.msk [tilespmem:v47+s16+$0x0], $0xffff;
	_ =	sdelay $0x1  }
0x1ba: {  	v14 =	vld.idx.msk [tilespmem:v47+s18+$0x0], $0xffff;
	_ =	sdelay $0x1  }
0x1bb: {  	v49 =	vld.idx.msk [tilespmem:v47+s20+$0x0], $0xffff  }
0x1bc: {  	v11 =	vmul.f32 v11, v4;
	v12 =	vmul.f32 v48, v5  }
0x1bd: {  	v50 =	vld.idx.msk [tilespmem:v47+s22+$0x0], $0xffff  }
0x1be: {  	v51 =	vmul.f32 v14, v3;
	v11 =	vadd.f32 v12, v11  }
0x1bf: {  	v52 =	vld.idx.msk [tilespmem:v47+s24+$0x0], $0xffff  }
0x1c0: {  	v53 =	vmul.f32 v49, v6;
	v11 =	vadd.f32 v51, v11  }
0x1c1: {  	v54 =	vld.idx.msk [tilespmem:v47+s26+$0x0], $0xffff  }
0x1c2: {  	v55 =	vmul.f32 v50, v7;
	v11 =	vadd.f32 v53, v11  }
0x1c3: {  	v56 =	vld.idx.msk [tilespmem:v47+s29+$0x0], $0xffff  }
0x1c4: {  	v57 =	vmul.f32 v52, v8;
	v11 =	vadd.f32 v55, v11;
	_ =	sdelay $0x1  }
0x1c5: {  	v58 =	vmul.f32 v54, v9;
	v11 =	vadd.f32 v57, v11;
	_ =	sdelay $0x1  }
0x1c6: {  	v60 =	vor.u32 $0x12, v2;
	v59 =	vmul.f32 v56, v10;
	v11 =	vadd.f32 v58, v11;
	_ =	sdelay $0x1  }
0x1c7: {  	v11 =	vadd.f32 v59, v11;
	_ =	sdelay $0x1  }
0x1c8: {  	[tilespmem:v47+s31+$0x0] =	vst.idx.msk $0xffff, v11  }
0x1c9: {  	v11 =	vld.idx.msk [tilespmem:v60+s14+$0x0], $0xffff  }
0x1ca: {  	v61 =	vld.idx.msk [tilespmem:v60+s16+$0x0], $0xffff;
	_ =	sdelay $0x1  }
0x1cb: {  	v13 =	vld.idx.msk [tilespmem:v60+s18+$0x0], $0xffff;
	_ =	sdelay $0x1  }
0x1cc: {  	v62 =	vld.idx.msk [tilespmem:v60+s20+$0x0], $0xffff  }
0x1cd: {  	v11 =	vmul.f32 v11, v4;
	v12 =	vmul.f32 v61, v5  }
0x1ce: {  	v63 =	vld.idx.msk [tilespmem:v60+s22+$0x0], $0xffff  }
0x1cf: {  	v20 =	vmul.f32 v13, v3;
	v11 =	vadd.f32 v12, v11  }
0x1d0: {  	v21 =	vld.idx.msk [tilespmem:v60+s24+$0x0], $0xffff  }
0x1d1: {  	v22 =	vmul.f32 v62, v6;
	v11 =	vadd.f32 v20, v11  }
0x1d2: {  	v23 =	vld.idx.msk [tilespmem:v60+s26+$0x0], $0xffff  }
0x1d3: {  	v24 =	vmul.f32 v63, v7;
	v11 =	vadd.f32 v22, v11  }
0x1d4: {  	v25 =	vld.idx.msk [tilespmem:v60+s29+$0x0], $0xffff  }
0x1d5: {  	v26 =	vmul.f32 v21, v8;
	v11 =	vadd.f32 v24, v11;
	_ =	sdelay $0x1  }
0x1d6: {  	v27 =	vmul.f32 v23, v9;
	v11 =	vadd.f32 v26, v11;
	_ =	sdelay $0x1  }
0x1d7: {  	v29 =	vor.u32 $0x13, v2;
	v28 =	vmul.f32 v25, v10;
	v11 =	vadd.f32 v27, v11;
	_ =	sdelay $0x1  }
0x1d8: {  	v11 =	vadd.f32 v28, v11;
	_ =	sdelay $0x1  }
0x1d9: {  	[tilespmem:v60+s31+$0x0] =	vst.idx.msk $0xffff, v11  }
0x1da: {  	v11 =	vld.idx.msk [tilespmem:v29+s14+$0x0], $0xffff  }
0x1db: {  	v30 =	vld.idx.msk [tilespmem:v29+s16+$0x0], $0xffff;
	_ =	sdelay $0x1  }
0x1dc: {  	v14 =	vld.idx.msk [tilespmem:v29+s18+$0x0], $0xffff;
	_ =	sdelay $0x1  }
0x1dd: {  	v31 =	vld.idx.msk [tilespmem:v29+s20+$0x0], $0xffff  }
0x1de: {  	v11 =	vmul.f32 v11, v4;
	v12 =	vmul.f32 v30, v5  }
0x1df: {  	v32 =	vld.idx.msk [tilespmem:v29+s22+$0x0], $0xffff  }
0x1e0: {  	v33 =	vmul.f32 v14, v3;
	v11 =	vadd.f32 v12, v11  }
0x1e1: {  	v34 =	vld.idx.msk [tilespmem:v29+s24+$0x0], $0xffff  }
0x1e2: {  	v35 =	vmul.f32 v31, v6;
	v11 =	vadd.f32 v33, v11  }
0x1e3: {  	v36 =	vld.idx.msk [tilespmem:v29+s26+$0x0], $0xffff  }
0x1e4: {  	v37 =	vmul.f32 v32, v7;
	v11 =	vadd.f32 v35, v11  }
0x1e5: {  	v38 =	vld.idx.msk [tilespmem:v29+s29+$0x0], $0xffff  }
0x1e6: {  	v39 =	vmul.f32 v34, v8;
	v11 =	vadd.f32 v37, v11;
	_ =	sdelay $0x1  }
0x1e7: {  	v40 =	vmul.f32 v36, v9;
	v11 =	vadd.f32 v39, v11;
	_ =	sdelay $0x1  }
0x1e8: {  	v42 =	vor.u32 $0x14, v2;
	v41 =	vmul.f32 v38, v10;
	v11 =	vadd.f32 v40, v11;
	_ =	sdelay $0x1  }
0x1e9: {  	v11 =	vadd.f32 v41, v11;
	_ =	sdelay $0x1  }
0x1ea: {  	[tilespmem:v29+s31+$0x0] =	vst.idx.msk $0xffff, v11  }
0x1eb: {  	v11 =	vld.idx.msk [tilespmem:v42+s14+$0x0], $0xffff  }
0x1ec: {  	v43 =	vld.idx.msk [tilespmem:v42+s16+$0x0], $0xffff;
	_ =	sdelay $0x1  }
0x1ed: {  	v13 =	vld.idx.msk [tilespmem:v42+s18+$0x0], $0xffff;
	_ =	sdelay $0x1  }
0x1ee: {  	v44 =	vld.idx.msk [tilespmem:v42+s20+$0x0], $0xffff  }
0x1ef: {  	v11 =	vmul.f32 v11, v4;
	v12 =	vmul.f32 v43, v5  }
0x1f0: {  	v45 =	vld.idx.msk [tilespmem:v42+s22+$0x0], $0xffff  }
0x1f1: {  	v46 =	vmul.f32 v13, v3;
	v11 =	vadd.f32 v12, v11  }
0x1f2: {  	v47 =	vld.idx.msk [tilespmem:v42+s24+$0x0], $0xffff  }
0x1f3: {  	v48 =	vmul.f32 v44, v6;
	v11 =	vadd.f32 v46, v11  }
0x1f4: {  	v49 =	vld.idx.msk [tilespmem:v42+s26+$0x0], $0xffff  }
0x1f5: {  	v50 =	vmul.f32 v45, v7;
	v11 =	vadd.f32 v48, v11  }
0x1f6: {  	v51 =	vld.idx.msk [tilespmem:v42+s29+$0x0], $0xffff  }
0x1f7: {  	v52 =	vmul.f32 v47, v8;
	v11 =	vadd.f32 v50, v11;
	_ =	sdelay $0x1  }
0x1f8: {  	v53 =	vmul.f32 v49, v9;
	v11 =	vadd.f32 v52, v11;
	_ =	sdelay $0x1  }
0x1f9: {  	v55 =	vor.u32 $0x15, v2;
	v54 =	vmul.f32 v51, v10;
	v11 =	vadd.f32 v53, v11;
	_ =	sdelay $0x1  }
0x1fa: {  	v11 =	vadd.f32 v54, v11;
	_ =	sdelay $0x1  }
0x1fb: {  	[tilespmem:v42+s31+$0x0] =	vst.idx.msk $0xffff, v11  }
0x1fc: {  	v11 =	vld.idx.msk [tilespmem:v55+s14+$0x0], $0xffff  }
0x1fd: {  	v56 =	vld.idx.msk [tilespmem:v55+s16+$0x0], $0xffff;
	_ =	sdelay $0x1  }
0x1fe: {  	v14 =	vld.idx.msk [tilespmem:v55+s18+$0x0], $0xffff;
	_ =	sdelay $0x1  }
0x1ff: {  	v57 =	vld.idx.msk [tilespmem:v55+s20+$0x0], $0xffff  }
0x200: {  	v11 =	vmul.f32 v11, v4;
	v12 =	vmul.f32 v56, v5  }
0x201: {  	v58 =	vld.idx.msk [tilespmem:v55+s22+$0x0], $0xffff  }
0x202: {  	v59 =	vmul.f32 v14, v3;
	v11 =	vadd.f32 v12, v11  }
0x203: {  	v60 =	vld.idx.msk [tilespmem:v55+s24+$0x0], $0xffff  }
0x204: {  	v61 =	vmul.f32 v57, v6;
	v11 =	vadd.f32 v59, v11  }
0x205: {  	v62 =	vld.idx.msk [tilespmem:v55+s26+$0x0], $0xffff  }
0x206: {  	v63 =	vmul.f32 v58, v7;
	v11 =	vadd.f32 v61, v11  }
0x207: {  	v20 =	vld.idx.msk [tilespmem:v55+s29+$0x0], $0xffff  }
0x208: {  	v21 =	vmul.f32 v60, v8;
	v11 =	vadd.f32 v63, v11;
	_ =	sdelay $0x1  }
0x209: {  	v22 =	vmul.f32 v62, v9;
	v11 =	vadd.f32 v21, v11;
	_ =	sdelay $0x1  }
0x20a: {  	v24 =	vor.u32 $0x16, v2;
	v23 =	vmul.f32 v20, v10;
	v11 =	vadd.f32 v22, v11;
	_ =	sdelay $0x1  }
0x20b: {  	v11 =	vadd.f32 v23, v11;
	_ =	sdelay $0x1  }
0x20c: {  	[tilespmem:v55+s31+$0x0] =	vst.idx.msk $0xffff, v11  }
0x20d: {  	v11 =	vld.idx.msk [tilespmem:v24+s14+$0x0], $0xffff  }
0x20e: {  	v25 =	vld.idx.msk [tilespmem:v24+s16+$0x0], $0xffff;
	_ =	sdelay $0x1  }
0x20f: {  	v13 =	vld.idx.msk [tilespmem:v24+s18+$0x0], $0xffff;
	_ =	sdelay $0x1  }
0x210: {  	v26 =	vld.idx.msk [tilespmem:v24+s20+$0x0], $0xffff  }
0x211: {  	v11 =	vmul.f32 v11, v4;
	v12 =	vmul.f32 v25, v5  }
0x212: {  	v27 =	vld.idx.msk [tilespmem:v24+s22+$0x0], $0xffff  }
0x213: {  	v28 =	vmul.f32 v13, v3;
	v11 =	vadd.f32 v12, v11  }
0x214: {  	v29 =	vld.idx.msk [tilespmem:v24+s24+$0x0], $0xffff  }
0x215: {  	v30 =	vmul.f32 v26, v6;
	v11 =	vadd.f32 v28, v11  }
0x216: {  	v31 =	vld.idx.msk [tilespmem:v24+s26+$0x0], $0xffff  }
0x217: {  	v32 =	vmul.f32 v27, v7;
	v11 =	vadd.f32 v30, v11  }
0x218: {  	v33 =	vld.idx.msk [tilespmem:v24+s29+$0x0], $0xffff  }
0x219: {  	v34 =	vmul.f32 v29, v8;
	v11 =	vadd.f32 v32, v11;
	_ =	sdelay $0x1  }
0x21a: {  	v35 =	vmul.f32 v31, v9;
	v11 =	vadd.f32 v34, v11;
	_ =	sdelay $0x1  }
0x21b: {  	v37 =	vor.u32 $0x17, v2;
	v36 =	vmul.f32 v33, v10;
	v11 =	vadd.f32 v35, v11;
	_ =	sdelay $0x1  }
0x21c: {  	v11 =	vadd.f32 v36, v11;
	_ =	sdelay $0x1  }
0x21d: {  	[tilespmem:v24+s31+$0x0] =	vst.idx.msk $0xffff, v11  }
0x21e: {  	v11 =	vld.idx.msk [tilespmem:v37+s14+$0x0], $0xffff  }
0x21f: {  	v38 =	vld.idx.msk [tilespmem:v37+s16+$0x0], $0xffff;
	_ =	sdelay $0x1  }
0x220: {  	v14 =	vld.idx.msk [tilespmem:v37+s18+$0x0], $0xffff;
	_ =	sdelay $0x1  }
0x221: {  	v39 =	vld.idx.msk [tilespmem:v37+s20+$0x0], $0xffff  }
0x222: {  	v11 =	vmul.f32 v11, v4;
	v12 =	vmul.f32 v38, v5  }
0x223: {  	v40 =	vld.idx.msk [tilespmem:v37+s22+$0x0], $0xffff  }
0x224: {  	v41 =	vmul.f32 v14, v3;
	v11 =	vadd.f32 v12, v11  }
0x225: {  	v42 =	vld.idx.msk [tilespmem:v37+s24+$0x0], $0xffff  }
0x226: {  	v43 =	vmul.f32 v39, v6;
	v11 =	vadd.f32 v41, v11  }
0x227: {  	v44 =	vld.idx.msk [tilespmem:v37+s26+$0x0], $0xffff  }
0x228: {  	v45 =	vmul.f32 v40, v7;
	v11 =	vadd.f32 v43, v11  }
0x229: {  	v46 =	vld.idx.msk [tilespmem:v37+s29+$0x0], $0xffff  }
0x22a: {  	v47 =	vmul.f32 v42, v8;
	v11 =	vadd.f32 v45, v11;
	_ =	sdelay $0x1  }
0x22b: {  	v48 =	vmul.f32 v44, v9;
	v11 =	vadd.f32 v47, v11;
	_ =	sdelay $0x1  }
0x22c: {  	v50 =	vor.u32 $0x18, v2;
	v49 =	vmul.f32 v46, v10;
	v11 =	vadd.f32 v48, v11;
	_ =	sdelay $0x1  }
0x22d: {  	v11 =	vadd.f32 v49, v11;
	_ =	sdelay $0x1  }
0x22e: {  	[tilespmem:v37+s31+$0x0] =	vst.idx.msk $0xffff, v11  }
0x22f: {  	v11 =	vld.idx.msk [tilespmem:v50+s14+$0x0], $0xffff  }
0x230: {  	v51 =	vld.idx.msk [tilespmem:v50+s16+$0x0], $0xffff;
	_ =	sdelay $0x1  }
0x231: {  	v13 =	vld.idx.msk [tilespmem:v50+s18+$0x0], $0xffff;
	_ =	sdelay $0x1  }
0x232: {  	v52 =	vld.idx.msk [tilespmem:v50+s20+$0x0], $0xffff  }
0x233: {  	v11 =	vmul.f32 v11, v4;
	v12 =	vmul.f32 v51, v5  }
0x234: {  	v53 =	vld.idx.msk [tilespmem:v50+s22+$0x0], $0xffff  }
0x235: {  	v54 =	vmul.f32 v13, v3;
	v11 =	vadd.f32 v12, v11  }
0x236: {  	v55 =	vld.idx.msk [tilespmem:v50+s24+$0x0], $0xffff  }
0x237: {  	v56 =	vmul.f32 v52, v6;
	v11 =	vadd.f32 v54, v11  }
0x238: {  	v57 =	vld.idx.msk [tilespmem:v50+s26+$0x0], $0xffff  }
0x239: {  	v58 =	vmul.f32 v53, v7;
	v11 =	vadd.f32 v56, v11  }
0x23a: {  	v59 =	vld.idx.msk [tilespmem:v50+s29+$0x0], $0xffff  }
0x23b: {  	v60 =	vmul.f32 v55, v8;
	v11 =	vadd.f32 v58, v11;
	_ =	sdelay $0x1  }
0x23c: {  	v61 =	vmul.f32 v57, v9;
	v11 =	vadd.f32 v60, v11;
	_ =	sdelay $0x1  }
0x23d: {  	v63 =	vor.u32 $0x19, v2;
	v62 =	vmul.f32 v59, v10;
	v11 =	vadd.f32 v61, v11;
	_ =	sdelay $0x1  }
0x23e: {  	v11 =	vadd.f32 v62, v11;
	_ =	sdelay $0x1  }
0x23f: {  	[tilespmem:v50+s31+$0x0] =	vst.idx.msk $0xffff, v11  }
0x240: {  	v11 =	vld.idx.msk [tilespmem:v63+s14+$0x0], $0xffff  }
0x241: {  	v20 =	vld.idx.msk [tilespmem:v63+s16+$0x0], $0xffff;
	_ =	sdelay $0x1  }
0x242: {  	v14 =	vld.idx.msk [tilespmem:v63+s18+$0x0], $0xffff;
	_ =	sdelay $0x1  }
0x243: {  	v21 =	vld.idx.msk [tilespmem:v63+s20+$0x0], $0xffff  }
0x244: {  	v11 =	vmul.f32 v11, v4;
	v12 =	vmul.f32 v20, v5  }
0x245: {  	v22 =	vld.idx.msk [tilespmem:v63+s22+$0x0], $0xffff  }
0x246: {  	v23 =	vmul.f32 v14, v3;
	v11 =	vadd.f32 v12, v11  }
0x247: {  	v24 =	vld.idx.msk [tilespmem:v63+s24+$0x0], $0xffff  }
0x248: {  	v25 =	vmul.f32 v21, v6;
	v11 =	vadd.f32 v23, v11  }
0x249: {  	v26 =	vld.idx.msk [tilespmem:v63+s26+$0x0], $0xffff  }
0x24a: {  	v27 =	vmul.f32 v22, v7;
	v11 =	vadd.f32 v25, v11  }
0x24b: {  	v28 =	vld.idx.msk [tilespmem:v63+s29+$0x0], $0xffff  }
0x24c: {  	v29 =	vmul.f32 v24, v8;
	v11 =	vadd.f32 v27, v11;
	_ =	sdelay $0x1  }
0x24d: {  	v30 =	vmul.f32 v26, v9;
	v11 =	vadd.f32 v29, v11;
	_ =	sdelay $0x1  }
0x24e: {  	v32 =	vor.u32 $0x1A, v2;
	v31 =	vmul.f32 v28, v10;
	v11 =	vadd.f32 v30, v11;
	_ =	sdelay $0x1  }
0x24f: {  	v11 =	vadd.f32 v31, v11;
	_ =	sdelay $0x1  }
0x250: {  	[tilespmem:v63+s31+$0x0] =	vst.idx.msk $0xffff, v11  }
0x251: {  	v11 =	vld.idx.msk [tilespmem:v32+s14+$0x0], $0xffff  }
0x252: {  	v33 =	vld.idx.msk [tilespmem:v32+s16+$0x0], $0xffff;
	_ =	sdelay $0x1  }
0x253: {  	v13 =	vld.idx.msk [tilespmem:v32+s18+$0x0], $0xffff;
	_ =	sdelay $0x1  }
0x254: {  	v34 =	vld.idx.msk [tilespmem:v32+s20+$0x0], $0xffff  }
0x255: {  	v11 =	vmul.f32 v11, v4;
	v12 =	vmul.f32 v33, v5  }
0x256: {  	v35 =	vld.idx.msk [tilespmem:v32+s22+$0x0], $0xffff  }
0x257: {  	v36 =	vmul.f32 v13, v3;
	v11 =	vadd.f32 v12, v11  }
0x258: {  	v37 =	vld.idx.msk [tilespmem:v32+s24+$0x0], $0xffff  }
0x259: {  	v38 =	vmul.f32 v34, v6;
	v11 =	vadd.f32 v36, v11  }
0x25a: {  	v39 =	vld.idx.msk [tilespmem:v32+s26+$0x0], $0xffff  }
0x25b: {  	v40 =	vmul.f32 v35, v7;
	v11 =	vadd.f32 v38, v11  }
0x25c: {  	v41 =	vld.idx.msk [tilespmem:v32+s29+$0x0], $0xffff  }
0x25d: {  	v42 =	vmul.f32 v37, v8;
	v11 =	vadd.f32 v40, v11;
	_ =	sdelay $0x1  }
0x25e: {  	v43 =	vmul.f32 v39, v9;
	v11 =	vadd.f32 v42, v11;
	_ =	sdelay $0x1  }
0x25f: {  	v45 =	vor.u32 $0x1B, v2;
	v44 =	vmul.f32 v41, v10;
	v11 =	vadd.f32 v43, v11;
	_ =	sdelay $0x1  }
0x260: {  	v11 =	vadd.f32 v44, v11;
	_ =	sdelay $0x1  }
0x261: {  	[tilespmem:v32+s31+$0x0] =	vst.idx.msk $0xffff, v11  }
0x262: {  	v11 =	vld.idx.msk [tilespmem:v45+s14+$0x0], $0xffff  }
0x263: {  	v46 =	vld.idx.msk [tilespmem:v45+s16+$0x0], $0xffff;
	_ =	sdelay $0x1  }
0x264: {  	v14 =	vld.idx.msk [tilespmem:v45+s18+$0x0], $0xffff;
	_ =	sdelay $0x1  }
0x265: {  	v47 =	vld.idx.msk [tilespmem:v45+s20+$0x0], $0xffff  }
0x266: {  	v11 =	vmul.f32 v11, v4;
	v12 =	vmul.f32 v46, v5  }
0x267: {  	v48 =	vld.idx.msk [tilespmem:v45+s22+$0x0], $0xffff  }
0x268: {  	v49 =	vmul.f32 v14, v3;
	v11 =	vadd.f32 v12, v11  }
0x269: {  	v50 =	vld.idx.msk [tilespmem:v45+s24+$0x0], $0xffff  }
0x26a: {  	v51 =	vmul.f32 v47, v6;
	v11 =	vadd.f32 v49, v11  }
0x26b: {  	v52 =	vld.idx.msk [tilespmem:v45+s26+$0x0], $0xffff  }
0x26c: {  	v53 =	vmul.f32 v48, v7;
	v11 =	vadd.f32 v51, v11  }
0x26d: {  	v54 =	vld.idx.msk [tilespmem:v45+s29+$0x0], $0xffff  }
0x26e: {  	v55 =	vmul.f32 v50, v8;
	v11 =	vadd.f32 v53, v11;
	_ =	sdelay $0x1  }
0x26f: {  	v56 =	vmul.f32 v52, v9;
	v11 =	vadd.f32 v55, v11;
	_ =	sdelay $0x1  }
0x270: {  	v58 =	vor.u32 $0x1C, v2;
	v57 =	vmul.f32 v54, v10;
	v11 =	vadd.f32 v56, v11;
	_ =	sdelay $0x1  }
0x271: {  	v11 =	vadd.f32 v57, v11;
	_ =	sdelay $0x1  }
0x272: {  	[tilespmem:v45+s31+$0x0] =	vst.idx.msk $0xffff, v11  }
0x273: {  	v11 =	vld.idx.msk [tilespmem:v58+s14+$0x0], $0xffff  }
0x274: {  	v59 =	vld.idx.msk [tilespmem:v58+s16+$0x0], $0xffff;
	_ =	sdelay $0x1  }
0x275: {  	v13 =	vld.idx.msk [tilespmem:v58+s18+$0x0], $0xffff;
	_ =	sdelay $0x1  }
0x276: {  	v60 =	vld.idx.msk [tilespmem:v58+s20+$0x0], $0xffff  }
0x277: {  	v11 =	vmul.f32 v11, v4;
	v12 =	vmul.f32 v59, v5  }
0x278: {  	v61 =	vld.idx.msk [tilespmem:v58+s22+$0x0], $0xffff  }
0x279: {  	v62 =	vmul.f32 v13, v3;
	v11 =	vadd.f32 v12, v11  }
0x27a: {  	v63 =	vld.idx.msk [tilespmem:v58+s24+$0x0], $0xffff  }
0x27b: {  	v20 =	vmul.f32 v60, v6;
	v11 =	vadd.f32 v62, v11  }
0x27c: {  	v21 =	vld.idx.msk [tilespmem:v58+s26+$0x0], $0xffff  }
0x27d: {  	v22 =	vmul.f32 v61, v7;
	v11 =	vadd.f32 v20, v11  }
0x27e: {  	v23 =	vld.idx.msk [tilespmem:v58+s29+$0x0], $0xffff  }
0x27f: {  	v24 =	vmul.f32 v63, v8;
	v11 =	vadd.f32 v22, v11;
	_ =	sdelay $0x1  }
0x280: {  	v25 =	vmul.f32 v21, v9;
	v11 =	vadd.f32 v24, v11;
	_ =	sdelay $0x1  }
0x281: {  	v27 =	vor.u32 $0x1D, v2;
	v26 =	vmul.f32 v23, v10;
	v11 =	vadd.f32 v25, v11;
	_ =	sdelay $0x1  }
0x282: {  	v11 =	vadd.f32 v26, v11;
	_ =	sdelay $0x1  }
0x283: {  	[tilespmem:v58+s31+$0x0] =	vst.idx.msk $0xffff, v11  }
0x284: {  	v11 =	vld.idx.msk [tilespmem:v27+s14+$0x0], $0xffff  }
0x285: {  	v28 =	vld.idx.msk [tilespmem:v27+s16+$0x0], $0xffff;
	_ =	sdelay $0x1  }
0x286: {  	v14 =	vld.idx.msk [tilespmem:v27+s18+$0x0], $0xffff;
	_ =	sdelay $0x1  }
0x287: {  	v29 =	vld.idx.msk [tilespmem:v27+s20+$0x0], $0xffff  }
0x288: {  	v11 =	vmul.f32 v11, v4;
	v12 =	vmul.f32 v28, v5  }
0x289: {  	v30 =	vld.idx.msk [tilespmem:v27+s22+$0x0], $0xffff  }
0x28a: {  	v31 =	vmul.f32 v14, v3;
	v11 =	vadd.f32 v12, v11  }
0x28b: {  	v32 =	vld.idx.msk [tilespmem:v27+s24+$0x0], $0xffff  }
0x28c: {  	v33 =	vmul.f32 v29, v6;
	v11 =	vadd.f32 v31, v11  }
0x28d: {  	v34 =	vld.idx.msk [tilespmem:v27+s26+$0x0], $0xffff  }
0x28e: {  	v35 =	vmul.f32 v30, v7;
	v11 =	vadd.f32 v33, v11  }
0x28f: {  	v36 =	vld.idx.msk [tilespmem:v27+s29+$0x0], $0xffff  }
0x290: {  	v37 =	vmul.f32 v32, v8;
	v11 =	vadd.f32 v35, v11;
	_ =	sdelay $0x1  }
0x291: {  	v38 =	vmul.f32 v34, v9;
	v11 =	vadd.f32 v37, v11;
	_ =	sdelay $0x1  }
0x292: {  	v40 =	vor.u32 $0x1E, v2;
	v39 =	vmul.f32 v36, v10;
	v11 =	vadd.f32 v38, v11;
	_ =	sdelay $0x1  }
0x293: {  	v11 =	vadd.f32 v39, v11;
	_ =	sdelay $0x1  }
0x294: {  	[tilespmem:v27+s31+$0x0] =	vst.idx.msk $0xffff, v11  }
0x295: {  	v11 =	vld.idx.msk [tilespmem:v40+s14+$0x0], $0xffff  }
0x296: {  	v41 =	vld.idx.msk [tilespmem:v40+s16+$0x0], $0xffff;
	_ =	sdelay $0x1  }
0x297: {  	v13 =	vld.idx.msk [tilespmem:v40+s18+$0x0], $0xffff;
	_ =	sdelay $0x1  }
0x298: {  	v42 =	vld.idx.msk [tilespmem:v40+s20+$0x0], $0xffff  }
0x299: {  	v11 =	vmul.f32 v11, v4;
	v12 =	vmul.f32 v41, v5  }
0x29a: {  	v43 =	vld.idx.msk [tilespmem:v40+s22+$0x0], $0xffff  }
0x29b: {  	v44 =	vmul.f32 v13, v3;
	v11 =	vadd.f32 v12, v11  }
0x29c: {  	v45 =	vld.idx.msk [tilespmem:v40+s24+$0x0], $0xffff  }
0x29d: {  	v46 =	vmul.f32 v42, v6;
	v11 =	vadd.f32 v44, v11  }
0x29e: {  	v47 =	vld.idx.msk [tilespmem:v40+s26+$0x0], $0xffff  }
0x29f: {  	v48 =	vmul.f32 v43, v7;
	v11 =	vadd.f32 v46, v11  }
0x2a0: {  	v49 =	vld.idx.msk [tilespmem:v40+s29+$0x0], $0xffff  }
0x2a1: {  	v50 =	vmul.f32 v45, v8;
	v11 =	vadd.f32 v48, v11;
	_ =	sdelay $0x1  }
0x2a2: {  	v51 =	vmul.f32 v47, v9;
	v11 =	vadd.f32 v50, v11;
	_ =	sdelay $0x1  }
0x2a3: {  	v2 =	vor.u32 $0x1F, v2;
	v52 =	vmul.f32 v49, v10;
	v11 =	vadd.f32 v51, v11;
	_ =	sdelay $0x1  }
0x2a4: {  	v11 =	vadd.f32 v52, v11;
	_ =	sdelay $0x1  }
0x2a5: {  	[tilespmem:v40+s31+$0x0] =	vst.idx.msk $0xffff, v11  }
0x2a6: {  	v11 =	vld.idx.msk [tilespmem:v2+s14+$0x0], $0xffff  }
0x2a7: {  	v53 =	vld.idx.msk [tilespmem:v2+s16+$0x0], $0xffff;
	_ =	sdelay $0x1  }
0x2a8: {  	v54 =	vld.idx.msk [tilespmem:v2+s18+$0x0], $0xffff;
	_ =	sdelay $0x1  }
0x2a9: {  	v14 =	vld.idx.msk [tilespmem:v2+s20+$0x0], $0xffff  }
0x2aa: {  	v4 =	vmul.f32 v11, v4;
	v5 =	vmul.f32 v53, v5  }
0x2ab: {  	v55 =	vld.idx.msk [tilespmem:v2+s22+$0x0], $0xffff  }
0x2ac: {  	v3 =	vmul.f32 v54, v3;
	v4 =	vadd.f32 v5, v4  }
0x2ad: {  	v56 =	vld.idx.msk [tilespmem:v2+s24+$0x0], $0xffff  }
0x2ae: {  	v57 =	vmul.f32 v14, v6;
	v3 =	vadd.f32 v3, v4  }
0x2af: {  	v58 =	vld.idx.msk [tilespmem:v2+s26+$0x0], $0xffff  }
0x2b0: {  	v59 =	vmul.f32 v55, v7;
	v3 =	vadd.f32 v57, v3  }
0x2b1: {  	v60 =	vld.idx.msk [tilespmem:v2+s29+$0x0], $0xffff  }
0x2b2: {  	v61 =	vmul.f32 v56, v8;
	v3 =	vadd.f32 v59, v3;
	_ =	sdelay $0x1  }
0x2b3: {  	v62 =	vmul.f32 v58, v9;
	v3 =	vadd.f32 v61, v3  }
0x2b4: {  	p0 =	sne.s32 s0, $0x70  }
.Ltmp1:
0x2b5: {  	v63 =	vmul.f32 v60, v10;
	v3 =	vadd.f32 v62, v3;
	(pc) =	sbr.rel @p0 .LBB2_5-.Ltmp1, $4  }
0x2b6: {  	_ = 	snop  }
0x2b7: {  	v3 =	vadd.f32 v63, v3  }
0x2b8: {  	s1 =	sadd.s32 $0x10, s1  }
0x2b9: {  	s2 =	sadd.s32 $0x10, s2;
	s12 =	sadd.s32 $0x10, s12;
	s0 =	sadd.s32 $0x10, s0;
	[tilespmem:v2+s31+$0x0] =	vst.idx.msk $0xffff, v3  }
0x2ba: {  	s4 =	sadd.s32 $0x1, s4  }
0x2bb: {  	s0 =	sshll.u32 s9, $0x2;
	s1 =	rddreg [dreg:$0x1];
	p0 =	sne.s32 s4, $0x100  }
.Ltmp2:
0x2bc: {  	s12 =	simm.s32 $0x0;
	s0 =	sadd.s32 s1, s0;
	(pc) =	sbr.rel @p0 .LBB2_2-.Ltmp2, $4  }
0x2bd: {  	[hbm4b:s0+s12] =	stream.linear.scatter [tilespmem:s31], [sflag:$0x2], $0x1000, $0x38;
	[tilespmem:$0x9700] =	vst v63  }
0x2be: {  	_ =	swait.ge [sflag:s10], $0x1000  }
0x2bf: {  	[sflag:s10] =	ssyncset.done $0x0  }
0x2c0: {  	[sflag:s10] =	ssyncadd.s32 $0xFFFFF000  }
0x2c1: {  	s1 =	rddreg [dreg:$0x4]  }
0x2c2: {  	s0 =	rddreg [dreg:$0x3];
	s1 =	sadd.s32 $0x1, s1  }
0x2c3: {  	p0 =	sne.s32 s1, s0  }
.Ltmp3:
0x2c4: {  	_ = 	snop;
	(pc) =	sbr.rel @p0 .LBB2_1-.Ltmp3, $1  }
0x2c5: {  	_ =	sdelay $0x3  }
0x2c6: {  	_ =	sfence.sel $0x180000  }
0x2c7: {  	[bflag:$0x0] =	sbarrier.arrive $0xFFFF  }
0x2c8: {  	_ =	strace $0x90000047  }
0x2c9: {  	s0 =	stileid.u32;
	[bflag:$0x2] =	sbarrier.arrive $0xFFFF  }
0x2ca: {  	p0 =	sne.s32 s0, $0x0;
	s0 =	rddreg [dreg:$0x2]  }
0x2cb: {  	s0 =	sadd.s32 @!p0 $0x100000, s0  }
0x2cc: {  	[sflag:s0] =	ssyncadd.tile.s32 @!p0 $0x1;
	_ =	shalt  }
.Lfunc_end2:
_tile_overlayer_lowered:
.L_overlay_start_2:
0x2cd: {  	(tag) =	ssettag $0x2  }
0x2ce: {  	s0 =	rddreg [dreg:$0x0];
	s2 =	stileid.u32  }
0x2cf: {  	s1 =	rddreg [dreg:$0x1];
	p0 =	sne.s32 s2, $0x0  }
0x2d0: {  	s3 =	rddreg [dreg:$0x2];
	[bflag:$0x3] =	sbarrier.arrive $0xFFFF;
	s2 =	simm.s32 @!p0 $0x1C02  }
0x2d1: {  	[timem:s3], [sflag:s2] =	dma.local @!p0 [hbm:s0], s1  }
0x2d2: {  	s0 =	simm.s32 @!p0 $0x2  }
0x2d3: {  	_ =	swait.ge @!p0 [sflag:s0], s1  }
0x2d4: {  	s1 =	ssub.s32 @!p0 $0x0, s1;
	[sflag:s0] =	ssyncset.done @!p0 $0x0  }
0x2d5: {  	[sflag:s0] =	ssyncadd.s32 @!p0 s1  }
0x2d6: {  	[bflag:$0x3] =	sbarrier.arrive $0xFFFF  }
0x2d7: {  	_ =	shalt  }

// kernel: sparse-core-data-format-call.cloned.1.call-start
scs
called_computation_lowered:
.L_overlay_start_0:
0x0: {  	s2 =	sld [smem:$0x3FD9]  }
0x1: {  	s3 =	sld [smem:$0x3FFE];
	_ =	sdelay $0x1  }
0x2: {  	s1 =	srdreg.scid  }
0x3: {  	s0 =	sand.u32 $0x1, s1  }
0x4: {  	s18 =	sshll.u32 s0, $0xA;
	s2 =	sadd.s32 s3, s2  }
0x5: {  	s2 =	sadd.s32 s2, s18  }
0x6: {  	[smem:$0x3FC6] =	sst s2  }
0x7: {  	_ = 	snop  }
0x8: {  	s2 =	sld [smem:$0x3FD0];
	(tm) =	ssettm $0x1  }
0x9: {  	s19 =	sld [smem:$0x3FFB];
	_ =	sdelay $0x3  }
0xa: {  	_ =	strace s19  }
0xb: {  	s3 =	sld [smem:$0x3FFC];
	_ =	sdelay $0x3  }
0xc: {  	_ =	strace s3  }
0xd: {  	s3 =	sld [smem:$0x3FFD];
	_ =	sdelay $0x3  }
0xe: {  	_ =	strace s3  }
0xf: {  	_ =	strace $0x8FFFFFFF  }
0x10: {  	s20 =	sld [smem:$0x3FDB];
	_ =	sdelay $0x1  }
0x11: {  	s4 =	simm.s32 $_scs_section_size  }
0x12: {  	s5 =	simm.s32 $_size__tile_overlayer_lowered;
	s6 =	simm.s32 $_tile_overlayer_lowered  }
0x13: {  	s23 =	simm.s32 $0x1BFF;
	s22 =	sshll.u32 s6, $0x1;
	s3 =	sadd.s32 s4, s20  }
0x14: {  	s7 =	simm.s32 $0x0;
	s21 =	sshll.u32 s5, $0x1;
	s5 =	sadd.s32 s22, s3  }
0x15: {  	[timem:s7], [sflag:s23] =	dma.local [hbm:s5], s21  }
0x16: {  	_ =	swait.ge [sflag:s23], s21  }
0x17: {  	s4 =	ssub.s32 $0x0, s21;
	[sflag:s23] =	ssyncset.done $0x0  }
0x18: {  	[sflag:s23] =	ssyncadd.s32 s4;
	_ =	sdelay $0x1  }
0x19: {  	s24 =	simm.s32 $0x1B8B  }
0x1a: {  	_ =	swait.ge [sflag:s24], $0x1  }
0x1b: {  	[sflag:s24] =	ssyncset.done $0x0  }
0x1c: {  	s26 =	simm.s32 $0x1B8E;
	s25 =	sld [smem:$0x3FFE];
	[sflag:s24] =	ssyncadd.s32 $0xFFFFFFFF  }
0x1d: {  	s27 =	simm.s32 $execute0_lowered;
	[smem:$0x3FD2] =	sst s26  }
0x1e: {  	s5 =	sshll.u32 s27, $0x1;
	_ =	strace $0x80000049;
	[dreg:$0x1] =	wrdreg $0xFFFFFFFF  }
0x1f: {  	s28 =	simm.s32 $_size_execute0_lowered;
	s3 =	sadd.s32 s3, s5;
	[dreg:$0x0] =	wrdreg $0x0  }
0x20: {  	s5 =	sshll.u32 s28, $0x1;
	[dreg:$0x2] =	wrdreg s3  }
0x21: {  	[dreg:$0x3] =	wrdreg s5  }
0x22: {  	[dreg:$0x4] =	wrdreg $0xC0  }
0x23: {  	_ =	task [dreg:s7], $0x5FFFF  }
0x24: {  	[dreg:$0x1] =	wrdreg $0xFFFFFFFF  }
0x25: {  	[dreg:$0x0] =	wrdreg $0x60  }
0x26: {  	[dreg:$0x2] =	wrdreg s25  }
0x27: {  	[dreg:$0x3] =	wrdreg s2  }
0x28: {  	[dreg:$0x4] =	wrdreg $0x9  }
0x29: {  	_ =	task.clear_ibuf [dreg:s7], $0x5FFFF;
	_ =	strace $0x90000049  }
0x2a: {  	s29 =	simm.s32 $0x9;
	_ =	strace $0x8000004B  }
0x2b: {  	_ =	swait.ge [sflag:s29], $0x1  }
0x2c: {  	[sflag:s29] =	ssyncadd.s32 $0xFFFFFFFF  }
0x2d: {  	_ =	strace $0x9000004B  }
0x2e: {  	_ =	sfence  }
0x2f: {  	s30 =	sld [smem:$0x0];
	_ =	sdelay $0x2  }
0x30: {  	s31 =	sshll.u32 s1, $0xD;
	s1 =	sshrl.u32 s1, $0x2  }
0x31: {  	s3 =	sand.u32 $0x4000, s31;
	s1 =	sadd.s32 s1, s30  }
0x32: {  	s0 =	sor.u32 s3, s0;
	s1 =	sshll.u32 s1, $0x11  }
0x33: {  	s0 =	sor.u32 s1, s0  }
0x34: {  	s0 =	sadd.s32 $0x8F2B, s0  }
0x35: {  	[sflag:s0] =	ssyncadd.remote.s32 $0x1  }
0x36: {  	_ =	sfence.sel $0xFFFF  }
0x37: {  	[dreg:$0x0] =	wrdreg $0xFFFFFFFF;
	(pc) =	sbr.abs _section_cstart, $3  }
0x38: {  	[dreg:$0x1] =	wrdreg $0xFFFFFFFF  }
0x39: {  	_ =	task.clear_ibuf [dreg:s7], $0x2FFFF;
	_ =	strace $0x9FFFFFFF  }
0x3a: {  	(tm) =	ssettm $0x7FFFFFFF  }
0x3b: {  	_ =	shalt  }
tec
execute0_lowered:
.L_overlay_start_1:
0x0: {  	(tag) =	ssettag $0x1  }
0x1: {  	s0 =	srdreg.scid  }
0x2: {  	s1 =	sshll.u32 s0, $0x4  }
0x3: {  	s4 =	rddreg [dreg:$0x0];
	s0 =	stileid.u32;
	s1 =	sand.u32 $0x10, s1  }
0x4: {  	s2 =	rddreg [dreg:$0x1];
	s7 =	simm.s32 $0x1;
	s1 =	sor.u32 s0, s1  }
0x5: {  	s8 =	simm.s32 $0x2;
	s11 =	simm.s32 $0x0;
	s3 =	sshll.u32 s1, $0x7  }
0x6: {  	s10 =	simm.s32 $0x0;
	s4 =	sadd.s32 $0xA00, s4;
	s6 =	ssub.s32 $0x100000, s3  }
.Ltmp0:
0x7: {  	s1 =	rddreg [dreg:$0x2];
	s5 =	sand.u32 $0xF80, s6;
	(pc) =	sbr.rel .LBB1_1-.Ltmp0, $4  }
0x8: {  	_ =	strace $0x8000004A;
	s9 =	smov.u32 s3;
	p0 =	sne.s32 s5, $0x0  }
0x9: {  	s6 =	sshrl.u32 s6, $0xC;
	s5 =	simm.s32 $0x1;
	s7 =	simm.s32 @!p0 $0x0  }
0xa: {  	[sflag:s5] =	ssyncpa.u1 $0x0;
	p0 =	por $0x0, $0x0;
	s6 =	sadd.s32 s7, s6  }
0xb: {  	[sflag:s8] =	ssyncpa.u1 $0x0;
	s8 =	simm.s32 $0x800000;
	s7 =	sadd.s32 $0x1, s6  }
.LBB1_4:
0xc: {  	s13 =	sshll.u32 s11, $0x3  }
0xd: {  	s15 =	sand.u32 $0x78, s11;
	s13 =	sand.u32 $0xFFC00, s13  }
0xe: {  	s30 =	sand.u32 $0x3E0000, s11;
	s31 =	sand.u32 $0x7, s11;
	s13 =	sor.u32 s15, s13  }
0xf: {  	s11 =	sshll.u32 s31, $0x12;
	s15 =	sadd.s32 s2, s30;
	s13 =	sshrl.u32 s13, $0x3  }
0x10: {  	[tilespmem:s14+$0x0 ss:$0x81] =	vst.msk $0xffff, v0;
	s11 =	sor.u32 $0x400, s11;
	s13 =	sadd.s32 s13, s15  }
0x11: {  	[hbm4b:s13+s11] =	stream.strided.scatter [tilespmem:s12], [sflag:$0x2], $0x1000, s8, s11, $0x20;
	[tilespmem:$0x4040] =	vst v63  }
.LBB1_5:
0x12: {  	s13 =	sadd.s32 $0x1000, s9  }
0x13: {  	p2 =	sgt.s32 s13, $0xFFFFF  }
0x14: {  	s13 =	smov.u32 @p2 s3;
	p2 =	sne.s32 s10, s7  }
.Ltmp1:
0x15: {  	p1 =	slt.u32 s10, $0x2;
	(pc) =	sbr.rel @!p2 .LBB1_6-.Ltmp1, $4  }
0x16: {  	s12 =	simm.s32 @!p1 $0x2  }
0x17: {  	s14 =	sadd.s32 $0x1, s10;
	_ =	swait.ge @!p1 [sflag:s12], $0x1000  }
0x18: {  	s11 =	smov.u32 s9;
	p0 =	por !p0, !p0;
	[sflag:s12] =	ssyncset.done @!p1 $0x0  }
0x19: {  	s10 =	smov.u32 s14;
	s9 =	smov.u32 s13;
	[sflag:s12] =	ssyncadd.s32 @!p1 $0xFFFFF000  }
.LBB1_1:
0x1a: {  	p1 =	sge.u32 s10, s6  }
0x1b: {  	s31 =	sadd.s32 $0xFFFFFFFF, s10;
	s12 =	sxor.u32 @!p1 $0xFFFFFFFF, s10;
	s13 =	sshll.u32 @!p1 s9, $0x4  }
0x1c: {  	s14 =	simm.s32 @!p1 $0x20;
	s12 =	sshll.u32 @!p1 s12, $0xC;
	s13 =	sand.u32 @!p1 $0xFFFFF0, s13  }
0x1d: {  	s15 =	simm.s32 @!p1 $0x80;
	s12 =	sand.u32 @!p1 $0x1000, s12;
	s13 =	sadd.s32 @!p1 s4, s13  }
0x1e: {  	[tilespmem:s12], [sflag:$0x1] =	stream.strided.gather @!p1 [hbm4b:s13+s14], $0x1000, s15, s14, $0x38;
	[tilespmem:$0x4040] =	vst v63  }
0x1f: {  	p1 =	sge.u32 s31, s6  }
.Ltmp2:
0x20: {  	_ = 	snop;
	(pc) =	sbr.rel @p1 .LBB1_5-.Ltmp2, $1  }
0x21: {  	_ =	sdelay $0x3  }
0x22: {  	s12 =	simm.s32 $0x1  }
0x23: {  	_ =	swait.ge [sflag:s5], $0x1000;
	s12 =	simm.s32 @!p0 $0x0  }
0x24: {  	[sflag:s5] =	ssyncset.done $0x0;
	s13 =	sshll.u32 s12, $0xC  }
0x25: {  	[sflag:s5] =	ssyncadd.s32 $0xFFFFF000;
	s16 =	sor.u32 $0x10, s13  }
0x26: {  	s12 =	smul.u32 $0x4080, s12;
	v1 =	vld [tilespmem:s16+$0x0]  }
0x27: {  	s30 =	sand.u32 $0x1, s10;
	v0 =	vld [tilespmem:s16+$0xFFFFFFF0]  }
0x28: {  	s14 =	smul.u32 $0x4080, s30;
	s12 =	sshrl.u32 s12, $0x2  }
0x29: {  	s13 =	sor.u32 $0x2000, s12  }
0x2a: {  	s31 =	sshrl.u32 s14, $0x2;
	s14 =	sadd.s32 $0x0, s13  }
0x2b: {  	s15 =	simm.s32 $0x4;
	s16 =	sadd.s32 $0x20, s16;
	s12 =	sor.u32 $0x2000, s31;
	[tilespmem:s14+$0x810 ss:$0x81] =	vst.msk $0xffff, v1  }
.LBB1_3:
0x2c: {  	v1 =	vld [tilespmem:s16+$0x0];
	p1 =	sne.s32 s15, $0x1FC;
	[tilespmem:s14+$0x0 ss:$0x81] =	vst.msk $0xffff, v0;
	s14 =	smov.u32 s15;
	s15 =	sadd.s32 $0x4, s15  }
.Ltmp3:
0x2d: {  	v0 =	vld [tilespmem:s16+$0xFFFFFFF0];
	(pc) =	sbr.rel @p1 .LBB1_3-.Ltmp3, $4  }
0x2e: {  	_ = 	snop  }
0x2f: {  	s14 =	sshra.s32 s14, $0x2  }
0x30: {  	s14 =	sadd.s32 s14, s13  }
0x31: {  	s16 =	sadd.s32 $0x20, s16;
	[tilespmem:s14+$0x810 ss:$0x81] =	vst.msk $0xffff, v1  }
.Ltmp4:
0x32: {  	_ = 	snop;
	(pc) =	sbr.rel .LBB1_4-.Ltmp4, $1  }
0x33: {  	_ =	sdelay $0x3  }
.LBB1_6:
0x34: {  	_ =	sfence.sel $0x180000  }
0x35: {  	s2 =	simm.s32 $0x1;
	[bflag:$0x0] =	sbarrier.arrive $0xFFFF  }
0x36: {  	s31 =	simm.s32 $0x2;
	[sflag:s2] =	ssyncpa.u1 $0x1  }
0x37: {  	[sflag:s31] =	ssyncpa.u1 $0x1  }
0x38: {  	p0 =	sne.s32 s0, $0x0;
	_ =	strace $0x9000004A  }
0x39: {  	s0 =	sadd.s32 @!p0 $0x100000, s1;
	[bflag:$0x2] =	sbarrier.arrive $0xFFFF  }
0x3a: {  	[sflag:s0] =	ssyncadd.tile.s32 @!p0 $0x1;
	_ =	shalt  }
.Lfunc_end1:
_tile_overlayer_lowered:
.L_overlay_start_2:
0x3b: {  	(tag) =	ssettag $0x2  }
0x3c: {  	s0 =	rddreg [dreg:$0x0];
	s2 =	stileid.u32  }
0x3d: {  	s1 =	rddreg [dreg:$0x1];
	p0 =	sne.s32 s2, $0x0  }
0x3e: {  	s3 =	rddreg [dreg:$0x2];
	[bflag:$0x3] =	sbarrier.arrive $0xFFFF;
	s2 =	simm.s32 @!p0 $0x1C01  }
0x3f: {  	[timem:s3], [sflag:s2] =	dma.local @!p0 [hbm:s0], s1  }
0x40: {  	s0 =	simm.s32 @!p0 $0x1  }
0x41: {  	_ =	swait.ge @!p0 [sflag:s0], s1  }
0x42: {  	s1 =	ssub.s32 @!p0 $0x0, s1;
	[sflag:s0] =	ssyncset.done @!p0 $0x0  }
0x43: {  	[sflag:s0] =	ssyncadd.s32 @!p0 s1  }
0x44: {  	[bflag:$0x3] =	sbarrier.arrive $0xFFFF  }
0x45: {  	_ =	shalt  }

</sc_bundles>
